<compile_context>
chip_gen: v7x
topology: tpu7x:2x2x1
jax: 0.10.2.dev20260603
libtpu: 0.0.44.dev20260713+nightly
codegen_flags: <defaults>
</compile_context>

<pallas_src>
import functools

import jax
import jax.numpy as jnp
from jax import lax
from jax.experimental import pallas as pl
from jax.experimental.pallas import tpu as pltpu
from jax.experimental.pallas import tpu_sc as plsc

N = 10000
E = 320000
D = 128
H = 128

NC = 2
NS = 16
NW = NC * NS
CH = 64
EPW = 10240
EPAD = NW * EPW
NCHUNK = EPW // CH
NPAIR = NCHUNK // 2
NPAD = 10240
DUMMY_COL = 10232
ROWS_PER_TILE = NPAD // NS


def _pre_body(x_ref, wsrc_ref, wdst_ref, b_ref, psrc_ref, pdst_ref):
    x = x_ref[...]
    dn = (((1,), (1,)), ((), ()))
    psrc_ref[...] = lax.dot_general(x, wsrc_ref[...], dn,
                                    preferred_element_type=jnp.float32)
    pdst_ref[...] = lax.dot_general(x, wdst_ref[...], dn,
                                    preferred_element_type=jnp.float32) + b_ref[...]


def _precompute(x, wsrc, wdst, b_msg):
    grid = (10,)
    bn = N // 10
    return pl.pallas_call(
        _pre_body,
        grid=grid,
        in_specs=[
            pl.BlockSpec((bn, D), lambda i: (i, 0)),
            pl.BlockSpec((H, D), lambda i: (0, 0)),
            pl.BlockSpec((H, D), lambda i: (0, 0)),
            pl.BlockSpec((1, H), lambda i: (0, 0)),
        ],
        out_specs=[
            pl.BlockSpec((bn, H), lambda i: (i, 0)),
            pl.BlockSpec((bn, H), lambda i: (i, 0)),
        ],
        out_shape=[
            jax.ShapeDtypeStruct((N, H), jnp.float32),
            jax.ShapeDtypeStruct((N, H), jnp.float32),
        ],
    )(x, wsrc, wdst, b_msg.reshape(1, H))


_BCAST_DN = lax.GatherDimensionNumbers(
    offset_dims=(), collapsed_slice_dims=(0,), start_index_map=(0,))


def _lane_bcast(v, lane):
    idx = jnp.full((16, 1), lane, jnp.int32)
    return lax.gather(v, idx, _BCAST_DN, (1,),
                      mode=lax.GatherScatterMode.PROMISE_IN_BOUNDS)


def _sc_edge_kernel(psrc_hbm, pdst_hbm, pos_hbm, row_hbm, col_hbm, wd_hbm,
                    zeros_hbm, out_hbm, wd_v, aggr_sh, *refs):
    bufs = (refs[0:6], refs[6:12])
    msg_v = refs[12]
    sems = (refs[13:17], refs[17:21])
    c = lax.axis_index("c")
    s = lax.axis_index("s")
    wid = s * NC + c
    stripe = pl.multiple_of(s * ROWS_PER_TILE, 8)

    pltpu.sync_copy(zeros_hbm.at[pl.ds(stripe, ROWS_PER_TILE)],
                    aggr_sh.at[pl.ds(stripe, ROWS_PER_TILE)])
    pltpu.sync_copy(wd_hbm, wd_v)
    plsc.subcore_barrier()

    wk = tuple(wd_v[pl.ds(k * 16, 16)] for k in range(H // 16))

    def fire(b, ch):
        row_v, col_v, src_v, dst_v, posi_v, posj_v = bufs[b]
        base = pl.multiple_of(wid * EPW + ch * CH, 8)
        pltpu.sync_copy(row_hbm.at[pl.ds(base, CH)], row_v)
        pltpu.sync_copy(col_hbm.at[pl.ds(base, CH)], col_v)
        pltpu.async_copy(psrc_hbm.at[row_v], src_v, sems[b][0])
        pltpu.async_copy(pdst_hbm.at[col_v], dst_v, sems[b][1])
        pltpu.async_copy(pos_hbm.at[row_v], posi_v, sems[b][2])
        pltpu.async_copy(pos_hbm.at[col_v], posj_v, sems[b][3])

    def process(b):
        row_v, col_v, src_v, dst_v, posi_v, posj_v = bufs[b]
        pltpu.make_async_copy(psrc_hbm.at[row_v], src_v, sems[b][0]).wait()
        pltpu.make_async_copy(pdst_hbm.at[col_v], dst_v, sems[b][1]).wait()
        pltpu.make_async_copy(pos_hbm.at[row_v], posi_v, sems[b][2]).wait()
        pltpu.make_async_copy(pos_hbm.at[col_v], posj_v, sems[b][3]).wait()

        def edge_body(e, ecarry):
            dv = posi_v[e] - posj_v[e]
            dv2 = dv * dv
            distv = (_lane_bcast(dv2, 0) + _lane_bcast(dv2, 1)
                     + _lane_bcast(dv2, 2))
            svals = [src_v[e, pl.ds(k * 16, 16)] for k in range(H // 16)]
            dvals = [dst_v[e, pl.ds(k * 16, 16)] for k in range(H // 16)]
            ms = [jnp.maximum(svals[k] + dvals[k] + distv * wk[k], 0.0)
                  for k in range(H // 16)]
            for k in range(H // 16):
                msg_v[e, pl.ds(k * 16, 16)] = ms[k]
            return ecarry

        lax.fori_loop(0, CH, edge_body, 0, unroll=4)
        pltpu.sync_copy(msg_v, aggr_sh.at[col_v], add=True)

    fire(0, 0)

    def pair_body(p, carry):
        fire(1, 2 * p + 1)
        process(0)

        @pl.when(p < NPAIR - 1)
        def _():
            fire(0, 2 * p + 2)

        process(1)
        return carry

    lax.fori_loop(0, NPAIR, pair_body, 0)
    plsc.subcore_barrier()
    pltpu.sync_copy(aggr_sh.at[pl.ds(stripe, ROWS_PER_TILE)],
                    out_hbm.at[c, pl.ds(stripe, ROWS_PER_TILE)])


def _sc_aggregate(psrc, pdst, pos_pad, row, col, w_d, zeros):
    mesh = plsc.VectorSubcoreMesh(core_axis_name="c", subcore_axis_name="s")
    fn = pl.kernel(
        _sc_edge_kernel, mesh=mesh,
        out_type=jax.ShapeDtypeStruct((NC, NPAD, H), jnp.float32),
        scratch_types=[
            pltpu.VMEM((H,), jnp.float32),
            pltpu.VMEM_SHARED((NPAD, H), jnp.float32),
        ] + [
            t for _ in range(2) for t in (
                pltpu.VMEM((CH,), jnp.int32),
                pltpu.VMEM((CH,), jnp.int32),
                pltpu.VMEM((CH, H), jnp.float32),
                pltpu.VMEM((CH, H), jnp.float32),
                pltpu.VMEM((CH, 16), jnp.float32),
                pltpu.VMEM((CH, 16), jnp.float32),
            )
        ] + [
            pltpu.VMEM((CH, H), jnp.float32),
        ] + [pltpu.SemaphoreType.DMA] * 8,
        compiler_params=pltpu.CompilerParams(use_tc_tiling_on_sc=False),
    )
    return fn(psrc, pdst, pos_pad, row, col, w_d, zeros)


def _post_body(x_ref, a0_ref, a1_ref, wres_ref, w1_ref, w2_ref, b_ref, o_ref):
    x = x_ref[...]
    a = a0_ref[...] + a1_ref[...]
    dn = (((1,), (1,)), ((), ()))
    h = (lax.dot_general(x, w1_ref[...], dn, preferred_element_type=jnp.float32)
         + lax.dot_general(a, w2_ref[...], dn, preferred_element_type=jnp.float32)
         + b_ref[...])
    o_ref[...] = (lax.dot_general(x, wres_ref[...], dn,
                                  preferred_element_type=jnp.float32)
                  + jnp.maximum(h, 0.0))


def _update(x, a0, a1, wres, w1, w2, b_upd):
    grid = (10,)
    bn = N // 10
    return pl.pallas_call(
        _post_body,
        grid=grid,
        in_specs=[
            pl.BlockSpec((bn, D), lambda i: (i, 0)),
            pl.BlockSpec((bn, H), lambda i: (i, 0)),
            pl.BlockSpec((bn, H), lambda i: (i, 0)),
            pl.BlockSpec((H, D), lambda i: (0, 0)),
            pl.BlockSpec((H, D), lambda i: (0, 0)),
            pl.BlockSpec((H, H), lambda i: (0, 0)),
            pl.BlockSpec((1, H), lambda i: (0, 0)),
        ],
        out_specs=pl.BlockSpec((bn, H), lambda i: (i, 0)),
        out_shape=jax.ShapeDtypeStruct((N, H), jnp.float32),
    )(x, a0, a1, wres, w1, w2, b_upd.reshape(1, H))


def kernel(node_embed, node_pos, edge_index, W_res, W_msg, b_msg, W_upd, b_upd):
    row = edge_index[0]
    col = edge_index[1]
    wsrc = W_msg[:, :D]
    wdst = W_msg[:, D:2 * D]
    w_d = W_msg[:, 2 * D]
    w1 = W_upd[:, :D]
    w2 = W_upd[:, D:]
    pos_pad = jnp.pad(node_pos, ((0, 0), (0, 13)))
    zeros = jnp.zeros((NPAD, H), jnp.float32)
    npad_e = EPAD - E
    row_pad = jnp.concatenate([row, jnp.zeros((npad_e,), row.dtype)])
    col_pad = jnp.concatenate([col, jnp.full((npad_e,), DUMMY_COL, col.dtype)])

    psrc, pdst = _precompute(node_embed, wsrc, wdst, b_msg)
    partials = _sc_aggregate(psrc, pdst, pos_pad, row_pad, col_pad, w_d, zeros)
    return _update(node_embed, partials[0], partials[1], W_res, w1, w2, b_upd)

# --- scband reference (transcript-rebuilt; emitter-appended) ---
"""Pipeline reference for scband-equivariant-mplayer-66348654788629 (READ-ONLY COPY).

The authoritative reference and input builder live on the scoring server;
editing this copy changes nothing except your own understanding.
"""

import jax, jax.numpy as jnp
import numpy as np

N = 10000
E = 320000
D = 128
H = 128

def setup_inputs(seed: int = 0) -> dict:
    key = jax.random.key(seed)
    ks = jax.random.split(key, 8)
    node_embed = jax.random.normal(ks[0], (N, D), dtype=jnp.float32)
    node_pos = jax.random.normal(ks[1], (N, 3), dtype=jnp.float32)
    edge_index = jax.random.randint(ks[2], (2, E), 0, N, dtype=jnp.int32)
    W_res = jax.random.normal(ks[3], (H, D), dtype=jnp.float32) * 0.05
    W_msg = jax.random.normal(ks[4], (H, 2 * D + 1), dtype=jnp.float32) * 0.05
    b_msg = jnp.zeros((H,), dtype=jnp.float32)
    W_upd = jax.random.normal(ks[5], (H, D + H), dtype=jnp.float32) * 0.05
    b_upd = jnp.zeros((H,), dtype=jnp.float32)
    return {"node_embed": node_embed, "node_pos": node_pos, "edge_index": edge_index,
            "W_res": W_res, "W_msg": W_msg, "b_msg": b_msg, "W_upd": W_upd, "b_upd": b_upd}

def reference(node_embed, node_pos, edge_index, W_res, W_msg, b_msg, W_upd, b_upd):
    row = edge_index[0]
    col = edge_index[1]
    # compute_distances
    xi = node_pos[row]
    xj = node_pos[col]
    dist = jnp.sum((xi - xj) ** 2, axis=1, keepdims=True)
    # node_message_function: cat(source, target, dist) -> Linear -> act
    msg_in = jnp.concatenate([node_embed[row], node_embed[col], dist], axis=-1)
    node_messages = jax.nn.relu(msg_in @ W_msg.T + b_msg)
    # scatter sum over destination nodes (col)
    aggr = jax.ops.segment_sum(node_messages, col, num_segments=node_embed.shape[0])
    # node update: residual_proj(node_embed) + node_update_mlp(cat(node_embed, aggr))
    upd_in = jnp.concatenate([node_embed, aggr], axis=-1)
    new_node_embed = node_embed @ W_res.T + jax.nn.relu(upd_in @ W_upd.T + b_upd)
    return new_node_embed

if __name__ == "__main__":
    import jax
    _d = setup_inputs()
    print(jax.jit(kernel)(*tuple(_d.values())))

</pallas_src>

<mosaic_0001>
#map = affine_map<(d0, d1) -> (0, 0)>
#map1 = affine_map<(d0, d1) -> (0)>
#map2 = affine_map<(d0, d1) -> (0, 0, 0)>
module attributes {stable_mosaic.version = 14 : i64} {
  func.func @_sc_edge_kernel(%arg0: i32, %arg1: i32, %arg2: memref<10000x128xf32, #tpu.memory_space<hbm>>, %arg3: memref<10000x128xf32, #tpu.memory_space<hbm>>, %arg4: memref<10000x16xf32, #tpu.memory_space<hbm>>, %arg5: memref<327680xi32, #tpu.memory_space<hbm>>, %arg6: memref<327680xi32, #tpu.memory_space<hbm>>, %arg7: memref<128xf32, #tpu.memory_space<hbm>>, %arg8: memref<10240x128xf32, #tpu.memory_space<hbm>>, %arg9: memref<2x10240x128xf32, #tpu.memory_space<hbm>>, %arg10: memref<128xf32, #tpu.memory_space<vmem>>, %arg11: memref<10240x128xf32, #tpu.memory_space<vmem_shared>>, %arg12: memref<64xi32, #tpu.memory_space<vmem>>, %arg13: memref<64xi32, #tpu.memory_space<vmem>>, %arg14: memref<64x128xf32, #tpu.memory_space<vmem>>, %arg15: memref<64x128xf32, #tpu.memory_space<vmem>>, %arg16: memref<64x16xf32, #tpu.memory_space<vmem>>, %arg17: memref<64x16xf32, #tpu.memory_space<vmem>>, %arg18: memref<64xi32, #tpu.memory_space<vmem>>, %arg19: memref<64xi32, #tpu.memory_space<vmem>>, %arg20: memref<64x128xf32, #tpu.memory_space<vmem>>, %arg21: memref<64x128xf32, #tpu.memory_space<vmem>>, %arg22: memref<64x16xf32, #tpu.memory_space<vmem>>, %arg23: memref<64x16xf32, #tpu.memory_space<vmem>>, %arg24: memref<64x128xf32, #tpu.memory_space<vmem>>, %arg25: memref<!tpu.dma_semaphore, #tpu.memory_space<semaphore_mem>>, %arg26: memref<!tpu.dma_semaphore, #tpu.memory_space<semaphore_mem>>, %arg27: memref<!tpu.dma_semaphore, #tpu.memory_space<semaphore_mem>>, %arg28: memref<!tpu.dma_semaphore, #tpu.memory_space<semaphore_mem>>, %arg29: memref<!tpu.dma_semaphore, #tpu.memory_space<semaphore_mem>>, %arg30: memref<!tpu.dma_semaphore, #tpu.memory_space<semaphore_mem>>, %arg31: memref<!tpu.dma_semaphore, #tpu.memory_space<semaphore_mem>>, %arg32: memref<!tpu.dma_semaphore, #tpu.memory_space<semaphore_mem>>) attributes {dimension_semantics = [#tpu.dimension_semantics<core_parallel>, #tpu.dimension_semantics<subcore_parallel>], iteration_bounds = array<i64: 2, 16>, scalar_prefetch = 0 : i64, scratch_operands = 23 : i64, tpu.core_type = #tpu.core_type<sc_vector_subcore>, window_params = [{transform_indices = #map}, {transform_indices = #map}, {transform_indices = #map}, {transform_indices = #map1}, {transform_indices = #map1}, {transform_indices = #map1}, {transform_indices = #map}, {transform_indices = #map2}]} {
    %mul3A = arith.constant 2 : i32
    %mul3A_0 = arith.muli %arg1, %mul3A : i32
    %add3A = arith.addi %mul3A_0, %arg0 : i32
    %mul3A_1 = arith.constant 640 : i32
    %mul3A_2 = arith.muli %arg1, %mul3A_1 : i32
    %multiple_of3A = tpu.assume_multiple %mul3A_2, 8 : i32
    "tpu.region"() ({
      %run_scoped3A = tpu.sem_alloc : memref<!tpu.dma_semaphore, #tpu.memory_space<semaphore_mem>>
      %dma_start3A_48 = arith.constant 0 : i32
      %dma_start3A_49 = tpu.memref_slice %arg11[%multiple_of3A, %dma_start3A_48] : memref<10240x128xf32, #tpu.memory_space<vmem_shared>> -> memref<640x128xf32, #tpu.memory_space<vmem_shared>>
      %dma_start3A_50 = arith.constant 0 : i32
      %dma_start3A_51 = tpu.memref_slice %arg8[%multiple_of3A, %dma_start3A_50] : memref<10240x128xf32, #tpu.memory_space<hbm>> -> memref<640x128xf32, #tpu.memory_space<hbm>>
      tpu.enqueue_dma source(%dma_start3A_51 : memref<640x128xf32, #tpu.memory_space<hbm>>) target(%dma_start3A_49 : memref<640x128xf32, #tpu.memory_space<vmem_shared>>) target_semaphore(%run_scoped3A : memref<!tpu.dma_semaphore, #tpu.memory_space<semaphore_mem>>)
      %dma_wait3A = arith.constant 0 : i32
      %dma_wait3A_52 = tpu.memref_slice %arg11[%multiple_of3A, %dma_wait3A] : memref<10240x128xf32, #tpu.memory_space<vmem_shared>> -> memref<640x128xf32, #tpu.memory_space<vmem_shared>>
      %dma_wait3A_53 = arith.constant 0 : i32
      %dma_wait3A_54 = tpu.memref_slice %arg8[%multiple_of3A, %dma_wait3A_53] : memref<10240x128xf32, #tpu.memory_space<hbm>> -> memref<640x128xf32, #tpu.memory_space<hbm>>
      tpu.wait_dma2 semaphore(%run_scoped3A : memref<!tpu.dma_semaphore, #tpu.memory_space<semaphore_mem>>) src(%dma_wait3A_54 : memref<640x128xf32, #tpu.memory_space<hbm>>) dst(%dma_wait3A_52 : memref<640x128xf32, #tpu.memory_space<vmem_shared>>)
      tpu.yield
    }) : () -> ()
    "tpu.region"() ({
      %run_scoped3A = tpu.sem_alloc : memref<!tpu.dma_semaphore, #tpu.memory_space<semaphore_mem>>
      tpu.enqueue_dma source(%arg7 : memref<128xf32, #tpu.memory_space<hbm>>) target(%arg10 : memref<128xf32, #tpu.memory_space<vmem>>) target_semaphore(%run_scoped3A : memref<!tpu.dma_semaphore, #tpu.memory_space<semaphore_mem>>)
      tpu.wait_dma2 semaphore(%run_scoped3A : memref<!tpu.dma_semaphore, #tpu.memory_space<semaphore_mem>>) src(%arg7 : memref<128xf32, #tpu.memory_space<hbm>>) dst(%arg10 : memref<128xf32, #tpu.memory_space<vmem>>)
      tpu.yield
    }) : () -> ()
    %barrier3A = arith.constant 0 : index
    tpu.barrier barrier_id(%barrier3A)
    %get3A = arith.constant 0 : index
    %get3A_3 = tpu.vector_load %arg10[%get3A] {strides = array<i32>} : memref<128xf32, #tpu.memory_space<vmem>>, vector<16xf32>,
    %get3A_4 = vector.shape_cast %get3A_3 : vector<16xf32> to vector<16xf32>
    %get3A_5 = arith.constant 16 : index
    %get3A_6 = tpu.vector_load %arg10[%get3A_5] {strides = array<i32>} : memref<128xf32, #tpu.memory_space<vmem>>, vector<16xf32>,
    %get3A_7 = vector.shape_cast %get3A_6 : vector<16xf32> to vector<16xf32>
    %get3A_8 = arith.constant 32 : index
    %get3A_9 = tpu.vector_load %arg10[%get3A_8] {strides = array<i32>} : memref<128xf32, #tpu.memory_space<vmem>>, vector<16xf32>,
    %get3A_10 = vector.shape_cast %get3A_9 : vector<16xf32> to vector<16xf32>
    %get3A_11 = arith.constant 48 : index
    %get3A_12 = tpu.vector_load %arg10[%get3A_11] {strides = array<i32>} : memref<128xf32, #tpu.memory_space<vmem>>, vector<16xf32>,
    %get3A_13 = vector.shape_cast %get3A_12 : vector<16xf32> to vector<16xf32>
    %get3A_14 = arith.constant 64 : index
    %get3A_15 = tpu.vector_load %arg10[%get3A_14] {strides = array<i32>} : memref<128xf32, #tpu.memory_space<vmem>>, vector<16xf32>,
    %get3A_16 = vector.shape_cast %get3A_15 : vector<16xf32> to vector<16xf32>
    %get3A_17 = arith.constant 80 : index
    %get3A_18 = tpu.vector_load %arg10[%get3A_17] {strides = array<i32>} : memref<128xf32, #tpu.memory_space<vmem>>, vector<16xf32>,
    %get3A_19 = vector.shape_cast %get3A_18 : vector<16xf32> to vector<16xf32>
    %get3A_20 = arith.constant 96 : index
    %get3A_21 = tpu.vector_load %arg10[%get3A_20] {strides = array<i32>} : memref<128xf32, #tpu.memory_space<vmem>>, vector<16xf32>,
    %get3A_22 = vector.shape_cast %get3A_21 : vector<16xf32> to vector<16xf32>
    %get3A_23 = arith.constant 112 : index
    %get3A_24 = tpu.vector_load %arg10[%get3A_23] {strides = array<i32>} : memref<128xf32, #tpu.memory_space<vmem>>, vector<16xf32>,
    %get3A_25 = vector.shape_cast %get3A_24 : vector<16xf32> to vector<16xf32>
    %mul3A_26 = arith.constant 10240 : i32
    %mul3A_27 = arith.muli %add3A, %mul3A_26 : i32
    %add3A_28 = arith.constant 0 : i32
    %add3A_29 = arith.addi %mul3A_27, %add3A_28 : i32
    %multiple_of3A_30 = tpu.assume_multiple %add3A_29, 8 : i32
    "tpu.region"() ({
      %run_scoped3A = tpu.sem_alloc : memref<!tpu.dma_semaphore, #tpu.memory_space<semaphore_mem>>
      %dma_start3A_48 = tpu.memref_slice %arg5[%multiple_of3A_30] : memref<327680xi32, #tpu.memory_space<hbm>> -> memref<64xi32, #tpu.memory_space<hbm>>
      %dma_start3A_49 = tpu.memref_slice %arg5[%multiple_of3A_30] : memref<327680xi32, #tpu.memory_space<hbm>> -> memref<64xi32, #tpu.memory_space<hbm>>
      tpu.enqueue_dma source(%dma_start3A_49 : memref<64xi32, #tpu.memory_space<hbm>>) target(%arg12 : memref<64xi32, #tpu.memory_space<vmem>>) target_semaphore(%run_scoped3A : memref<!tpu.dma_semaphore, #tpu.memory_space<semaphore_mem>>)
      %dma_wait3A = tpu.memref_slice %arg5[%multiple_of3A_30] : memref<327680xi32, #tpu.memory_space<hbm>> -> memref<64xi32, #tpu.memory_space<hbm>>
      %dma_wait3A_50 = tpu.memref_slice %arg5[%multiple_of3A_30] : memref<327680xi32, #tpu.memory_space<hbm>> -> memref<64xi32, #tpu.memory_space<hbm>>
      tpu.wait_dma2 semaphore(%run_scoped3A : memref<!tpu.dma_semaphore, #tpu.memory_space<semaphore_mem>>) src(%dma_wait3A_50 : memref<64xi32, #tpu.memory_space<hbm>>) dst(%arg12 : memref<64xi32, #tpu.memory_space<vmem>>)
      tpu.yield
    }) : () -> ()
    "tpu.region"() ({
      %run_scoped3A = tpu.sem_alloc : memref<!tpu.dma_semaphore, #tpu.memory_space<semaphore_mem>>
      %dma_start3A_48 = tpu.memref_slice %arg6[%multiple_of3A_30] : memref<327680xi32, #tpu.memory_space<hbm>> -> memref<64xi32, #tpu.memory_space<hbm>>
      %dma_start3A_49 = tpu.memref_slice %arg6[%multiple_of3A_30] : memref<327680xi32, #tpu.memory_space<hbm>> -> memref<64xi32, #tpu.memory_space<hbm>>
      tpu.enqueue_dma source(%dma_start3A_49 : memref<64xi32, #tpu.memory_space<hbm>>) target(%arg13 : memref<64xi32, #tpu.memory_space<vmem>>) target_semaphore(%run_scoped3A : memref<!tpu.dma_semaphore, #tpu.memory_space<semaphore_mem>>)
      %dma_wait3A = tpu.memref_slice %arg6[%multiple_of3A_30] : memref<327680xi32, #tpu.memory_space<hbm>> -> memref<64xi32, #tpu.memory_space<hbm>>
      %dma_wait3A_50 = tpu.memref_slice %arg6[%multiple_of3A_30] : memref<327680xi32, #tpu.memory_space<hbm>> -> memref<64xi32, #tpu.memory_space<hbm>>
      tpu.wait_dma2 semaphore(%run_scoped3A : memref<!tpu.dma_semaphore, #tpu.memory_space<semaphore_mem>>) src(%dma_wait3A_50 : memref<64xi32, #tpu.memory_space<hbm>>) dst(%arg13 : memref<64xi32, #tpu.memory_space<vmem>>)
      tpu.yield
    }) : () -> ()
    %dma_start3A = arith.constant 0 : i32
    %dma_start3A_31 = arith.constant 0 : i32
    %dma_start3A_32 = tpu.memref_slice %arg2[%dma_start3A, %dma_start3A_31] : memref<10000x128xf32, #tpu.memory_space<hbm>> -> memref<10000x128xf32, #tpu.memory_space<hbm>>
    tpu.enqueue_indirect_dma source(%dma_start3A_32 : memref<10000x128xf32, #tpu.memory_space<hbm>>) target(%arg14 : memref<64x128xf32, #tpu.memory_space<vmem>>) offsets(%arg12 : memref<64xi32, #tpu.memory_space<vmem>>) semaphore(%arg25 : memref<!tpu.dma_semaphore, #tpu.memory_space<semaphore_mem>>)
    %dma_start3A_33 = arith.constant 0 : i32
    %dma_start3A_34 = arith.constant 0 : i32
    %dma_start3A_35 = tpu.memref_slice %arg3[%dma_start3A_33, %dma_start3A_34] : memref<10000x128xf32, #tpu.memory_space<hbm>> -> memref<10000x128xf32, #tpu.memory_space<hbm>>
    tpu.enqueue_indirect_dma source(%dma_start3A_35 : memref<10000x128xf32, #tpu.memory_space<hbm>>) target(%arg15 : memref<64x128xf32, #tpu.memory_space<vmem>>) offsets(%arg13 : memref<64xi32, #tpu.memory_space<vmem>>) semaphore(%arg26 : memref<!tpu.dma_semaphore, #tpu.memory_space<semaphore_mem>>)
    %dma_start3A_36 = arith.constant 0 : i32
    %dma_start3A_37 = arith.constant 0 : i32
    %dma_start3A_38 = tpu.memref_slice %arg4[%dma_start3A_36, %dma_start3A_37] : memref<10000x16xf32, #tpu.memory_space<hbm>> -> memref<10000x16xf32, #tpu.memory_space<hbm>>
    tpu.enqueue_indirect_dma source(%dma_start3A_38 : memref<10000x16xf32, #tpu.memory_space<hbm>>) target(%arg16 : memref<64x16xf32, #tpu.memory_space<vmem>>) offsets(%arg12 : memref<64xi32, #tpu.memory_space<vmem>>) semaphore(%arg27 : memref<!tpu.dma_semaphore, #tpu.memory_space<semaphore_mem>>)
    %dma_start3A_39 = arith.constant 0 : i32
    %dma_start3A_40 = arith.constant 0 : i32
    %dma_start3A_41 = tpu.memref_slice %arg4[%dma_start3A_39, %dma_start3A_40] : memref<10000x16xf32, #tpu.memory_space<hbm>> -> memref<10000x16xf32, #tpu.memory_space<hbm>>
    tpu.enqueue_indirect_dma source(%dma_start3A_41 : memref<10000x16xf32, #tpu.memory_space<hbm>>) target(%arg17 : memref<64x16xf32, #tpu.memory_space<vmem>>) offsets(%arg13 : memref<64xi32, #tpu.memory_space<vmem>>) semaphore(%arg28 : memref<!tpu.dma_semaphore, #tpu.memory_space<semaphore_mem>>)
    %scan3A = arith.constant 0 : i32
    %scan3A_42 = arith.constant 0 : i32
    %scan3A_43 = arith.constant 80 : i32
    %scan3A_44 = arith.addi %scan3A_42, %scan3A_43 : i32
    %scan3A_45 = arith.constant 1 : i32
    scf.for %scan3A_48 = %scan3A_42 to %scan3A_44 step %scan3A_45  : i32 {
      %mul3A_49 = arith.constant 2 : i32
      %mul3A_50 = arith.muli %mul3A_49, %scan3A_48 : i32
      %add3A_51 = arith.constant 1 : i32
      %add3A_52 = arith.addi %mul3A_50, %add3A_51 : i32
      %mul3A_53 = arith.constant 10240 : i32
      %mul3A_54 = arith.muli %add3A, %mul3A_53 : i32
      %mul3A_55 = arith.constant 64 : i32
      %mul3A_56 = arith.muli %add3A_52, %mul3A_55 : i32
      %add3A_57 = arith.addi %mul3A_54, %mul3A_56 : i32
      %multiple_of3A_58 = tpu.assume_multiple %add3A_57, 8 : i32
      "tpu.region"() ({
        %run_scoped3A = tpu.sem_alloc : memref<!tpu.dma_semaphore, #tpu.memory_space<semaphore_mem>>
        %dma_start3A_108 = tpu.memref_slice %arg5[%multiple_of3A_58] : memref<327680xi32, #tpu.memory_space<hbm>> -> memref<64xi32, #tpu.memory_space<hbm>>
        %dma_start3A_109 = tpu.memref_slice %arg5[%multiple_of3A_58] : memref<327680xi32, #tpu.memory_space<hbm>> -> memref<64xi32, #tpu.memory_space<hbm>>
        tpu.enqueue_dma source(%dma_start3A_109 : memref<64xi32, #tpu.memory_space<hbm>>) target(%arg18 : memref<64xi32, #tpu.memory_space<vmem>>) target_semaphore(%run_scoped3A : memref<!tpu.dma_semaphore, #tpu.memory_space<semaphore_mem>>)
        %dma_wait3A_110 = tpu.memref_slice %arg5[%multiple_of3A_58] : memref<327680xi32, #tpu.memory_space<hbm>> -> memref<64xi32, #tpu.memory_space<hbm>>
        %dma_wait3A_111 = tpu.memref_slice %arg5[%multiple_of3A_58] : memref<327680xi32, #tpu.memory_space<hbm>> -> memref<64xi32, #tpu.memory_space<hbm>>
        tpu.wait_dma2 semaphore(%run_scoped3A : memref<!tpu.dma_semaphore, #tpu.memory_space<semaphore_mem>>) src(%dma_wait3A_111 : memref<64xi32, #tpu.memory_space<hbm>>) dst(%arg18 : memref<64xi32, #tpu.memory_space<vmem>>)
        tpu.yield
      }) : () -> ()
      "tpu.region"() ({
        %run_scoped3A = tpu.sem_alloc : memref<!tpu.dma_semaphore, #tpu.memory_space<semaphore_mem>>
        %dma_start3A_108 = tpu.memref_slice %arg6[%multiple_of3A_58] : memref<327680xi32, #tpu.memory_space<hbm>> -> memref<64xi32, #tpu.memory_space<hbm>>
        %dma_start3A_109 = tpu.memref_slice %arg6[%multiple_of3A_58] : memref<327680xi32, #tpu.memory_space<hbm>> -> memref<64xi32, #tpu.memory_space<hbm>>
        tpu.enqueue_dma source(%dma_start3A_109 : memref<64xi32, #tpu.memory_space<hbm>>) target(%arg19 : memref<64xi32, #tpu.memory_space<vmem>>) target_semaphore(%run_scoped3A : memref<!tpu.dma_semaphore, #tpu.memory_space<semaphore_mem>>)
        %dma_wait3A_110 = tpu.memref_slice %arg6[%multiple_of3A_58] : memref<327680xi32, #tpu.memory_space<hbm>> -> memref<64xi32, #tpu.memory_space<hbm>>
        %dma_wait3A_111 = tpu.memref_slice %arg6[%multiple_of3A_58] : memref<327680xi32, #tpu.memory_space<hbm>> -> memref<64xi32, #tpu.memory_space<hbm>>
        tpu.wait_dma2 semaphore(%run_scoped3A : memref<!tpu.dma_semaphore, #tpu.memory_space<semaphore_mem>>) src(%dma_wait3A_111 : memref<64xi32, #tpu.memory_space<hbm>>) dst(%arg19 : memref<64xi32, #tpu.memory_space<vmem>>)
        tpu.yield
      }) : () -> ()
      %dma_start3A_59 = arith.constant 0 : i32
      %dma_start3A_60 = arith.constant 0 : i32
      %dma_start3A_61 = tpu.memref_slice %arg2[%dma_start3A_59, %dma_start3A_60] : memref<10000x128xf32, #tpu.memory_space<hbm>> -> memref<10000x128xf32, #tpu.memory_space<hbm>>
      tpu.enqueue_indirect_dma source(%dma_start3A_61 : memref<10000x128xf32, #tpu.memory_space<hbm>>) target(%arg20 : memref<64x128xf32, #tpu.memory_space<vmem>>) offsets(%arg18 : memref<64xi32, #tpu.memory_space<vmem>>) semaphore(%arg29 : memref<!tpu.dma_semaphore, #tpu.memory_space<semaphore_mem>>)
      %dma_start3A_62 = arith.constant 0 : i32
      %dma_start3A_63 = arith.constant 0 : i32
      %dma_start3A_64 = tpu.memref_slice %arg3[%dma_start3A_62, %dma_start3A_63] : memref<10000x128xf32, #tpu.memory_space<hbm>> -> memref<10000x128xf32, #tpu.memory_space<hbm>>
      tpu.enqueue_indirect_dma source(%dma_start3A_64 : memref<10000x128xf32, #tpu.memory_space<hbm>>) target(%arg21 : memref<64x128xf32, #tpu.memory_space<vmem>>) offsets(%arg19 : memref<64xi32, #tpu.memory_space<vmem>>) semaphore(%arg30 : memref<!tpu.dma_semaphore, #tpu.memory_space<semaphore_mem>>)
      %dma_start3A_65 = arith.constant 0 : i32
      %dma_start3A_66 = arith.constant 0 : i32
      %dma_start3A_67 = tpu.memref_slice %arg4[%dma_start3A_65, %dma_start3A_66] : memref<10000x16xf32, #tpu.memory_space<hbm>> -> memref<10000x16xf32, #tpu.memory_space<hbm>>
      tpu.enqueue_indirect_dma source(%dma_start3A_67 : memref<10000x16xf32, #tpu.memory_space<hbm>>) target(%arg22 : memref<64x16xf32, #tpu.memory_space<vmem>>) offsets(%arg18 : memref<64xi32, #tpu.memory_space<vmem>>) semaphore(%arg31 : memref<!tpu.dma_semaphore, #tpu.memory_space<semaphore_mem>>)
      %dma_start3A_68 = arith.constant 0 : i32
      %dma_start3A_69 = arith.constant 0 : i32
      %dma_start3A_70 = tpu.memref_slice %arg4[%dma_start3A_68, %dma_start3A_69] : memref<10000x16xf32, #tpu.memory_space<hbm>> -> memref<10000x16xf32, #tpu.memory_space<hbm>>
      tpu.enqueue_indirect_dma source(%dma_start3A_70 : memref<10000x16xf32, #tpu.memory_space<hbm>>) target(%arg23 : memref<64x16xf32, #tpu.memory_space<vmem>>) offsets(%arg19 : memref<64xi32, #tpu.memory_space<vmem>>) semaphore(%arg32 : memref<!tpu.dma_semaphore, #tpu.memory_space<semaphore_mem>>)
      %dma_wait3A = arith.constant 0 : i32
      %dma_wait3A_71 = arith.constant 0 : i32
      %dma_wait3A_72 = tpu.memref_slice %arg2[%dma_wait3A, %dma_wait3A_71] : memref<10000x128xf32, #tpu.memory_space<hbm>> -> memref<10000x128xf32, #tpu.memory_space<hbm>>
      tpu.wait_indirect_dma semaphore(%arg25 : memref<!tpu.dma_semaphore, #tpu.memory_space<semaphore_mem>>) src(%dma_wait3A_72 : memref<10000x128xf32, #tpu.memory_space<hbm>>) dst(%arg14 : memref<64x128xf32, #tpu.memory_space<vmem>>)
      %dma_wait3A_73 = arith.constant 0 : i32
      %dma_wait3A_74 = arith.constant 0 : i32
      %dma_wait3A_75 = tpu.memref_slice %arg3[%dma_wait3A_73, %dma_wait3A_74] : memref<10000x128xf32, #tpu.memory_space<hbm>> -> memref<10000x128xf32, #tpu.memory_space<hbm>>
      tpu.wait_indirect_dma semaphore(%arg26 : memref<!tpu.dma_semaphore, #tpu.memory_space<semaphore_mem>>) src(%dma_wait3A_75 : memref<10000x128xf32, #tpu.memory_space<hbm>>) dst(%arg15 : memref<64x128xf32, #tpu.memory_space<vmem>>)
      %dma_wait3A_76 = arith.constant 0 : i32
      %dma_wait3A_77 = arith.constant 0 : i32
      %dma_wait3A_78 = tpu.memref_slice %arg4[%dma_wait3A_76, %dma_wait3A_77] : memref<10000x16xf32, #tpu.memory_space<hbm>> -> memref<10000x16xf32, #tpu.memory_space<hbm>>
      tpu.wait_indirect_dma semaphore(%arg27 : memref<!tpu.dma_semaphore, #tpu.memory_space<semaphore_mem>>) src(%dma_wait3A_78 : memref<10000x16xf32, #tpu.memory_space<hbm>>) dst(%arg16 : memref<64x16xf32, #tpu.memory_space<vmem>>)
      %dma_wait3A_79 = arith.constant 0 : i32
      %dma_wait3A_80 = arith.constant 0 : i32
      %dma_wait3A_81 = tpu.memref_slice %arg4[%dma_wait3A_79, %dma_wait3A_80] : memref<10000x16xf32, #tpu.memory_space<hbm>> -> memref<10000x16xf32, #tpu.memory_space<hbm>>
      tpu.wait_indirect_dma semaphore(%arg28 : memref<!tpu.dma_semaphore, #tpu.memory_space<semaphore_mem>>) src(%dma_wait3A_81 : memref<10000x16xf32, #tpu.memory_space<hbm>>) dst(%arg17 : memref<64x16xf32, #tpu.memory_space<vmem>>)
      %scan3A_82 = arith.constant 0 : i32
      %scan3A_83 = arith.constant 0 : i32
      %scan3A_84 = arith.constant 64 : i32
      %scan3A_85 = arith.addi %scan3A_83, %scan3A_84 : i32
      %scan3A_86 = arith.constant 4 : i32
      scf.for %scan3A_108 = %scan3A_83 to %scan3A_85 step %scan3A_86  : i32 {
        %get3A_109 = arith.index_cast %scan3A_108 : i32 to index
        %get3A_110 = arith.constant 0 : index
        %get3A_111 = tpu.vector_load %arg16[%get3A_109, %get3A_110] {strides = array<i32>} : memref<64x16xf32, #tpu.memory_space<vmem>>, vector<1x16xf32>,
        %get3A_112 = vector.shape_cast %get3A_111 : vector<1x16xf32> to vector<16xf32>
        %get3A_113 = arith.index_cast %scan3A_108 : i32 to index
        %get3A_114 = arith.constant 0 : index
        %get3A_115 = tpu.vector_load %arg17[%get3A_113, %get3A_114] {strides = array<i32>} : memref<64x16xf32, #tpu.memory_space<vmem>>, vector<1x16xf32>,
        %get3A_116 = vector.shape_cast %get3A_115 : vector<1x16xf32> to vector<16xf32>
        %sub3A = arith.subf %get3A_112, %get3A_116 : vector<16xf32>
        %mul3A_117 = arith.mulf %sub3A, %sub3A : vector<16xf32>
        %broadcast_in_dim3A = arith.constant 0 : i32
        %broadcast_in_dim3A_118 = vector.broadcast %broadcast_in_dim3A : i32 to vector<16x1xi32>
        %gather3A = vector.shape_cast %broadcast_in_dim3A_118 : vector<16x1xi32> to vector<16xi32>
        %gather3A_119 = tpu.dynamic_gather %mul3A_117[%gather3A] in [0] : vector<16xf32>, vector<16xi32> -> vector<16xf32>
        %broadcast_in_dim3A_120 = arith.constant 1 : i32
        %broadcast_in_dim3A_121 = vector.broadcast %broadcast_in_dim3A_120 : i32 to vector<16x1xi32>
        %gather3A_122 = vector.shape_cast %broadcast_in_dim3A_121 : vector<16x1xi32> to vector<16xi32>
        %gather3A_123 = tpu.dynamic_gather %mul3A_117[%gather3A_122] in [0] : vector<16xf32>, vector<16xi32> -> vector<16xf32>
        %add3A_124 = arith.addf %gather3A_119, %gather3A_123 : vector<16xf32>
        %broadcast_in_dim3A_125 = arith.constant 2 : i32
        %broadcast_in_dim3A_126 = vector.broadcast %broadcast_in_dim3A_125 : i32 to vector<16x1xi32>
        %gather3A_127 = vector.shape_cast %broadcast_in_dim3A_126 : vector<16x1xi32> to vector<16xi32>
        %gather3A_128 = tpu.dynamic_gather %mul3A_117[%gather3A_127] in [0] : vector<16xf32>, vector<16xi32> -> vector<16xf32>
        %add3A_129 = arith.addf %add3A_124, %gather3A_128 : vector<16xf32>
        %get3A_130 = arith.index_cast %scan3A_108 : i32 to index
        %get3A_131 = arith.constant 0 : index
        %get3A_132 = tpu.vector_load %arg14[%get3A_130, %get3A_131] {strides = array<i32>} : memref<64x128xf32, #tpu.memory_space<vmem>>, vector<1x16xf32>,
        %get3A_133 = vector.shape_cast %get3A_132 : vector<1x16xf32> to vector<16xf32>
        %get3A_134 = arith.index_cast %scan3A_108 : i32 to index
        %get3A_135 = arith.constant 16 : index
        %get3A_136 = tpu.vector_load %arg14[%get3A_134, %get3A_135] {strides = array<i32>} : memref<64x128xf32, #tpu.memory_space<vmem>>, vector<1x16xf32>,
        %get3A_137 = vector.shape_cast %get3A_136 : vector<1x16xf32> to vector<16xf32>
        %get3A_138 = arith.index_cast %scan3A_108 : i32 to index
        %get3A_139 = arith.constant 32 : index
        %get3A_140 = tpu.vector_load %arg14[%get3A_138, %get3A_139] {strides = array<i32>} : memref<64x128xf32, #tpu.memory_space<vmem>>, vector<1x16xf32>,
        %get3A_141 = vector.shape_cast %get3A_140 : vector<1x16xf32> to vector<16xf32>
        %get3A_142 = arith.index_cast %scan3A_108 : i32 to index
        %get3A_143 = arith.constant 48 : index
        %get3A_144 = tpu.vector_load %arg14[%get3A_142, %get3A_143] {strides = array<i32>} : memref<64x128xf32, #tpu.memory_space<vmem>>, vector<1x16xf32>,
        %get3A_145 = vector.shape_cast %get3A_144 : vector<1x16xf32> to vector<16xf32>
        %get3A_146 = arith.index_cast %scan3A_108 : i32 to index
        %get3A_147 = arith.constant 64 : index
        %get3A_148 = tpu.vector_load %arg14[%get3A_146, %get3A_147] {strides = array<i32>} : memref<64x128xf32, #tpu.memory_space<vmem>>, vector<1x16xf32>,
        %get3A_149 = vector.shape_cast %get3A_148 : vector<1x16xf32> to vector<16xf32>
        %get3A_150 = arith.index_cast %scan3A_108 : i32 to index
        %get3A_151 = arith.constant 80 : index
        %get3A_152 = tpu.vector_load %arg14[%get3A_150, %get3A_151] {strides = array<i32>} : memref<64x128xf32, #tpu.memory_space<vmem>>, vector<1x16xf32>,
        %get3A_153 = vector.shape_cast %get3A_152 : vector<1x16xf32> to vector<16xf32>
        %get3A_154 = arith.index_cast %scan3A_108 : i32 to index
        %get3A_155 = arith.constant 96 : index
        %get3A_156 = tpu.vector_load %arg14[%get3A_154, %get3A_155] {strides = array<i32>} : memref<64x128xf32, #tpu.memory_space<vmem>>, vector<1x16xf32>,
        %get3A_157 = vector.shape_cast %get3A_156 : vector<1x16xf32> to vector<16xf32>
        %get3A_158 = arith.index_cast %scan3A_108 : i32 to index
        %get3A_159 = arith.constant 112 : index
        %get3A_160 = tpu.vector_load %arg14[%get3A_158, %get3A_159] {strides = array<i32>} : memref<64x128xf32, #tpu.memory_space<vmem>>, vector<1x16xf32>,
        %get3A_161 = vector.shape_cast %get3A_160 : vector<1x16xf32> to vector<16xf32>
        %get3A_162 = arith.index_cast %scan3A_108 : i32 to index
        %get3A_163 = arith.constant 0 : index
        %get3A_164 = tpu.vector_load %arg15[%get3A_162, %get3A_163] {strides = array<i32>} : memref<64x128xf32, #tpu.memory_space<vmem>>, vector<1x16xf32>,
        %get3A_165 = vector.shape_cast %get3A_164 : vector<1x16xf32> to vector<16xf32>
        %get3A_166 = arith.index_cast %scan3A_108 : i32 to index
        %get3A_167 = arith.constant 16 : index
        %get3A_168 = tpu.vector_load %arg15[%get3A_166, %get3A_167] {strides = array<i32>} : memref<64x128xf32, #tpu.memory_space<vmem>>, vector<1x16xf32>,
        %get3A_169 = vector.shape_cast %get3A_168 : vector<1x16xf32> to vector<16xf32>
        %get3A_170 = arith.index_cast %scan3A_108 : i32 to index
        %get3A_171 = arith.constant 32 : index
        %get3A_172 = tpu.vector_load %arg15[%get3A_170, %get3A_171] {strides = array<i32>} : memref<64x128xf32, #tpu.memory_space<vmem>>, vector<1x16xf32>,
        %get3A_173 = vector.shape_cast %get3A_172 : vector<1x16xf32> to vector<16xf32>
        %get3A_174 = arith.index_cast %scan3A_108 : i32 to index
        %get3A_175 = arith.constant 48 : index
        %get3A_176 = tpu.vector_load %arg15[%get3A_174, %get3A_175] {strides = array<i32>} : memref<64x128xf32, #tpu.memory_space<vmem>>, vector<1x16xf32>,
        %get3A_177 = vector.shape_cast %get3A_176 : vector<1x16xf32> to vector<16xf32>
        %get3A_178 = arith.index_cast %scan3A_108 : i32 to index
        %get3A_179 = arith.constant 64 : index
        %get3A_180 = tpu.vector_load %arg15[%get3A_178, %get3A_179] {strides = array<i32>} : memref<64x128xf32, #tpu.memory_space<vmem>>, vector<1x16xf32>,
        %get3A_181 = vector.shape_cast %get3A_180 : vector<1x16xf32> to vector<16xf32>
        %get3A_182 = arith.index_cast %scan3A_108 : i32 to index
        %get3A_183 = arith.constant 80 : index
        %get3A_184 = tpu.vector_load %arg15[%get3A_182, %get3A_183] {strides = array<i32>} : memref<64x128xf32, #tpu.memory_space<vmem>>, vector<1x16xf32>,
        %get3A_185 = vector.shape_cast %get3A_184 : vector<1x16xf32> to vector<16xf32>
        %get3A_186 = arith.index_cast %scan3A_108 : i32 to index
        %get3A_187 = arith.constant 96 : index
        %get3A_188 = tpu.vector_load %arg15[%get3A_186, %get3A_187] {strides = array<i32>} : memref<64x128xf32, #tpu.memory_space<vmem>>, vector<1x16xf32>,
        %get3A_189 = vector.shape_cast %get3A_188 : vector<1x16xf32> to vector<16xf32>
        %get3A_190 = arith.index_cast %scan3A_108 : i32 to index
        %get3A_191 = arith.constant 112 : index
        %get3A_192 = tpu.vector_load %arg15[%get3A_190, %get3A_191] {strides = array<i32>} : memref<64x128xf32, #tpu.memory_space<vmem>>, vector<1x16xf32>,
        %get3A_193 = vector.shape_cast %get3A_192 : vector<1x16xf32> to vector<16xf32>
        %add3A_194 = arith.addf %get3A_133, %get3A_165 : vector<16xf32>
        %mul3A_195 = arith.mulf %add3A_129, %get3A_4 : vector<16xf32>
        %add3A_196 = arith.addf %add3A_194, %mul3A_195 : vector<16xf32>
        %max3A = arith.constant 0.000000e+00 : f32
        %max3A_197 = vector.broadcast %max3A : f32 to vector<16xf32>
        %max3A_198 = arith.maximumf %add3A_196, %max3A_197 : vector<16xf32>
        %add3A_199 = arith.addf %get3A_137, %get3A_169 : vector<16xf32>
        %mul3A_200 = arith.mulf %add3A_129, %get3A_7 : vector<16xf32>
        %add3A_201 = arith.addf %add3A_199, %mul3A_200 : vector<16xf32>
        %max3A_202 = arith.constant 0.000000e+00 : f32
        %max3A_203 = vector.broadcast %max3A_202 : f32 to vector<16xf32>
        %max3A_204 = arith.maximumf %add3A_201, %max3A_203 : vector<16xf32>
        %add3A_205 = arith.addf %get3A_141, %get3A_173 : vector<16xf32>
        %mul3A_206 = arith.mulf %add3A_129, %get3A_10 : vector<16xf32>
        %add3A_207 = arith.addf %add3A_205, %mul3A_206 : vector<16xf32>
        %max3A_208 = arith.constant 0.000000e+00 : f32
        %max3A_209 = vector.broadcast %max3A_208 : f32 to vector<16xf32>
        %max3A_210 = arith.maximumf %add3A_207, %max3A_209 : vector<16xf32>
        %add3A_211 = arith.addf %get3A_145, %get3A_177 : vector<16xf32>
        %mul3A_212 = arith.mulf %add3A_129, %get3A_13 : vector<16xf32>
        %add3A_213 = arith.addf %add3A_211, %mul3A_212 : vector<16xf32>
        %max3A_214 = arith.constant 0.000000e+00 : f32
        %max3A_215 = vector.broadcast %max3A_214 : f32 to vector<16xf32>
        %max3A_216 = arith.maximumf %add3A_213, %max3A_215 : vector<16xf32>
        %add3A_217 = arith.addf %get3A_149, %get3A_181 : vector<16xf32>
        %mul3A_218 = arith.mulf %add3A_129, %get3A_16 : vector<16xf32>
        %add3A_219 = arith.addf %add3A_217, %mul3A_218 : vector<16xf32>
        %max3A_220 = arith.constant 0.000000e+00 : f32
        %max3A_221 = vector.broadcast %max3A_220 : f32 to vector<16xf32>
        %max3A_222 = arith.maximumf %add3A_219, %max3A_221 : vector<16xf32>
        %add3A_223 = arith.addf %get3A_153, %get3A_185 : vector<16xf32>
        %mul3A_224 = arith.mulf %add3A_129, %get3A_19 : vector<16xf32>
        %add3A_225 = arith.addf %add3A_223, %mul3A_224 : vector<16xf32>
        %max3A_226 = arith.constant 0.000000e+00 : f32
        %max3A_227 = vector.broadcast %max3A_226 : f32 to vector<16xf32>
        %max3A_228 = arith.maximumf %add3A_225, %max3A_227 : vector<16xf32>
        %add3A_229 = arith.addf %get3A_157, %get3A_189 : vector<16xf32>
        %mul3A_230 = arith.mulf %add3A_129, %get3A_22 : vector<16xf32>
        %add3A_231 = arith.addf %add3A_229, %mul3A_230 : vector<16xf32>
        %max3A_232 = arith.constant 0.000000e+00 : f32
        %max3A_233 = vector.broadcast %max3A_232 : f32 to vector<16xf32>
        %max3A_234 = arith.maximumf %add3A_231, %max3A_233 : vector<16xf32>
        %add3A_235 = arith.addf %get3A_161, %get3A_193 : vector<16xf32>
        %mul3A_236 = arith.mulf %add3A_129, %get3A_25 : vector<16xf32>
        %add3A_237 = arith.addf %add3A_235, %mul3A_236 : vector<16xf32>
        %max3A_238 = arith.constant 0.000000e+00 : f32
        %max3A_239 = vector.broadcast %max3A_238 : f32 to vector<16xf32>
        %max3A_240 = arith.maximumf %add3A_237, %max3A_239 : vector<16xf32>
        %swap3A = arith.index_cast %scan3A_108 : i32 to index
        %swap3A_241 = arith.constant 0 : index
        %swap3A_242 = tpu.vector_load %arg24[%swap3A, %swap3A_241] {strides = array<i32>} : memref<64x128xf32, #tpu.memory_space<vmem>>, vector<1x16xf32>,
        %swap3A_243 = vector.shape_cast %swap3A_242 : vector<1x16xf32> to vector<16xf32>
        %swap3A_244 = vector.shape_cast %max3A_198 : vector<16xf32> to vector<1x16xf32>
        tpu.vector_store %arg24[%swap3A, %swap3A_241], %swap3A_244 {strides = array<i32>} : memref<64x128xf32, #tpu.memory_space<vmem>>, vector<1x16xf32>,
        %swap3A_245 = arith.index_cast %scan3A_108 : i32 to index
        %swap3A_246 = arith.constant 16 : index
        %swap3A_247 = tpu.vector_load %arg24[%swap3A_245, %swap3A_246] {strides = array<i32>} : memref<64x128xf32, #tpu.memory_space<vmem>>, vector<1x16xf32>,
        %swap3A_248 = vector.shape_cast %swap3A_247 : vector<1x16xf32> to vector<16xf32>
        %swap3A_249 = vector.shape_cast %max3A_204 : vector<16xf32> to vector<1x16xf32>
        tpu.vector_store %arg24[%swap3A_245, %swap3A_246], %swap3A_249 {strides = array<i32>} : memref<64x128xf32, #tpu.memory_space<vmem>>, vector<1x16xf32>,
        %swap3A_250 = arith.index_cast %scan3A_108 : i32 to index
        %swap3A_251 = arith.constant 32 : index
        %swap3A_252 = tpu.vector_load %arg24[%swap3A_250, %swap3A_251] {strides = array<i32>} : memref<64x128xf32, #tpu.memory_space<vmem>>, vector<1x16xf32>,
        %swap3A_253 = vector.shape_cast %swap3A_252 : vector<1x16xf32> to vector<16xf32>
        %swap3A_254 = vector.shape_cast %max3A_210 : vector<16xf32> to vector<1x16xf32>
        tpu.vector_store %arg24[%swap3A_250, %swap3A_251], %swap3A_254 {strides = array<i32>} : memref<64x128xf32, #tpu.memory_space<vmem>>, vector<1x16xf32>,
        %swap3A_255 = arith.index_cast %scan3A_108 : i32 to index
        %swap3A_256 = arith.constant 48 : index
        %swap3A_257 = tpu.vector_load %arg24[%swap3A_255, %swap3A_256] {strides = array<i32>} : memref<64x128xf32, #tpu.memory_space<vmem>>, vector<1x16xf32>,
        %swap3A_258 = vector.shape_cast %swap3A_257 : vector<1x16xf32> to vector<16xf32>
        %swap3A_259 = vector.shape_cast %max3A_216 : vector<16xf32> to vector<1x16xf32>
        tpu.vector_store %arg24[%swap3A_255, %swap3A_256], %swap3A_259 {strides = array<i32>} : memref<64x128xf32, #tpu.memory_space<vmem>>, vector<1x16xf32>,
        %swap3A_260 = arith.index_cast %scan3A_108 : i32 to index
        %swap3A_261 = arith.constant 64 : index
        %swap3A_262 = tpu.vector_load %arg24[%swap3A_260, %swap3A_261] {strides = array<i32>} : memref<64x128xf32, #tpu.memory_space<vmem>>, vector<1x16xf32>,
        %swap3A_263 = vector.shape_cast %swap3A_262 : vector<1x16xf32> to vector<16xf32>
        %swap3A_264 = vector.shape_cast %max3A_222 : vector<16xf32> to vector<1x16xf32>
        tpu.vector_store %arg24[%swap3A_260, %swap3A_261], %swap3A_264 {strides = array<i32>} : memref<64x128xf32, #tpu.memory_space<vmem>>, vector<1x16xf32>,
        %swap3A_265 = arith.index_cast %scan3A_108 : i32 to index
        %swap3A_266 = arith.constant 80 : index
        %swap3A_267 = tpu.vector_load %arg24[%swap3A_265, %swap3A_266] {strides = array<i32>} : memref<64x128xf32, #tpu.memory_space<vmem>>, vector<1x16xf32>,
        %swap3A_268 = vector.shape_cast %swap3A_267 : vector<1x16xf32> to vector<16xf32>
        %swap3A_269 = vector.shape_cast %max3A_228 : vector<16xf32> to vector<1x16xf32>
        tpu.vector_store %arg24[%swap3A_265, %swap3A_266], %swap3A_269 {strides = array<i32>} : memref<64x128xf32, #tpu.memory_space<vmem>>, vector<1x16xf32>,
        %swap3A_270 = arith.index_cast %scan3A_108 : i32 to index
        %swap3A_271 = arith.constant 96 : index
        %swap3A_272 = tpu.vector_load %arg24[%swap3A_270, %swap3A_271] {strides = array<i32>} : memref<64x128xf32, #tpu.memory_space<vmem>>, vector<1x16xf32>,
        %swap3A_273 = vector.shape_cast %swap3A_272 : vector<1x16xf32> to vector<16xf32>
        %swap3A_274 = vector.shape_cast %max3A_234 : vector<16xf32> to vector<1x16xf32>
        tpu.vector_store %arg24[%swap3A_270, %swap3A_271], %swap3A_274 {strides = array<i32>} : memref<64x128xf32, #tpu.memory_space<vmem>>, vector<1x16xf32>,
        %swap3A_275 = arith.index_cast %scan3A_108 : i32 to index
        %swap3A_276 = arith.constant 112 : index
        %swap3A_277 = tpu.vector_load %arg24[%swap3A_275, %swap3A_276] {strides = array<i32>} : memref<64x128xf32, #tpu.memory_space<vmem>>, vector<1x16xf32>,
        %swap3A_278 = vector.shape_cast %swap3A_277 : vector<1x16xf32> to vector<16xf32>
        %swap3A_279 = vector.shape_cast %max3A_240 : vector<16xf32> to vector<1x16xf32>
        tpu.vector_store %arg24[%swap3A_275, %swap3A_276], %swap3A_279 {strides = array<i32>} : memref<64x128xf32, #tpu.memory_space<vmem>>, vector<1x16xf32>,
        %scan3A_280 = arith.constant 1 : i32
        %scan3A_281 = arith.addi %scan3A_108, %scan3A_280 : i32
        %get3A_282 = arith.index_cast %scan3A_281 : i32 to index
        %get3A_283 = arith.constant 0 : index
        %get3A_284 = tpu.vector_load %arg16[%get3A_282, %get3A_283] {strides = array<i32>} : memref<64x16xf32, #tpu.memory_space<vmem>>, vector<1x16xf32>,
        %get3A_285 = vector.shape_cast %get3A_284 : vector<1x16xf32> to vector<16xf32>
        %get3A_286 = arith.index_cast %scan3A_281 : i32 to index
        %get3A_287 = arith.constant 0 : index
        %get3A_288 = tpu.vector_load %arg17[%get3A_286, %get3A_287] {strides = array<i32>} : memref<64x16xf32, #tpu.memory_space<vmem>>, vector<1x16xf32>,
        %get3A_289 = vector.shape_cast %get3A_288 : vector<1x16xf32> to vector<16xf32>
        %sub3A_290 = arith.subf %get3A_285, %get3A_289 : vector<16xf32>
        %mul3A_291 = arith.mulf %sub3A_290, %sub3A_290 : vector<16xf32>
        %broadcast_in_dim3A_292 = arith.constant 0 : i32
        %broadcast_in_dim3A_293 = vector.broadcast %broadcast_in_dim3A_292 : i32 to vector<16x1xi32>
        %gather3A_294 = vector.shape_cast %broadcast_in_dim3A_293 : vector<16x1xi32> to vector<16xi32>
        %gather3A_295 = tpu.dynamic_gather %mul3A_291[%gather3A_294] in [0] : vector<16xf32>, vector<16xi32> -> vector<16xf32>
        %broadcast_in_dim3A_296 = arith.constant 1 : i32
        %broadcast_in_dim3A_297 = vector.broadcast %broadcast_in_dim3A_296 : i32 to vector<16x1xi32>
        %gather3A_298 = vector.shape_cast %broadcast_in_dim3A_297 : vector<16x1xi32> to vector<16xi32>
        %gather3A_299 = tpu.dynamic_gather %mul3A_291[%gather3A_298] in [0] : vector<16xf32>, vector<16xi32> -> vector<16xf32>
        %add3A_300 = arith.addf %gather3A_295, %gather3A_299 : vector<16xf32>
        %broadcast_in_dim3A_301 = arith.constant 2 : i32
        %broadcast_in_dim3A_302 = vector.broadcast %broadcast_in_dim3A_301 : i32 to vector<16x1xi32>
        %gather3A_303 = vector.shape_cast %broadcast_in_dim3A_302 : vector<16x1xi32> to vector<16xi32>
        %gather3A_304 = tpu.dynamic_gather %mul3A_291[%gather3A_303] in [0] : vector<16xf32>, vector<16xi32> -> vector<16xf32>
        %add3A_305 = arith.addf %add3A_300, %gather3A_304 : vector<16xf32>
        %get3A_306 = arith.index_cast %scan3A_281 : i32 to index
        %get3A_307 = arith.constant 0 : index
        %get3A_308 = tpu.vector_load %arg14[%get3A_306, %get3A_307] {strides = array<i32>} : memref<64x128xf32, #tpu.memory_space<vmem>>, vector<1x16xf32>,
        %get3A_309 = vector.shape_cast %get3A_308 : vector<1x16xf32> to vector<16xf32>
        %get3A_310 = arith.index_cast %scan3A_281 : i32 to index
        %get3A_311 = arith.constant 16 : index
        %get3A_312 = tpu.vector_load %arg14[%get3A_310, %get3A_311] {strides = array<i32>} : memref<64x128xf32, #tpu.memory_space<vmem>>, vector<1x16xf32>,
        %get3A_313 = vector.shape_cast %get3A_312 : vector<1x16xf32> to vector<16xf32>
        %get3A_314 = arith.index_cast %scan3A_281 : i32 to index
        %get3A_315 = arith.constant 32 : index
        %get3A_316 = tpu.vector_load %arg14[%get3A_314, %get3A_315] {strides = array<i32>} : memref<64x128xf32, #tpu.memory_space<vmem>>, vector<1x16xf32>,
        %get3A_317 = vector.shape_cast %get3A_316 : vector<1x16xf32> to vector<16xf32>
        %get3A_318 = arith.index_cast %scan3A_281 : i32 to index
        %get3A_319 = arith.constant 48 : index
        %get3A_320 = tpu.vector_load %arg14[%get3A_318, %get3A_319] {strides = array<i32>} : memref<64x128xf32, #tpu.memory_space<vmem>>, vector<1x16xf32>,
        %get3A_321 = vector.shape_cast %get3A_320 : vector<1x16xf32> to vector<16xf32>
        %get3A_322 = arith.index_cast %scan3A_281 : i32 to index
        %get3A_323 = arith.constant 64 : index
        %get3A_324 = tpu.vector_load %arg14[%get3A_322, %get3A_323] {strides = array<i32>} : memref<64x128xf32, #tpu.memory_space<vmem>>, vector<1x16xf32>,
        %get3A_325 = vector.shape_cast %get3A_324 : vector<1x16xf32> to vector<16xf32>
        %get3A_326 = arith.index_cast %scan3A_281 : i32 to index
        %get3A_327 = arith.constant 80 : index
        %get3A_328 = tpu.vector_load %arg14[%get3A_326, %get3A_327] {strides = array<i32>} : memref<64x128xf32, #tpu.memory_space<vmem>>, vector<1x16xf32>,
        %get3A_329 = vector.shape_cast %get3A_328 : vector<1x16xf32> to vector<16xf32>
        %get3A_330 = arith.index_cast %scan3A_281 : i32 to index
        %get3A_331 = arith.constant 96 : index
        %get3A_332 = tpu.vector_load %arg14[%get3A_330, %get3A_331] {strides = array<i32>} : memref<64x128xf32, #tpu.memory_space<vmem>>, vector<1x16xf32>,
        %get3A_333 = vector.shape_cast %get3A_332 : vector<1x16xf32> to vector<16xf32>
        %get3A_334 = arith.index_cast %scan3A_281 : i32 to index
        %get3A_335 = arith.constant 112 : index
        %get3A_336 = tpu.vector_load %arg14[%get3A_334, %get3A_335] {strides = array<i32>} : memref<64x128xf32, #tpu.memory_space<vmem>>, vector<1x16xf32>,
        %get3A_337 = vector.shape_cast %get3A_336 : vector<1x16xf32> to vector<16xf32>
        %get3A_338 = arith.index_cast %scan3A_281 : i32 to index
        %get3A_339 = arith.constant 0 : index
        %get3A_340 = tpu.vector_load %arg15[%get3A_338, %get3A_339] {strides = array<i32>} : memref<64x128xf32, #tpu.memory_space<vmem>>, vector<1x16xf32>,
        %get3A_341 = vector.shape_cast %get3A_340 : vector<1x16xf32> to vector<16xf32>
        %get3A_342 = arith.index_cast %scan3A_281 : i32 to index
        %get3A_343 = arith.constant 16 : index
        %get3A_344 = tpu.vector_load %arg15[%get3A_342, %get3A_343] {strides = array<i32>} : memref<64x128xf32, #tpu.memory_space<vmem>>, vector<1x16xf32>,
        %get3A_345 = vector.shape_cast %get3A_344 : vector<1x16xf32> to vector<16xf32>
        %get3A_346 = arith.index_cast %scan3A_281 : i32 to index
        %get3A_347 = arith.constant 32 : index
        %get3A_348 = tpu.vector_load %arg15[%get3A_346, %get3A_347] {strides = array<i32>} : memref<64x128xf32, #tpu.memory_space<vmem>>, vector<1x16xf32>,
        %get3A_349 = vector.shape_cast %get3A_348 : vector<1x16xf32> to vector<16xf32>
        %get3A_350 = arith.index_cast %scan3A_281 : i32 to index
        %get3A_351 = arith.constant 48 : index
        %get3A_352 = tpu.vector_load %arg15[%get3A_350, %get3A_351] {strides = array<i32>} : memref<64x128xf32, #tpu.memory_space<vmem>>, vector<1x16xf32>,
        %get3A_353 = vector.shape_cast %get3A_352 : vector<1x16xf32> to vector<16xf32>
        %get3A_354 = arith.index_cast %scan3A_281 : i32 to index
        %get3A_355 = arith.constant 64 : index
        %get3A_356 = tpu.vector_load %arg15[%get3A_354, %get3A_355] {strides = array<i32>} : memref<64x128xf32, #tpu.memory_space<vmem>>, vector<1x16xf32>,
        %get3A_357 = vector.shape_cast %get3A_356 : vector<1x16xf32> to vector<16xf32>
        %get3A_358 = arith.index_cast %scan3A_281 : i32 to index
        %get3A_359 = arith.constant 80 : index
        %get3A_360 = tpu.vector_load %arg15[%get3A_358, %get3A_359] {strides = array<i32>} : memref<64x128xf32, #tpu.memory_space<vmem>>, vector<1x16xf32>,
        %get3A_361 = vector.shape_cast %get3A_360 : vector<1x16xf32> to vector<16xf32>
        %get3A_362 = arith.index_cast %scan3A_281 : i32 to index
        %get3A_363 = arith.constant 96 : index
        %get3A_364 = tpu.vector_load %arg15[%get3A_362, %get3A_363] {strides = array<i32>} : memref<64x128xf32, #tpu.memory_space<vmem>>, vector<1x16xf32>,
        %get3A_365 = vector.shape_cast %get3A_364 : vector<1x16xf32> to vector<16xf32>
        %get3A_366 = arith.index_cast %scan3A_281 : i32 to index
        %get3A_367 = arith.constant 112 : index
        %get3A_368 = tpu.vector_load %arg15[%get3A_366, %get3A_367] {strides = array<i32>} : memref<64x128xf32, #tpu.memory_space<vmem>>, vector<1x16xf32>,
        %get3A_369 = vector.shape_cast %get3A_368 : vector<1x16xf32> to vector<16xf32>
        %add3A_370 = arith.addf %get3A_309, %get3A_341 : vector<16xf32>
        %mul3A_371 = arith.mulf %add3A_305, %get3A_4 : vector<16xf32>
        %add3A_372 = arith.addf %add3A_370, %mul3A_371 : vector<16xf32>
        %max3A_373 = arith.constant 0.000000e+00 : f32
        %max3A_374 = vector.broadcast %max3A_373 : f32 to vector<16xf32>
        %max3A_375 = arith.maximumf %add3A_372, %max3A_374 : vector<16xf32>
        %add3A_376 = arith.addf %get3A_313, %get3A_345 : vector<16xf32>
        %mul3A_377 = arith.mulf %add3A_305, %get3A_7 : vector<16xf32>
        %add3A_378 = arith.addf %add3A_376, %mul3A_377 : vector<16xf32>
        %max3A_379 = arith.constant 0.000000e+00 : f32
        %max3A_380 = vector.broadcast %max3A_379 : f32 to vector<16xf32>
        %max3A_381 = arith.maximumf %add3A_378, %max3A_380 : vector<16xf32>
        %add3A_382 = arith.addf %get3A_317, %get3A_349 : vector<16xf32>
        %mul3A_383 = arith.mulf %add3A_305, %get3A_10 : vector<16xf32>
        %add3A_384 = arith.addf %add3A_382, %mul3A_383 : vector<16xf32>
        %max3A_385 = arith.constant 0.000000e+00 : f32
        %max3A_386 = vector.broadcast %max3A_385 : f32 to vector<16xf32>
        %max3A_387 = arith.maximumf %add3A_384, %max3A_386 : vector<16xf32>
        %add3A_388 = arith.addf %get3A_321, %get3A_353 : vector<16xf32>
        %mul3A_389 = arith.mulf %add3A_305, %get3A_13 : vector<16xf32>
        %add3A_390 = arith.addf %add3A_388, %mul3A_389 : vector<16xf32>
        %max3A_391 = arith.constant 0.000000e+00 : f32
        %max3A_392 = vector.broadcast %max3A_391 : f32 to vector<16xf32>
        %max3A_393 = arith.maximumf %add3A_390, %max3A_392 : vector<16xf32>
        %add3A_394 = arith.addf %get3A_325, %get3A_357 : vector<16xf32>
        %mul3A_395 = arith.mulf %add3A_305, %get3A_16 : vector<16xf32>
        %add3A_396 = arith.addf %add3A_394, %mul3A_395 : vector<16xf32>
        %max3A_397 = arith.constant 0.000000e+00 : f32
        %max3A_398 = vector.broadcast %max3A_397 : f32 to vector<16xf32>
        %max3A_399 = arith.maximumf %add3A_396, %max3A_398 : vector<16xf32>
        %add3A_400 = arith.addf %get3A_329, %get3A_361 : vector<16xf32>
        %mul3A_401 = arith.mulf %add3A_305, %get3A_19 : vector<16xf32>
        %add3A_402 = arith.addf %add3A_400, %mul3A_401 : vector<16xf32>
        %max3A_403 = arith.constant 0.000000e+00 : f32
        %max3A_404 = vector.broadcast %max3A_403 : f32 to vector<16xf32>
        %max3A_405 = arith.maximumf %add3A_402, %max3A_404 : vector<16xf32>
        %add3A_406 = arith.addf %get3A_333, %get3A_365 : vector<16xf32>
        %mul3A_407 = arith.mulf %add3A_305, %get3A_22 : vector<16xf32>
        %add3A_408 = arith.addf %add3A_406, %mul3A_407 : vector<16xf32>
        %max3A_409 = arith.constant 0.000000e+00 : f32
        %max3A_410 = vector.broadcast %max3A_409 : f32 to vector<16xf32>
        %max3A_411 = arith.maximumf %add3A_408, %max3A_410 : vector<16xf32>
        %add3A_412 = arith.addf %get3A_337, %get3A_369 : vector<16xf32>
        %mul3A_413 = arith.mulf %add3A_305, %get3A_25 : vector<16xf32>
        %add3A_414 = arith.addf %add3A_412, %mul3A_413 : vector<16xf32>
        %max3A_415 = arith.constant 0.000000e+00 : f32
        %max3A_416 = vector.broadcast %max3A_415 : f32 to vector<16xf32>
        %max3A_417 = arith.maximumf %add3A_414, %max3A_416 : vector<16xf32>
        %swap3A_418 = arith.index_cast %scan3A_281 : i32 to index
        %swap3A_419 = arith.constant 0 : index
        %swap3A_420 = tpu.vector_load %arg24[%swap3A_418, %swap3A_419] {strides = array<i32>} : memref<64x128xf32, #tpu.memory_space<vmem>>, vector<1x16xf32>,
        %swap3A_421 = vector.shape_cast %swap3A_420 : vector<1x16xf32> to vector<16xf32>
        %swap3A_422 = vector.shape_cast %max3A_375 : vector<16xf32> to vector<1x16xf32>
        tpu.vector_store %arg24[%swap3A_418, %swap3A_419], %swap3A_422 {strides = array<i32>} : memref<64x128xf32, #tpu.memory_space<vmem>>, vector<1x16xf32>,
        %swap3A_423 = arith.index_cast %scan3A_281 : i32 to index
        %swap3A_424 = arith.constant 16 : index
        %swap3A_425 = tpu.vector_load %arg24[%swap3A_423, %swap3A_424] {strides = array<i32>} : memref<64x128xf32, #tpu.memory_space<vmem>>, vector<1x16xf32>,
        %swap3A_426 = vector.shape_cast %swap3A_425 : vector<1x16xf32> to vector<16xf32>
        %swap3A_427 = vector.shape_cast %max3A_381 : vector<16xf32> to vector<1x16xf32>
        tpu.vector_store %arg24[%swap3A_423, %swap3A_424], %swap3A_427 {strides = array<i32>} : memref<64x128xf32, #tpu.memory_space<vmem>>, vector<1x16xf32>,
        %swap3A_428 = arith.index_cast %scan3A_281 : i32 to index
        %swap3A_429 = arith.constant 32 : index
        %swap3A_430 = tpu.vector_load %arg24[%swap3A_428, %swap3A_429] {strides = array<i32>} : memref<64x128xf32, #tpu.memory_space<vmem>>, vector<1x16xf32>,
        %swap3A_431 = vector.shape_cast %swap3A_430 : vector<1x16xf32> to vector<16xf32>
        %swap3A_432 = vector.shape_cast %max3A_387 : vector<16xf32> to vector<1x16xf32>
        tpu.vector_store %arg24[%swap3A_428, %swap3A_429], %swap3A_432 {strides = array<i32>} : memref<64x128xf32, #tpu.memory_space<vmem>>, vector<1x16xf32>,
        %swap3A_433 = arith.index_cast %scan3A_281 : i32 to index
        %swap3A_434 = arith.constant 48 : index
        %swap3A_435 = tpu.vector_load %arg24[%swap3A_433, %swap3A_434] {strides = array<i32>} : memref<64x128xf32, #tpu.memory_space<vmem>>, vector<1x16xf32>,
        %swap3A_436 = vector.shape_cast %swap3A_435 : vector<1x16xf32> to vector<16xf32>
        %swap3A_437 = vector.shape_cast %max3A_393 : vector<16xf32> to vector<1x16xf32>
        tpu.vector_store %arg24[%swap3A_433, %swap3A_434], %swap3A_437 {strides = array<i32>} : memref<64x128xf32, #tpu.memory_space<vmem>>, vector<1x16xf32>,
        %swap3A_438 = arith.index_cast %scan3A_281 : i32 to index
        %swap3A_439 = arith.constant 64 : index
        %swap3A_440 = tpu.vector_load %arg24[%swap3A_438, %swap3A_439] {strides = array<i32>} : memref<64x128xf32, #tpu.memory_space<vmem>>, vector<1x16xf32>,
        %swap3A_441 = vector.shape_cast %swap3A_440 : vector<1x16xf32> to vector<16xf32>
        %swap3A_442 = vector.shape_cast %max3A_399 : vector<16xf32> to vector<1x16xf32>
        tpu.vector_store %arg24[%swap3A_438, %swap3A_439], %swap3A_442 {strides = array<i32>} : memref<64x128xf32, #tpu.memory_space<vmem>>, vector<1x16xf32>,
        %swap3A_443 = arith.index_cast %scan3A_281 : i32 to index
        %swap3A_444 = arith.constant 80 : index
        %swap3A_445 = tpu.vector_load %arg24[%swap3A_443, %swap3A_444] {strides = array<i32>} : memref<64x128xf32, #tpu.memory_space<vmem>>, vector<1x16xf32>,
        %swap3A_446 = vector.shape_cast %swap3A_445 : vector<1x16xf32> to vector<16xf32>
        %swap3A_447 = vector.shape_cast %max3A_405 : vector<16xf32> to vector<1x16xf32>
        tpu.vector_store %arg24[%swap3A_443, %swap3A_444], %swap3A_447 {strides = array<i32>} : memref<64x128xf32, #tpu.memory_space<vmem>>, vector<1x16xf32>,
        %swap3A_448 = arith.index_cast %scan3A_281 : i32 to index
        %swap3A_449 = arith.constant 96 : index
        %swap3A_450 = tpu.vector_load %arg24[%swap3A_448, %swap3A_449] {strides = array<i32>} : memref<64x128xf32, #tpu.memory_space<vmem>>, vector<1x16xf32>,
        %swap3A_451 = vector.shape_cast %swap3A_450 : vector<1x16xf32> to vector<16xf32>
        %swap3A_452 = vector.shape_cast %max3A_411 : vector<16xf32> to vector<1x16xf32>
        tpu.vector_store %arg24[%swap3A_448, %swap3A_449], %swap3A_452 {strides = array<i32>} : memref<64x128xf32, #tpu.memory_space<vmem>>, vector<1x16xf32>,
        %swap3A_453 = arith.index_cast %scan3A_281 : i32 to index
        %swap3A_454 = arith.constant 112 : index
        %swap3A_455 = tpu.vector_load %arg24[%swap3A_453, %swap3A_454] {strides = array<i32>} : memref<64x128xf32, #tpu.memory_space<vmem>>, vector<1x16xf32>,
        %swap3A_456 = vector.shape_cast %swap3A_455 : vector<1x16xf32> to vector<16xf32>
        %swap3A_457 = vector.shape_cast %max3A_417 : vector<16xf32> to vector<1x16xf32>
        tpu.vector_store %arg24[%swap3A_453, %swap3A_454], %swap3A_457 {strides = array<i32>} : memref<64x128xf32, #tpu.memory_space<vmem>>, vector<1x16xf32>,
        %scan3A_458 = arith.constant 2 : i32
        %scan3A_459 = arith.addi %scan3A_108, %scan3A_458 : i32
        %get3A_460 = arith.index_cast %scan3A_459 : i32 to index
        %get3A_461 = arith.constant 0 : index
        %get3A_462 = tpu.vector_load %arg16[%get3A_460, %get3A_461] {strides = array<i32>} : memref<64x16xf32, #tpu.memory_space<vmem>>, vector<1x16xf32>,
        %get3A_463 = vector.shape_cast %get3A_462 : vector<1x16xf32> to vector<16xf32>
        %get3A_464 = arith.index_cast %scan3A_459 : i32 to index
        %get3A_465 = arith.constant 0 : index
        %get3A_466 = tpu.vector_load %arg17[%get3A_464, %get3A_465] {strides = array<i32>} : memref<64x16xf32, #tpu.memory_space<vmem>>, vector<1x16xf32>,
        %get3A_467 = vector.shape_cast %get3A_466 : vector<1x16xf32> to vector<16xf32>
        %sub3A_468 = arith.subf %get3A_463, %get3A_467 : vector<16xf32>
        %mul3A_469 = arith.mulf %sub3A_468, %sub3A_468 : vector<16xf32>
        %broadcast_in_dim3A_470 = arith.constant 0 : i32
        %broadcast_in_dim3A_471 = vector.broadcast %broadcast_in_dim3A_470 : i32 to vector<16x1xi32>
        %gather3A_472 = vector.shape_cast %broadcast_in_dim3A_471 : vector<16x1xi32> to vector<16xi32>
        %gather3A_473 = tpu.dynamic_gather %mul3A_469[%gather3A_472] in [0] : vector<16xf32>, vector<16xi32> -> vector<16xf32>
        %broadcast_in_dim3A_474 = arith.constant 1 : i32
        %broadcast_in_dim3A_475 = vector.broadcast %broadcast_in_dim3A_474 : i32 to vector<16x1xi32>
        %gather3A_476 = vector.shape_cast %broadcast_in_dim3A_475 : vector<16x1xi32> to vector<16xi32>
        %gather3A_477 = tpu.dynamic_gather %mul3A_469[%gather3A_476] in [0] : vector<16xf32>, vector<16xi32> -> vector<16xf32>
        %add3A_478 = arith.addf %gather3A_473, %gather3A_477 : vector<16xf32>
        %broadcast_in_dim3A_479 = arith.constant 2 : i32
        %broadcast_in_dim3A_480 = vector.broadcast %broadcast_in_dim3A_479 : i32 to vector<16x1xi32>
        %gather3A_481 = vector.shape_cast %broadcast_in_dim3A_480 : vector<16x1xi32> to vector<16xi32>
        %gather3A_482 = tpu.dynamic_gather %mul3A_469[%gather3A_481] in [0] : vector<16xf32>, vector<16xi32> -> vector<16xf32>
        %add3A_483 = arith.addf %add3A_478, %gather3A_482 : vector<16xf32>
        %get3A_484 = arith.index_cast %scan3A_459 : i32 to index
        %get3A_485 = arith.constant 0 : index
        %get3A_486 = tpu.vector_load %arg14[%get3A_484, %get3A_485] {strides = array<i32>} : memref<64x128xf32, #tpu.memory_space<vmem>>, vector<1x16xf32>,
        %get3A_487 = vector.shape_cast %get3A_486 : vector<1x16xf32> to vector<16xf32>
        %get3A_488 = arith.index_cast %scan3A_459 : i32 to index
        %get3A_489 = arith.constant 16 : index
        %get3A_490 = tpu.vector_load %arg14[%get3A_488, %get3A_489] {strides = array<i32>} : memref<64x128xf32, #tpu.memory_space<vmem>>, vector<1x16xf32>,
        %get3A_491 = vector.shape_cast %get3A_490 : vector<1x16xf32> to vector<16xf32>
        %get3A_492 = arith.index_cast %scan3A_459 : i32 to index
        %get3A_493 = arith.constant 32 : index
        %get3A_494 = tpu.vector_load %arg14[%get3A_492, %get3A_493] {strides = array<i32>} : memref<64x128xf32, #tpu.memory_space<vmem>>, vector<1x16xf32>,
        %get3A_495 = vector.shape_cast %get3A_494 : vector<1x16xf32> to vector<16xf32>
        %get3A_496 = arith.index_cast %scan3A_459 : i32 to index
        %get3A_497 = arith.constant 48 : index
        %get3A_498 = tpu.vector_load %arg14[%get3A_496, %get3A_497] {strides = array<i32>} : memref<64x128xf32, #tpu.memory_space<vmem>>, vector<1x16xf32>,
        %get3A_499 = vector.shape_cast %get3A_498 : vector<1x16xf32> to vector<16xf32>
        %get3A_500 = arith.index_cast %scan3A_459 : i32 to index
        %get3A_501 = arith.constant 64 : index
        %get3A_502 = tpu.vector_load %arg14[%get3A_500, %get3A_501] {strides = array<i32>} : memref<64x128xf32, #tpu.memory_space<vmem>>, vector<1x16xf32>,
        %get3A_503 = vector.shape_cast %get3A_502 : vector<1x16xf32> to vector<16xf32>
        %get3A_504 = arith.index_cast %scan3A_459 : i32 to index
        %get3A_505 = arith.constant 80 : index
        %get3A_506 = tpu.vector_load %arg14[%get3A_504, %get3A_505] {strides = array<i32>} : memref<64x128xf32, #tpu.memory_space<vmem>>, vector<1x16xf32>,
        %get3A_507 = vector.shape_cast %get3A_506 : vector<1x16xf32> to vector<16xf32>
        %get3A_508 = arith.index_cast %scan3A_459 : i32 to index
        %get3A_509 = arith.constant 96 : index
        %get3A_510 = tpu.vector_load %arg14[%get3A_508, %get3A_509] {strides = array<i32>} : memref<64x128xf32, #tpu.memory_space<vmem>>, vector<1x16xf32>,
        %get3A_511 = vector.shape_cast %get3A_510 : vector<1x16xf32> to vector<16xf32>
        %get3A_512 = arith.index_cast %scan3A_459 : i32 to index
        %get3A_513 = arith.constant 112 : index
        %get3A_514 = tpu.vector_load %arg14[%get3A_512, %get3A_513] {strides = array<i32>} : memref<64x128xf32, #tpu.memory_space<vmem>>, vector<1x16xf32>,
        %get3A_515 = vector.shape_cast %get3A_514 : vector<1x16xf32> to vector<16xf32>
        %get3A_516 = arith.index_cast %scan3A_459 : i32 to index
        %get3A_517 = arith.constant 0 : index
        %get3A_518 = tpu.vector_load %arg15[%get3A_516, %get3A_517] {strides = array<i32>} : memref<64x128xf32, #tpu.memory_space<vmem>>, vector<1x16xf32>,
        %get3A_519 = vector.shape_cast %get3A_518 : vector<1x16xf32> to vector<16xf32>
        %get3A_520 = arith.index_cast %scan3A_459 : i32 to index
        %get3A_521 = arith.constant 16 : index
        %get3A_522 = tpu.vector_load %arg15[%get3A_520, %get3A_521] {strides = array<i32>} : memref<64x128xf32, #tpu.memory_space<vmem>>, vector<1x16xf32>,
        %get3A_523 = vector.shape_cast %get3A_522 : vector<1x16xf32> to vector<16xf32>
        %get3A_524 = arith.index_cast %scan3A_459 : i32 to index
        %get3A_525 = arith.constant 32 : index
        %get3A_526 = tpu.vector_load %arg15[%get3A_524, %get3A_525] {strides = array<i32>} : memref<64x128xf32, #tpu.memory_space<vmem>>, vector<1x16xf32>,
        %get3A_527 = vector.shape_cast %get3A_526 : vector<1x16xf32> to vector<16xf32>
        %get3A_528 = arith.index_cast %scan3A_459 : i32 to index
        %get3A_529 = arith.constant 48 : index
        %get3A_530 = tpu.vector_load %arg15[%get3A_528, %get3A_529] {strides = array<i32>} : memref<64x128xf32, #tpu.memory_space<vmem>>, vector<1x16xf32>,
        %get3A_531 = vector.shape_cast %get3A_530 : vector<1x16xf32> to vector<16xf32>
        %get3A_532 = arith.index_cast %scan3A_459 : i32 to index
        %get3A_533 = arith.constant 64 : index
        %get3A_534 = tpu.vector_load %arg15[%get3A_532, %get3A_533] {strides = array<i32>} : memref<64x128xf32, #tpu.memory_space<vmem>>, vector<1x16xf32>,
        %get3A_535 = vector.shape_cast %get3A_534 : vector<1x16xf32> to vector<16xf32>
        %get3A_536 = arith.index_cast %scan3A_459 : i32 to index
        %get3A_537 = arith.constant 80 : index
        %get3A_538 = tpu.vector_load %arg15[%get3A_536, %get3A_537] {strides = array<i32>} : memref<64x128xf32, #tpu.memory_space<vmem>>, vector<1x16xf32>,
        %get3A_539 = vector.shape_cast %get3A_538 : vector<1x16xf32> to vector<16xf32>
        %get3A_540 = arith.index_cast %scan3A_459 : i32 to index
        %get3A_541 = arith.constant 96 : index
        %get3A_542 = tpu.vector_load %arg15[%get3A_540, %get3A_541] {strides = array<i32>} : memref<64x128xf32, #tpu.memory_space<vmem>>, vector<1x16xf32>,
        %get3A_543 = vector.shape_cast %get3A_542 : vector<1x16xf32> to vector<16xf32>
        %get3A_544 = arith.index_cast %scan3A_459 : i32 to index
        %get3A_545 = arith.constant 112 : index
        %get3A_546 = tpu.vector_load %arg15[%get3A_544, %get3A_545] {strides = array<i32>} : memref<64x128xf32, #tpu.memory_space<vmem>>, vector<1x16xf32>,
        %get3A_547 = vector.shape_cast %get3A_546 : vector<1x16xf32> to vector<16xf32>
        %add3A_548 = arith.addf %get3A_487, %get3A_519 : vector<16xf32>
        %mul3A_549 = arith.mulf %add3A_483, %get3A_4 : vector<16xf32>
        %add3A_550 = arith.addf %add3A_548, %mul3A_549 : vector<16xf32>
        %max3A_551 = arith.constant 0.000000e+00 : f32
        %max3A_552 = vector.broadcast %max3A_551 : f32 to vector<16xf32>
        %max3A_553 = arith.maximumf %add3A_550, %max3A_552 : vector<16xf32>
        %add3A_554 = arith.addf %get3A_491, %get3A_523 : vector<16xf32>
        %mul3A_555 = arith.mulf %add3A_483, %get3A_7 : vector<16xf32>
        %add3A_556 = arith.addf %add3A_554, %mul3A_555 : vector<16xf32>
        %max3A_557 = arith.constant 0.000000e+00 : f32
        %max3A_558 = vector.broadcast %max3A_557 : f32 to vector<16xf32>
        %max3A_559 = arith.maximumf %add3A_556, %max3A_558 : vector<16xf32>
        %add3A_560 = arith.addf %get3A_495, %get3A_527 : vector<16xf32>
        %mul3A_561 = arith.mulf %add3A_483, %get3A_10 : vector<16xf32>
        %add3A_562 = arith.addf %add3A_560, %mul3A_561 : vector<16xf32>
        %max3A_563 = arith.constant 0.000000e+00 : f32
        %max3A_564 = vector.broadcast %max3A_563 : f32 to vector<16xf32>
        %max3A_565 = arith.maximumf %add3A_562, %max3A_564 : vector<16xf32>
        %add3A_566 = arith.addf %get3A_499, %get3A_531 : vector<16xf32>
        %mul3A_567 = arith.mulf %add3A_483, %get3A_13 : vector<16xf32>
        %add3A_568 = arith.addf %add3A_566, %mul3A_567 : vector<16xf32>
        %max3A_569 = arith.constant 0.000000e+00 : f32
        %max3A_570 = vector.broadcast %max3A_569 : f32 to vector<16xf32>
        %max3A_571 = arith.maximumf %add3A_568, %max3A_570 : vector<16xf32>
        %add3A_572 = arith.addf %get3A_503, %get3A_535 : vector<16xf32>
        %mul3A_573 = arith.mulf %add3A_483, %get3A_16 : vector<16xf32>
        %add3A_574 = arith.addf %add3A_572, %mul3A_573 : vector<16xf32>
        %max3A_575 = arith.constant 0.000000e+00 : f32
        %max3A_576 = vector.broadcast %max3A_575 : f32 to vector<16xf32>
        %max3A_577 = arith.maximumf %add3A_574, %max3A_576 : vector<16xf32>
        %add3A_578 = arith.addf %get3A_507, %get3A_539 : vector<16xf32>
        %mul3A_579 = arith.mulf %add3A_483, %get3A_19 : vector<16xf32>
        %add3A_580 = arith.addf %add3A_578, %mul3A_579 : vector<16xf32>
        %max3A_581 = arith.constant 0.000000e+00 : f32
        %max3A_582 = vector.broadcast %max3A_581 : f32 to vector<16xf32>
        %max3A_583 = arith.maximumf %add3A_580, %max3A_582 : vector<16xf32>
        %add3A_584 = arith.addf %get3A_511, %get3A_543 : vector<16xf32>
        %mul3A_585 = arith.mulf %add3A_483, %get3A_22 : vector<16xf32>
        %add3A_586 = arith.addf %add3A_584, %mul3A_585 : vector<16xf32>
        %max3A_587 = arith.constant 0.000000e+00 : f32
        %max3A_588 = vector.broadcast %max3A_587 : f32 to vector<16xf32>
        %max3A_589 = arith.maximumf %add3A_586, %max3A_588 : vector<16xf32>
        %add3A_590 = arith.addf %get3A_515, %get3A_547 : vector<16xf32>
        %mul3A_591 = arith.mulf %add3A_483, %get3A_25 : vector<16xf32>
        %add3A_592 = arith.addf %add3A_590, %mul3A_591 : vector<16xf32>
        %max3A_593 = arith.constant 0.000000e+00 : f32
        %max3A_594 = vector.broadcast %max3A_593 : f32 to vector<16xf32>
        %max3A_595 = arith.maximumf %add3A_592, %max3A_594 : vector<16xf32>
        %swap3A_596 = arith.index_cast %scan3A_459 : i32 to index
        %swap3A_597 = arith.constant 0 : index
        %swap3A_598 = tpu.vector_load %arg24[%swap3A_596, %swap3A_597] {strides = array<i32>} : memref<64x128xf32, #tpu.memory_space<vmem>>, vector<1x16xf32>,
        %swap3A_599 = vector.shape_cast %swap3A_598 : vector<1x16xf32> to vector<16xf32>
        %swap3A_600 = vector.shape_cast %max3A_553 : vector<16xf32> to vector<1x16xf32>
        tpu.vector_store %arg24[%swap3A_596, %swap3A_597], %swap3A_600 {strides = array<i32>} : memref<64x128xf32, #tpu.memory_space<vmem>>, vector<1x16xf32>,
        %swap3A_601 = arith.index_cast %scan3A_459 : i32 to index
        %swap3A_602 = arith.constant 16 : index
        %swap3A_603 = tpu.vector_load %arg24[%swap3A_601, %swap3A_602] {strides = array<i32>} : memref<64x128xf32, #tpu.memory_space<vmem>>, vector<1x16xf32>,
        %swap3A_604 = vector.shape_cast %swap3A_603 : vector<1x16xf32> to vector<16xf32>
        %swap3A_605 = vector.shape_cast %max3A_559 : vector<16xf32> to vector<1x16xf32>
        tpu.vector_store %arg24[%swap3A_601, %swap3A_602], %swap3A_605 {strides = array<i32>} : memref<64x128xf32, #tpu.memory_space<vmem>>, vector<1x16xf32>,
        %swap3A_606 = arith.index_cast %scan3A_459 : i32 to index
        %swap3A_607 = arith.constant 32 : index
        %swap3A_608 = tpu.vector_load %arg24[%swap3A_606, %swap3A_607] {strides = array<i32>} : memref<64x128xf32, #tpu.memory_space<vmem>>, vector<1x16xf32>,
        %swap3A_609 = vector.shape_cast %swap3A_608 : vector<1x16xf32> to vector<16xf32>
        %swap3A_610 = vector.shape_cast %max3A_565 : vector<16xf32> to vector<1x16xf32>
        tpu.vector_store %arg24[%swap3A_606, %swap3A_607], %swap3A_610 {strides = array<i32>} : memref<64x128xf32, #tpu.memory_space<vmem>>, vector<1x16xf32>,
        %swap3A_611 = arith.index_cast %scan3A_459 : i32 to index
        %swap3A_612 = arith.constant 48 : index
        %swap3A_613 = tpu.vector_load %arg24[%swap3A_611, %swap3A_612] {strides = array<i32>} : memref<64x128xf32, #tpu.memory_space<vmem>>, vector<1x16xf32>,
        %swap3A_614 = vector.shape_cast %swap3A_613 : vector<1x16xf32> to vector<16xf32>
        %swap3A_615 = vector.shape_cast %max3A_571 : vector<16xf32> to vector<1x16xf32>
        tpu.vector_store %arg24[%swap3A_611, %swap3A_612], %swap3A_615 {strides = array<i32>} : memref<64x128xf32, #tpu.memory_space<vmem>>, vector<1x16xf32>,
        %swap3A_616 = arith.index_cast %scan3A_459 : i32 to index
        %swap3A_617 = arith.constant 64 : index
        %swap3A_618 = tpu.vector_load %arg24[%swap3A_616, %swap3A_617] {strides = array<i32>} : memref<64x128xf32, #tpu.memory_space<vmem>>, vector<1x16xf32>,
        %swap3A_619 = vector.shape_cast %swap3A_618 : vector<1x16xf32> to vector<16xf32>
        %swap3A_620 = vector.shape_cast %max3A_577 : vector<16xf32> to vector<1x16xf32>
        tpu.vector_store %arg24[%swap3A_616, %swap3A_617], %swap3A_620 {strides = array<i32>} : memref<64x128xf32, #tpu.memory_space<vmem>>, vector<1x16xf32>,
        %swap3A_621 = arith.index_cast %scan3A_459 : i32 to index
        %swap3A_622 = arith.constant 80 : index
        %swap3A_623 = tpu.vector_load %arg24[%swap3A_621, %swap3A_622] {strides = array<i32>} : memref<64x128xf32, #tpu.memory_space<vmem>>, vector<1x16xf32>,
        %swap3A_624 = vector.shape_cast %swap3A_623 : vector<1x16xf32> to vector<16xf32>
        %swap3A_625 = vector.shape_cast %max3A_583 : vector<16xf32> to vector<1x16xf32>
        tpu.vector_store %arg24[%swap3A_621, %swap3A_622], %swap3A_625 {strides = array<i32>} : memref<64x128xf32, #tpu.memory_space<vmem>>, vector<1x16xf32>,
        %swap3A_626 = arith.index_cast %scan3A_459 : i32 to index
        %swap3A_627 = arith.constant 96 : index
        %swap3A_628 = tpu.vector_load %arg24[%swap3A_626, %swap3A_627] {strides = array<i32>} : memref<64x128xf32, #tpu.memory_space<vmem>>, vector<1x16xf32>,
        %swap3A_629 = vector.shape_cast %swap3A_628 : vector<1x16xf32> to vector<16xf32>
        %swap3A_630 = vector.shape_cast %max3A_589 : vector<16xf32> to vector<1x16xf32>
        tpu.vector_store %arg24[%swap3A_626, %swap3A_627], %swap3A_630 {strides = array<i32>} : memref<64x128xf32, #tpu.memory_space<vmem>>, vector<1x16xf32>,
        %swap3A_631 = arith.index_cast %scan3A_459 : i32 to index
        %swap3A_632 = arith.constant 112 : index
        %swap3A_633 = tpu.vector_load %arg24[%swap3A_631, %swap3A_632] {strides = array<i32>} : memref<64x128xf32, #tpu.memory_space<vmem>>, vector<1x16xf32>,
        %swap3A_634 = vector.shape_cast %swap3A_633 : vector<1x16xf32> to vector<16xf32>
        %swap3A_635 = vector.shape_cast %max3A_595 : vector<16xf32> to vector<1x16xf32>
        tpu.vector_store %arg24[%swap3A_631, %swap3A_632], %swap3A_635 {strides = array<i32>} : memref<64x128xf32, #tpu.memory_space<vmem>>, vector<1x16xf32>,
        %scan3A_636 = arith.constant 3 : i32
        %scan3A_637 = arith.addi %scan3A_108, %scan3A_636 : i32
        %get3A_638 = arith.index_cast %scan3A_637 : i32 to index
        %get3A_639 = arith.constant 0 : index
        %get3A_640 = tpu.vector_load %arg16[%get3A_638, %get3A_639] {strides = array<i32>} : memref<64x16xf32, #tpu.memory_space<vmem>>, vector<1x16xf32>,
        %get3A_641 = vector.shape_cast %get3A_640 : vector<1x16xf32> to vector<16xf32>
        %get3A_642 = arith.index_cast %scan3A_637 : i32 to index
        %get3A_643 = arith.constant 0 : index
        %get3A_644 = tpu.vector_load %arg17[%get3A_642, %get3A_643] {strides = array<i32>} : memref<64x16xf32, #tpu.memory_space<vmem>>, vector<1x16xf32>,
        %get3A_645 = vector.shape_cast %get3A_644 : vector<1x16xf32> to vector<16xf32>
        %sub3A_646 = arith.subf %get3A_641, %get3A_645 : vector<16xf32>
        %mul3A_647 = arith.mulf %sub3A_646, %sub3A_646 : vector<16xf32>
        %broadcast_in_dim3A_648 = arith.constant 0 : i32
        %broadcast_in_dim3A_649 = vector.broadcast %broadcast_in_dim3A_648 : i32 to vector<16x1xi32>
        %gather3A_650 = vector.shape_cast %broadcast_in_dim3A_649 : vector<16x1xi32> to vector<16xi32>
        %gather3A_651 = tpu.dynamic_gather %mul3A_647[%gather3A_650] in [0] : vector<16xf32>, vector<16xi32> -> vector<16xf32>
        %broadcast_in_dim3A_652 = arith.constant 1 : i32
        %broadcast_in_dim3A_653 = vector.broadcast %broadcast_in_dim3A_652 : i32 to vector<16x1xi32>
        %gather3A_654 = vector.shape_cast %broadcast_in_dim3A_653 : vector<16x1xi32> to vector<16xi32>
        %gather3A_655 = tpu.dynamic_gather %mul3A_647[%gather3A_654] in [0] : vector<16xf32>, vector<16xi32> -> vector<16xf32>
        %add3A_656 = arith.addf %gather3A_651, %gather3A_655 : vector<16xf32>
        %broadcast_in_dim3A_657 = arith.constant 2 : i32
        %broadcast_in_dim3A_658 = vector.broadcast %broadcast_in_dim3A_657 : i32 to vector<16x1xi32>
        %gather3A_659 = vector.shape_cast %broadcast_in_dim3A_658 : vector<16x1xi32> to vector<16xi32>
        %gather3A_660 = tpu.dynamic_gather %mul3A_647[%gather3A_659] in [0] : vector<16xf32>, vector<16xi32> -> vector<16xf32>
        %add3A_661 = arith.addf %add3A_656, %gather3A_660 : vector<16xf32>
        %get3A_662 = arith.index_cast %scan3A_637 : i32 to index
        %get3A_663 = arith.constant 0 : index
        %get3A_664 = tpu.vector_load %arg14[%get3A_662, %get3A_663] {strides = array<i32>} : memref<64x128xf32, #tpu.memory_space<vmem>>, vector<1x16xf32>,
        %get3A_665 = vector.shape_cast %get3A_664 : vector<1x16xf32> to vector<16xf32>
        %get3A_666 = arith.index_cast %scan3A_637 : i32 to index
        %get3A_667 = arith.constant 16 : index
        %get3A_668 = tpu.vector_load %arg14[%get3A_666, %get3A_667] {strides = array<i32>} : memref<64x128xf32, #tpu.memory_space<vmem>>, vector<1x16xf32>,
        %get3A_669 = vector.shape_cast %get3A_668 : vector<1x16xf32> to vector<16xf32>
        %get3A_670 = arith.index_cast %scan3A_637 : i32 to index
        %get3A_671 = arith.constant 32 : index
        %get3A_672 = tpu.vector_load %arg14[%get3A_670, %get3A_671] {strides = array<i32>} : memref<64x128xf32, #tpu.memory_space<vmem>>, vector<1x16xf32>,
        %get3A_673 = vector.shape_cast %get3A_672 : vector<1x16xf32> to vector<16xf32>
        %get3A_674 = arith.index_cast %scan3A_637 : i32 to index
        %get3A_675 = arith.constant 48 : index
        %get3A_676 = tpu.vector_load %arg14[%get3A_674, %get3A_675] {strides = array<i32>} : memref<64x128xf32, #tpu.memory_space<vmem>>, vector<1x16xf32>,
        %get3A_677 = vector.shape_cast %get3A_676 : vector<1x16xf32> to vector<16xf32>
        %get3A_678 = arith.index_cast %scan3A_637 : i32 to index
        %get3A_679 = arith.constant 64 : index
        %get3A_680 = tpu.vector_load %arg14[%get3A_678, %get3A_679] {strides = array<i32>} : memref<64x128xf32, #tpu.memory_space<vmem>>, vector<1x16xf32>,
        %get3A_681 = vector.shape_cast %get3A_680 : vector<1x16xf32> to vector<16xf32>
        %get3A_682 = arith.index_cast %scan3A_637 : i32 to index
        %get3A_683 = arith.constant 80 : index
        %get3A_684 = tpu.vector_load %arg14[%get3A_682, %get3A_683] {strides = array<i32>} : memref<64x128xf32, #tpu.memory_space<vmem>>, vector<1x16xf32>,
        %get3A_685 = vector.shape_cast %get3A_684 : vector<1x16xf32> to vector<16xf32>
        %get3A_686 = arith.index_cast %scan3A_637 : i32 to index
        %get3A_687 = arith.constant 96 : index
        %get3A_688 = tpu.vector_load %arg14[%get3A_686, %get3A_687] {strides = array<i32>} : memref<64x128xf32, #tpu.memory_space<vmem>>, vector<1x16xf32>,
        %get3A_689 = vector.shape_cast %get3A_688 : vector<1x16xf32> to vector<16xf32>
        %get3A_690 = arith.index_cast %scan3A_637 : i32 to index
        %get3A_691 = arith.constant 112 : index
        %get3A_692 = tpu.vector_load %arg14[%get3A_690, %get3A_691] {strides = array<i32>} : memref<64x128xf32, #tpu.memory_space<vmem>>, vector<1x16xf32>,
        %get3A_693 = vector.shape_cast %get3A_692 : vector<1x16xf32> to vector<16xf32>
        %get3A_694 = arith.index_cast %scan3A_637 : i32 to index
        %get3A_695 = arith.constant 0 : index
        %get3A_696 = tpu.vector_load %arg15[%get3A_694, %get3A_695] {strides = array<i32>} : memref<64x128xf32, #tpu.memory_space<vmem>>, vector<1x16xf32>,
        %get3A_697 = vector.shape_cast %get3A_696 : vector<1x16xf32> to vector<16xf32>
        %get3A_698 = arith.index_cast %scan3A_637 : i32 to index
        %get3A_699 = arith.constant 16 : index
        %get3A_700 = tpu.vector_load %arg15[%get3A_698, %get3A_699] {strides = array<i32>} : memref<64x128xf32, #tpu.memory_space<vmem>>, vector<1x16xf32>,
        %get3A_701 = vector.shape_cast %get3A_700 : vector<1x16xf32> to vector<16xf32>
        %get3A_702 = arith.index_cast %scan3A_637 : i32 to index
        %get3A_703 = arith.constant 32 : index
        %get3A_704 = tpu.vector_load %arg15[%get3A_702, %get3A_703] {strides = array<i32>} : memref<64x128xf32, #tpu.memory_space<vmem>>, vector<1x16xf32>,
        %get3A_705 = vector.shape_cast %get3A_704 : vector<1x16xf32> to vector<16xf32>
        %get3A_706 = arith.index_cast %scan3A_637 : i32 to index
        %get3A_707 = arith.constant 48 : index
        %get3A_708 = tpu.vector_load %arg15[%get3A_706, %get3A_707] {strides = array<i32>} : memref<64x128xf32, #tpu.memory_space<vmem>>, vector<1x16xf32>,
        %get3A_709 = vector.shape_cast %get3A_708 : vector<1x16xf32> to vector<16xf32>
        %get3A_710 = arith.index_cast %scan3A_637 : i32 to index
        %get3A_711 = arith.constant 64 : index
        %get3A_712 = tpu.vector_load %arg15[%get3A_710, %get3A_711] {strides = array<i32>} : memref<64x128xf32, #tpu.memory_space<vmem>>, vector<1x16xf32>,
        %get3A_713 = vector.shape_cast %get3A_712 : vector<1x16xf32> to vector<16xf32>
        %get3A_714 = arith.index_cast %scan3A_637 : i32 to index
        %get3A_715 = arith.constant 80 : index
        %get3A_716 = tpu.vector_load %arg15[%get3A_714, %get3A_715] {strides = array<i32>} : memref<64x128xf32, #tpu.memory_space<vmem>>, vector<1x16xf32>,
        %get3A_717 = vector.shape_cast %get3A_716 : vector<1x16xf32> to vector<16xf32>
        %get3A_718 = arith.index_cast %scan3A_637 : i32 to index
        %get3A_719 = arith.constant 96 : index
        %get3A_720 = tpu.vector_load %arg15[%get3A_718, %get3A_719] {strides = array<i32>} : memref<64x128xf32, #tpu.memory_space<vmem>>, vector<1x16xf32>,
        %get3A_721 = vector.shape_cast %get3A_720 : vector<1x16xf32> to vector<16xf32>
        %get3A_722 = arith.index_cast %scan3A_637 : i32 to index
        %get3A_723 = arith.constant 112 : index
        %get3A_724 = tpu.vector_load %arg15[%get3A_722, %get3A_723] {strides = array<i32>} : memref<64x128xf32, #tpu.memory_space<vmem>>, vector<1x16xf32>,
        %get3A_725 = vector.shape_cast %get3A_724 : vector<1x16xf32> to vector<16xf32>
        %add3A_726 = arith.addf %get3A_665, %get3A_697 : vector<16xf32>
        %mul3A_727 = arith.mulf %add3A_661, %get3A_4 : vector<16xf32>
        %add3A_728 = arith.addf %add3A_726, %mul3A_727 : vector<16xf32>
        %max3A_729 = arith.constant 0.000000e+00 : f32
        %max3A_730 = vector.broadcast %max3A_729 : f32 to vector<16xf32>
        %max3A_731 = arith.maximumf %add3A_728, %max3A_730 : vector<16xf32>
        %add3A_732 = arith.addf %get3A_669, %get3A_701 : vector<16xf32>
        %mul3A_733 = arith.mulf %add3A_661, %get3A_7 : vector<16xf32>
        %add3A_734 = arith.addf %add3A_732, %mul3A_733 : vector<16xf32>
        %max3A_735 = arith.constant 0.000000e+00 : f32
        %max3A_736 = vector.broadcast %max3A_735 : f32 to vector<16xf32>
        %max3A_737 = arith.maximumf %add3A_734, %max3A_736 : vector<16xf32>
        %add3A_738 = arith.addf %get3A_673, %get3A_705 : vector<16xf32>
        %mul3A_739 = arith.mulf %add3A_661, %get3A_10 : vector<16xf32>
        %add3A_740 = arith.addf %add3A_738, %mul3A_739 : vector<16xf32>
        %max3A_741 = arith.constant 0.000000e+00 : f32
        %max3A_742 = vector.broadcast %max3A_741 : f32 to vector<16xf32>
        %max3A_743 = arith.maximumf %add3A_740, %max3A_742 : vector<16xf32>
        %add3A_744 = arith.addf %get3A_677, %get3A_709 : vector<16xf32>
        %mul3A_745 = arith.mulf %add3A_661, %get3A_13 : vector<16xf32>
        %add3A_746 = arith.addf %add3A_744, %mul3A_745 : vector<16xf32>
        %max3A_747 = arith.constant 0.000000e+00 : f32
        %max3A_748 = vector.broadcast %max3A_747 : f32 to vector<16xf32>
        %max3A_749 = arith.maximumf %add3A_746, %max3A_748 : vector<16xf32>
        %add3A_750 = arith.addf %get3A_681, %get3A_713 : vector<16xf32>
        %mul3A_751 = arith.mulf %add3A_661, %get3A_16 : vector<16xf32>
        %add3A_752 = arith.addf %add3A_750, %mul3A_751 : vector<16xf32>
        %max3A_753 = arith.constant 0.000000e+00 : f32
        %max3A_754 = vector.broadcast %max3A_753 : f32 to vector<16xf32>
        %max3A_755 = arith.maximumf %add3A_752, %max3A_754 : vector<16xf32>
        %add3A_756 = arith.addf %get3A_685, %get3A_717 : vector<16xf32>
        %mul3A_757 = arith.mulf %add3A_661, %get3A_19 : vector<16xf32>
        %add3A_758 = arith.addf %add3A_756, %mul3A_757 : vector<16xf32>
        %max3A_759 = arith.constant 0.000000e+00 : f32
        %max3A_760 = vector.broadcast %max3A_759 : f32 to vector<16xf32>
        %max3A_761 = arith.maximumf %add3A_758, %max3A_760 : vector<16xf32>
        %add3A_762 = arith.addf %get3A_689, %get3A_721 : vector<16xf32>
        %mul3A_763 = arith.mulf %add3A_661, %get3A_22 : vector<16xf32>
        %add3A_764 = arith.addf %add3A_762, %mul3A_763 : vector<16xf32>
        %max3A_765 = arith.constant 0.000000e+00 : f32
        %max3A_766 = vector.broadcast %max3A_765 : f32 to vector<16xf32>
        %max3A_767 = arith.maximumf %add3A_764, %max3A_766 : vector<16xf32>
        %add3A_768 = arith.addf %get3A_693, %get3A_725 : vector<16xf32>
        %mul3A_769 = arith.mulf %add3A_661, %get3A_25 : vector<16xf32>
        %add3A_770 = arith.addf %add3A_768, %mul3A_769 : vector<16xf32>
        %max3A_771 = arith.constant 0.000000e+00 : f32
        %max3A_772 = vector.broadcast %max3A_771 : f32 to vector<16xf32>
        %max3A_773 = arith.maximumf %add3A_770, %max3A_772 : vector<16xf32>
        %swap3A_774 = arith.index_cast %scan3A_637 : i32 to index
        %swap3A_775 = arith.constant 0 : index
        %swap3A_776 = tpu.vector_load %arg24[%swap3A_774, %swap3A_775] {strides = array<i32>} : memref<64x128xf32, #tpu.memory_space<vmem>>, vector<1x16xf32>,
        %swap3A_777 = vector.shape_cast %swap3A_776 : vector<1x16xf32> to vector<16xf32>
        %swap3A_778 = vector.shape_cast %max3A_731 : vector<16xf32> to vector<1x16xf32>
        tpu.vector_store %arg24[%swap3A_774, %swap3A_775], %swap3A_778 {strides = array<i32>} : memref<64x128xf32, #tpu.memory_space<vmem>>, vector<1x16xf32>,
        %swap3A_779 = arith.index_cast %scan3A_637 : i32 to index
        %swap3A_780 = arith.constant 16 : index
        %swap3A_781 = tpu.vector_load %arg24[%swap3A_779, %swap3A_780] {strides = array<i32>} : memref<64x128xf32, #tpu.memory_space<vmem>>, vector<1x16xf32>,
        %swap3A_782 = vector.shape_cast %swap3A_781 : vector<1x16xf32> to vector<16xf32>
        %swap3A_783 = vector.shape_cast %max3A_737 : vector<16xf32> to vector<1x16xf32>
        tpu.vector_store %arg24[%swap3A_779, %swap3A_780], %swap3A_783 {strides = array<i32>} : memref<64x128xf32, #tpu.memory_space<vmem>>, vector<1x16xf32>,
        %swap3A_784 = arith.index_cast %scan3A_637 : i32 to index
        %swap3A_785 = arith.constant 32 : index
        %swap3A_786 = tpu.vector_load %arg24[%swap3A_784, %swap3A_785] {strides = array<i32>} : memref<64x128xf32, #tpu.memory_space<vmem>>, vector<1x16xf32>,
        %swap3A_787 = vector.shape_cast %swap3A_786 : vector<1x16xf32> to vector<16xf32>
        %swap3A_788 = vector.shape_cast %max3A_743 : vector<16xf32> to vector<1x16xf32>
        tpu.vector_store %arg24[%swap3A_784, %swap3A_785], %swap3A_788 {strides = array<i32>} : memref<64x128xf32, #tpu.memory_space<vmem>>, vector<1x16xf32>,
        %swap3A_789 = arith.index_cast %scan3A_637 : i32 to index
        %swap3A_790 = arith.constant 48 : index
        %swap3A_791 = tpu.vector_load %arg24[%swap3A_789, %swap3A_790] {strides = array<i32>} : memref<64x128xf32, #tpu.memory_space<vmem>>, vector<1x16xf32>,
        %swap3A_792 = vector.shape_cast %swap3A_791 : vector<1x16xf32> to vector<16xf32>
        %swap3A_793 = vector.shape_cast %max3A_749 : vector<16xf32> to vector<1x16xf32>
        tpu.vector_store %arg24[%swap3A_789, %swap3A_790], %swap3A_793 {strides = array<i32>} : memref<64x128xf32, #tpu.memory_space<vmem>>, vector<1x16xf32>,
        %swap3A_794 = arith.index_cast %scan3A_637 : i32 to index
        %swap3A_795 = arith.constant 64 : index
        %swap3A_796 = tpu.vector_load %arg24[%swap3A_794, %swap3A_795] {strides = array<i32>} : memref<64x128xf32, #tpu.memory_space<vmem>>, vector<1x16xf32>,
        %swap3A_797 = vector.shape_cast %swap3A_796 : vector<1x16xf32> to vector<16xf32>
        %swap3A_798 = vector.shape_cast %max3A_755 : vector<16xf32> to vector<1x16xf32>
        tpu.vector_store %arg24[%swap3A_794, %swap3A_795], %swap3A_798 {strides = array<i32>} : memref<64x128xf32, #tpu.memory_space<vmem>>, vector<1x16xf32>,
        %swap3A_799 = arith.index_cast %scan3A_637 : i32 to index
        %swap3A_800 = arith.constant 80 : index
        %swap3A_801 = tpu.vector_load %arg24[%swap3A_799, %swap3A_800] {strides = array<i32>} : memref<64x128xf32, #tpu.memory_space<vmem>>, vector<1x16xf32>,
        %swap3A_802 = vector.shape_cast %swap3A_801 : vector<1x16xf32> to vector<16xf32>
        %swap3A_803 = vector.shape_cast %max3A_761 : vector<16xf32> to vector<1x16xf32>
        tpu.vector_store %arg24[%swap3A_799, %swap3A_800], %swap3A_803 {strides = array<i32>} : memref<64x128xf32, #tpu.memory_space<vmem>>, vector<1x16xf32>,
        %swap3A_804 = arith.index_cast %scan3A_637 : i32 to index
        %swap3A_805 = arith.constant 96 : index
        %swap3A_806 = tpu.vector_load %arg24[%swap3A_804, %swap3A_805] {strides = array<i32>} : memref<64x128xf32, #tpu.memory_space<vmem>>, vector<1x16xf32>,
        %swap3A_807 = vector.shape_cast %swap3A_806 : vector<1x16xf32> to vector<16xf32>
        %swap3A_808 = vector.shape_cast %max3A_767 : vector<16xf32> to vector<1x16xf32>
        tpu.vector_store %arg24[%swap3A_804, %swap3A_805], %swap3A_808 {strides = array<i32>} : memref<64x128xf32, #tpu.memory_space<vmem>>, vector<1x16xf32>,
        %swap3A_809 = arith.index_cast %scan3A_637 : i32 to index
        %swap3A_810 = arith.constant 112 : index
        %swap3A_811 = tpu.vector_load %arg24[%swap3A_809, %swap3A_810] {strides = array<i32>} : memref<64x128xf32, #tpu.memory_space<vmem>>, vector<1x16xf32>,
        %swap3A_812 = vector.shape_cast %swap3A_811 : vector<1x16xf32> to vector<16xf32>
        %swap3A_813 = vector.shape_cast %max3A_773 : vector<16xf32> to vector<1x16xf32>
        tpu.vector_store %arg24[%swap3A_809, %swap3A_810], %swap3A_813 {strides = array<i32>} : memref<64x128xf32, #tpu.memory_space<vmem>>, vector<1x16xf32>,
      }
      %scan3A_87 = arith.constant 64 : i32
      "tpu.region"() ({
        %run_scoped3A = tpu.sem_alloc : memref<!tpu.dma_semaphore, #tpu.memory_space<semaphore_mem>>
        %dma_start3A_108 = arith.constant 0 : i32
        %dma_start3A_109 = arith.constant 0 : i32
        %dma_start3A_110 = tpu.memref_slice %arg11[%dma_start3A_108, %dma_start3A_109] : memref<10240x128xf32, #tpu.memory_space<vmem_shared>> -> memref<10240x128xf32, #tpu.memory_space<vmem_shared>>
        tpu.enqueue_indirect_dma source(%arg24 : memref<64x128xf32, #tpu.memory_space<vmem>>) target(%dma_start3A_110 : memref<10240x128xf32, #tpu.memory_space<vmem_shared>>) offsets(%arg13 : memref<64xi32, #tpu.memory_space<vmem>>) semaphore(%run_scoped3A : memref<!tpu.dma_semaphore, #tpu.memory_space<semaphore_mem>>) {add = true}
        %dma_wait3A_111 = arith.constant 0 : i32
        %dma_wait3A_112 = arith.constant 0 : i32
        %dma_wait3A_113 = tpu.memref_slice %arg11[%dma_wait3A_111, %dma_wait3A_112] : memref<10240x128xf32, #tpu.memory_space<vmem_shared>> -> memref<10240x128xf32, #tpu.memory_space<vmem_shared>>
        tpu.wait_indirect_dma semaphore(%run_scoped3A : memref<!tpu.dma_semaphore, #tpu.memory_space<semaphore_mem>>) src(%arg24 : memref<64x128xf32, #tpu.memory_space<vmem>>) dst(%dma_wait3A_113 : memref<10240x128xf32, #tpu.memory_space<vmem_shared>>)
        tpu.yield
      }) : () -> ()
      %lt3A = arith.constant 79 : i32
      %lt3A_88 = arith.cmpi slt, %scan3A_48, %lt3A : i32
      %convert_element_type3A = arith.extui %lt3A_88 : i1 to i32
      %cond3A = arith.constant 0 : i32
      %cond3A_89 = arith.cmpi ne, %convert_element_type3A, %cond3A : i32
      scf.if %cond3A_89 {
        %mul3A_108 = arith.constant 2 : i32
        %mul3A_109 = arith.muli %mul3A_108, %scan3A_48 : i32
        %add3A_110 = arith.constant 2 : i32
        %add3A_111 = arith.addi %mul3A_109, %add3A_110 : i32
        %mul3A_112 = arith.constant 10240 : i32
        %mul3A_113 = arith.muli %add3A, %mul3A_112 : i32
        %mul3A_114 = arith.constant 64 : i32
        %mul3A_115 = arith.muli %add3A_111, %mul3A_114 : i32
        %add3A_116 = arith.addi %mul3A_113, %mul3A_115 : i32
        %multiple_of3A_117 = tpu.assume_multiple %add3A_116, 8 : i32
        "tpu.region"() ({
          %run_scoped3A = tpu.sem_alloc : memref<!tpu.dma_semaphore, #tpu.memory_space<semaphore_mem>>
          %dma_start3A_130 = tpu.memref_slice %arg5[%multiple_of3A_117] : memref<327680xi32, #tpu.memory_space<hbm>> -> memref<64xi32, #tpu.memory_space<hbm>>
          %dma_start3A_131 = tpu.memref_slice %arg5[%multiple_of3A_117] : memref<327680xi32, #tpu.memory_space<hbm>> -> memref<64xi32, #tpu.memory_space<hbm>>
          tpu.enqueue_dma source(%dma_start3A_131 : memref<64xi32, #tpu.memory_space<hbm>>) target(%arg12 : memref<64xi32, #tpu.memory_space<vmem>>) target_semaphore(%run_scoped3A : memref<!tpu.dma_semaphore, #tpu.memory_space<semaphore_mem>>)
          %dma_wait3A_132 = tpu.memref_slice %arg5[%multiple_of3A_117] : memref<327680xi32, #tpu.memory_space<hbm>> -> memref<64xi32, #tpu.memory_space<hbm>>
          %dma_wait3A_133 = tpu.memref_slice %arg5[%multiple_of3A_117] : memref<327680xi32, #tpu.memory_space<hbm>> -> memref<64xi32, #tpu.memory_space<hbm>>
          tpu.wait_dma2 semaphore(%run_scoped3A : memref<!tpu.dma_semaphore, #tpu.memory_space<semaphore_mem>>) src(%dma_wait3A_133 : memref<64xi32, #tpu.memory_space<hbm>>) dst(%arg12 : memref<64xi32, #tpu.memory_space<vmem>>)
          tpu.yield
        }) : () -> ()
        "tpu.region"() ({
          %run_scoped3A = tpu.sem_alloc : memref<!tpu.dma_semaphore, #tpu.memory_space<semaphore_mem>>
          %dma_start3A_130 = tpu.memref_slice %arg6[%multiple_of3A_117] : memref<327680xi32, #tpu.memory_space<hbm>> -> memref<64xi32, #tpu.memory_space<hbm>>
          %dma_start3A_131 = tpu.memref_slice %arg6[%multiple_of3A_117] : memref<327680xi32, #tpu.memory_space<hbm>> -> memref<64xi32, #tpu.memory_space<hbm>>
          tpu.enqueue_dma source(%dma_start3A_131 : memref<64xi32, #tpu.memory_space<hbm>>) target(%arg13 : memref<64xi32, #tpu.memory_space<vmem>>) target_semaphore(%run_scoped3A : memref<!tpu.dma_semaphore, #tpu.memory_space<semaphore_mem>>)
          %dma_wait3A_132 = tpu.memref_slice %arg6[%multiple_of3A_117] : memref<327680xi32, #tpu.memory_space<hbm>> -> memref<64xi32, #tpu.memory_space<hbm>>
          %dma_wait3A_133 = tpu.memref_slice %arg6[%multiple_of3A_117] : memref<327680xi32, #tpu.memory_space<hbm>> -> memref<64xi32, #tpu.memory_space<hbm>>
          tpu.wait_dma2 semaphore(%run_scoped3A : memref<!tpu.dma_semaphore, #tpu.memory_space<semaphore_mem>>) src(%dma_wait3A_133 : memref<64xi32, #tpu.memory_space<hbm>>) dst(%arg13 : memref<64xi32, #tpu.memory_space<vmem>>)
          tpu.yield
        }) : () -> ()
        %dma_start3A_118 = arith.constant 0 : i32
        %dma_start3A_119 = arith.constant 0 : i32
        %dma_start3A_120 = tpu.memref_slice %arg2[%dma_start3A_118, %dma_start3A_119] : memref<10000x128xf32, #tpu.memory_space<hbm>> -> memref<10000x128xf32, #tpu.memory_space<hbm>>
        tpu.enqueue_indirect_dma source(%dma_start3A_120 : memref<10000x128xf32, #tpu.memory_space<hbm>>) target(%arg14 : memref<64x128xf32, #tpu.memory_space<vmem>>) offsets(%arg12 : memref<64xi32, #tpu.memory_space<vmem>>) semaphore(%arg25 : memref<!tpu.dma_semaphore, #tpu.memory_space<semaphore_mem>>)
        %dma_start3A_121 = arith.constant 0 : i32
        %dma_start3A_122 = arith.constant 0 : i32
        %dma_start3A_123 = tpu.memref_slice %arg3[%dma_start3A_121, %dma_start3A_122] : memref<10000x128xf32, #tpu.memory_space<hbm>> -> memref<10000x128xf32, #tpu.memory_space<hbm>>
        tpu.enqueue_indirect_dma source(%dma_start3A_123 : memref<10000x128xf32, #tpu.memory_space<hbm>>) target(%arg15 : memref<64x128xf32, #tpu.memory_space<vmem>>) offsets(%arg13 : memref<64xi32, #tpu.memory_space<vmem>>) semaphore(%arg26 : memref<!tpu.dma_semaphore, #tpu.memory_space<semaphore_mem>>)
        %dma_start3A_124 = arith.constant 0 : i32
        %dma_start3A_125 = arith.constant 0 : i32
        %dma_start3A_126 = tpu.memref_slice %arg4[%dma_start3A_124, %dma_start3A_125] : memref<10000x16xf32, #tpu.memory_space<hbm>> -> memref<10000x16xf32, #tpu.memory_space<hbm>>
        tpu.enqueue_indirect_dma source(%dma_start3A_126 : memref<10000x16xf32, #tpu.memory_space<hbm>>) target(%arg16 : memref<64x16xf32, #tpu.memory_space<vmem>>) offsets(%arg12 : memref<64xi32, #tpu.memory_space<vmem>>) semaphore(%arg27 : memref<!tpu.dma_semaphore, #tpu.memory_space<semaphore_mem>>)
        %dma_start3A_127 = arith.constant 0 : i32
        %dma_start3A_128 = arith.constant 0 : i32
        %dma_start3A_129 = tpu.memref_slice %arg4[%dma_start3A_127, %dma_start3A_128] : memref<10000x16xf32, #tpu.memory_space<hbm>> -> memref<10000x16xf32, #tpu.memory_space<hbm>>
        tpu.enqueue_indirect_dma source(%dma_start3A_129 : memref<10000x16xf32, #tpu.memory_space<hbm>>) target(%arg17 : memref<64x16xf32, #tpu.memory_space<vmem>>) offsets(%arg13 : memref<64xi32, #tpu.memory_space<vmem>>) semaphore(%arg28 : memref<!tpu.dma_semaphore, #tpu.memory_space<semaphore_mem>>)
      } else {
      }
      %dma_wait3A_90 = arith.constant 0 : i32
      %dma_wait3A_91 = arith.constant 0 : i32
      %dma_wait3A_92 = tpu.memref_slice %arg2[%dma_wait3A_90, %dma_wait3A_91] : memref<10000x128xf32, #tpu.memory_space<hbm>> -> memref<10000x128xf32, #tpu.memory_space<hbm>>
      tpu.wait_indirect_dma semaphore(%arg29 : memref<!tpu.dma_semaphore, #tpu.memory_space<semaphore_mem>>) src(%dma_wait3A_92 : memref<10000x128xf32, #tpu.memory_space<hbm>>) dst(%arg20 : memref<64x128xf32, #tpu.memory_space<vmem>>)
      %dma_wait3A_93 = arith.constant 0 : i32
      %dma_wait3A_94 = arith.constant 0 : i32
      %dma_wait3A_95 = tpu.memref_slice %arg3[%dma_wait3A_93, %dma_wait3A_94] : memref<10000x128xf32, #tpu.memory_space<hbm>> -> memref<10000x128xf32, #tpu.memory_space<hbm>>
      tpu.wait_indirect_dma semaphore(%arg30 : memref<!tpu.dma_semaphore, #tpu.memory_space<semaphore_mem>>) src(%dma_wait3A_95 : memref<10000x128xf32, #tpu.memory_space<hbm>>) dst(%arg21 : memref<64x128xf32, #tpu.memory_space<vmem>>)
      %dma_wait3A_96 = arith.constant 0 : i32
      %dma_wait3A_97 = arith.constant 0 : i32
      %dma_wait3A_98 = tpu.memref_slice %arg4[%dma_wait3A_96, %dma_wait3A_97] : memref<10000x16xf32, #tpu.memory_space<hbm>> -> memref<10000x16xf32, #tpu.memory_space<hbm>>
      tpu.wait_indirect_dma semaphore(%arg31 : memref<!tpu.dma_semaphore, #tpu.memory_space<semaphore_mem>>) src(%dma_wait3A_98 : memref<10000x16xf32, #tpu.memory_space<hbm>>) dst(%arg22 : memref<64x16xf32, #tpu.memory_space<vmem>>)
      %dma_wait3A_99 = arith.constant 0 : i32
      %dma_wait3A_100 = arith.constant 0 : i32
      %dma_wait3A_101 = tpu.memref_slice %arg4[%dma_wait3A_99, %dma_wait3A_100] : memref<10000x16xf32, #tpu.memory_space<hbm>> -> memref<10000x16xf32, #tpu.memory_space<hbm>>
      tpu.wait_indirect_dma semaphore(%arg32 : memref<!tpu.dma_semaphore, #tpu.memory_space<semaphore_mem>>) src(%dma_wait3A_101 : memref<10000x16xf32, #tpu.memory_space<hbm>>) dst(%arg23 : memref<64x16xf32, #tpu.memory_space<vmem>>)
      %scan3A_102 = arith.constant 0 : i32
      %scan3A_103 = arith.constant 0 : i32
      %scan3A_104 = arith.constant 64 : i32
      %scan3A_105 = arith.addi %scan3A_103, %scan3A_104 : i32
      %scan3A_106 = arith.constant 4 : i32
      scf.for %scan3A_108 = %scan3A_103 to %scan3A_105 step %scan3A_106  : i32 {
        %get3A_109 = arith.index_cast %scan3A_108 : i32 to index
        %get3A_110 = arith.constant 0 : index
        %get3A_111 = tpu.vector_load %arg22[%get3A_109, %get3A_110] {strides = array<i32>} : memref<64x16xf32, #tpu.memory_space<vmem>>, vector<1x16xf32>,
        %get3A_112 = vector.shape_cast %get3A_111 : vector<1x16xf32> to vector<16xf32>
        %get3A_113 = arith.index_cast %scan3A_108 : i32 to index
        %get3A_114 = arith.constant 0 : index
        %get3A_115 = tpu.vector_load %arg23[%get3A_113, %get3A_114] {strides = array<i32>} : memref<64x16xf32, #tpu.memory_space<vmem>>, vector<1x16xf32>,
        %get3A_116 = vector.shape_cast %get3A_115 : vector<1x16xf32> to vector<16xf32>
        %sub3A = arith.subf %get3A_112, %get3A_116 : vector<16xf32>
        %mul3A_117 = arith.mulf %sub3A, %sub3A : vector<16xf32>
        %broadcast_in_dim3A = arith.constant 0 : i32
        %broadcast_in_dim3A_118 = vector.broadcast %broadcast_in_dim3A : i32 to vector<16x1xi32>
        %gather3A = vector.shape_cast %broadcast_in_dim3A_118 : vector<16x1xi32> to vector<16xi32>
        %gather3A_119 = tpu.dynamic_gather %mul3A_117[%gather3A] in [0] : vector<16xf32>, vector<16xi32> -> vector<16xf32>
        %broadcast_in_dim3A_120 = arith.constant 1 : i32
        %broadcast_in_dim3A_121 = vector.broadcast %broadcast_in_dim3A_120 : i32 to vector<16x1xi32>
        %gather3A_122 = vector.shape_cast %broadcast_in_dim3A_121 : vector<16x1xi32> to vector<16xi32>
        %gather3A_123 = tpu.dynamic_gather %mul3A_117[%gather3A_122] in [0] : vector<16xf32>, vector<16xi32> -> vector<16xf32>
        %add3A_124 = arith.addf %gather3A_119, %gather3A_123 : vector<16xf32>
        %broadcast_in_dim3A_125 = arith.constant 2 : i32
        %broadcast_in_dim3A_126 = vector.broadcast %broadcast_in_dim3A_125 : i32 to vector<16x1xi32>
        %gather3A_127 = vector.shape_cast %broadcast_in_dim3A_126 : vector<16x1xi32> to vector<16xi32>
        %gather3A_128 = tpu.dynamic_gather %mul3A_117[%gather3A_127] in [0] : vector<16xf32>, vector<16xi32> -> vector<16xf32>
        %add3A_129 = arith.addf %add3A_124, %gather3A_128 : vector<16xf32>
        %get3A_130 = arith.index_cast %scan3A_108 : i32 to index
        %get3A_131 = arith.constant 0 : index
        %get3A_132 = tpu.vector_load %arg20[%get3A_130, %get3A_131] {strides = array<i32>} : memref<64x128xf32, #tpu.memory_space<vmem>>, vector<1x16xf32>,
        %get3A_133 = vector.shape_cast %get3A_132 : vector<1x16xf32> to vector<16xf32>
        %get3A_134 = arith.index_cast %scan3A_108 : i32 to index
        %get3A_135 = arith.constant 16 : index
        %get3A_136 = tpu.vector_load %arg20[%get3A_134, %get3A_135] {strides = array<i32>} : memref<64x128xf32, #tpu.memory_space<vmem>>, vector<1x16xf32>,
        %get3A_137 = vector.shape_cast %get3A_136 : vector<1x16xf32> to vector<16xf32>
        %get3A_138 = arith.index_cast %scan3A_108 : i32 to index
        %get3A_139 = arith.constant 32 : index
        %get3A_140 = tpu.vector_load %arg20[%get3A_138, %get3A_139] {strides = array<i32>} : memref<64x128xf32, #tpu.memory_space<vmem>>, vector<1x16xf32>,
        %get3A_141 = vector.shape_cast %get3A_140 : vector<1x16xf32> to vector<16xf32>
        %get3A_142 = arith.index_cast %scan3A_108 : i32 to index
        %get3A_143 = arith.constant 48 : index
        %get3A_144 = tpu.vector_load %arg20[%get3A_142, %get3A_143] {strides = array<i32>} : memref<64x128xf32, #tpu.memory_space<vmem>>, vector<1x16xf32>,
        %get3A_145 = vector.shape_cast %get3A_144 : vector<1x16xf32> to vector<16xf32>
        %get3A_146 = arith.index_cast %scan3A_108 : i32 to index
        %get3A_147 = arith.constant 64 : index
        %get3A_148 = tpu.vector_load %arg20[%get3A_146, %get3A_147] {strides = array<i32>} : memref<64x128xf32, #tpu.memory_space<vmem>>, vector<1x16xf32>,
        %get3A_149 = vector.shape_cast %get3A_148 : vector<1x16xf32> to vector<16xf32>
        %get3A_150 = arith.index_cast %scan3A_108 : i32 to index
        %get3A_151 = arith.constant 80 : index
        %get3A_152 = tpu.vector_load %arg20[%get3A_150, %get3A_151] {strides = array<i32>} : memref<64x128xf32, #tpu.memory_space<vmem>>, vector<1x16xf32>,
        %get3A_153 = vector.shape_cast %get3A_152 : vector<1x16xf32> to vector<16xf32>
        %get3A_154 = arith.index_cast %scan3A_108 : i32 to index
        %get3A_155 = arith.constant 96 : index
        %get3A_156 = tpu.vector_load %arg20[%get3A_154, %get3A_155] {strides = array<i32>} : memref<64x128xf32, #tpu.memory_space<vmem>>, vector<1x16xf32>,
        %get3A_157 = vector.shape_cast %get3A_156 : vector<1x16xf32> to vector<16xf32>
        %get3A_158 = arith.index_cast %scan3A_108 : i32 to index
        %get3A_159 = arith.constant 112 : index
        %get3A_160 = tpu.vector_load %arg20[%get3A_158, %get3A_159] {strides = array<i32>} : memref<64x128xf32, #tpu.memory_space<vmem>>, vector<1x16xf32>,
        %get3A_161 = vector.shape_cast %get3A_160 : vector<1x16xf32> to vector<16xf32>
        %get3A_162 = arith.index_cast %scan3A_108 : i32 to index
        %get3A_163 = arith.constant 0 : index
        %get3A_164 = tpu.vector_load %arg21[%get3A_162, %get3A_163] {strides = array<i32>} : memref<64x128xf32, #tpu.memory_space<vmem>>, vector<1x16xf32>,
        %get3A_165 = vector.shape_cast %get3A_164 : vector<1x16xf32> to vector<16xf32>
        %get3A_166 = arith.index_cast %scan3A_108 : i32 to index
        %get3A_167 = arith.constant 16 : index
        %get3A_168 = tpu.vector_load %arg21[%get3A_166, %get3A_167] {strides = array<i32>} : memref<64x128xf32, #tpu.memory_space<vmem>>, vector<1x16xf32>,
        %get3A_169 = vector.shape_cast %get3A_168 : vector<1x16xf32> to vector<16xf32>
        %get3A_170 = arith.index_cast %scan3A_108 : i32 to index
        %get3A_171 = arith.constant 32 : index
        %get3A_172 = tpu.vector_load %arg21[%get3A_170, %get3A_171] {strides = array<i32>} : memref<64x128xf32, #tpu.memory_space<vmem>>, vector<1x16xf32>,
        %get3A_173 = vector.shape_cast %get3A_172 : vector<1x16xf32> to vector<16xf32>
        %get3A_174 = arith.index_cast %scan3A_108 : i32 to index
        %get3A_175 = arith.constant 48 : index
        %get3A_176 = tpu.vector_load %arg21[%get3A_174, %get3A_175] {strides = array<i32>} : memref<64x128xf32, #tpu.memory_space<vmem>>, vector<1x16xf32>,
        %get3A_177 = vector.shape_cast %get3A_176 : vector<1x16xf32> to vector<16xf32>
        %get3A_178 = arith.index_cast %scan3A_108 : i32 to index
        %get3A_179 = arith.constant 64 : index
        %get3A_180 = tpu.vector_load %arg21[%get3A_178, %get3A_179] {strides = array<i32>} : memref<64x128xf32, #tpu.memory_space<vmem>>, vector<1x16xf32>,
        %get3A_181 = vector.shape_cast %get3A_180 : vector<1x16xf32> to vector<16xf32>
        %get3A_182 = arith.index_cast %scan3A_108 : i32 to index
        %get3A_183 = arith.constant 80 : index
        %get3A_184 = tpu.vector_load %arg21[%get3A_182, %get3A_183] {strides = array<i32>} : memref<64x128xf32, #tpu.memory_space<vmem>>, vector<1x16xf32>,
        %get3A_185 = vector.shape_cast %get3A_184 : vector<1x16xf32> to vector<16xf32>
        %get3A_186 = arith.index_cast %scan3A_108 : i32 to index
        %get3A_187 = arith.constant 96 : index
        %get3A_188 = tpu.vector_load %arg21[%get3A_186, %get3A_187] {strides = array<i32>} : memref<64x128xf32, #tpu.memory_space<vmem>>, vector<1x16xf32>,
        %get3A_189 = vector.shape_cast %get3A_188 : vector<1x16xf32> to vector<16xf32>
        %get3A_190 = arith.index_cast %scan3A_108 : i32 to index
        %get3A_191 = arith.constant 112 : index
        %get3A_192 = tpu.vector_load %arg21[%get3A_190, %get3A_191] {strides = array<i32>} : memref<64x128xf32, #tpu.memory_space<vmem>>, vector<1x16xf32>,
        %get3A_193 = vector.shape_cast %get3A_192 : vector<1x16xf32> to vector<16xf32>
        %add3A_194 = arith.addf %get3A_133, %get3A_165 : vector<16xf32>
        %mul3A_195 = arith.mulf %add3A_129, %get3A_4 : vector<16xf32>
        %add3A_196 = arith.addf %add3A_194, %mul3A_195 : vector<16xf32>
        %max3A = arith.constant 0.000000e+00 : f32
        %max3A_197 = vector.broadcast %max3A : f32 to vector<16xf32>
        %max3A_198 = arith.maximumf %add3A_196, %max3A_197 : vector<16xf32>
        %add3A_199 = arith.addf %get3A_137, %get3A_169 : vector<16xf32>
        %mul3A_200 = arith.mulf %add3A_129, %get3A_7 : vector<16xf32>
        %add3A_201 = arith.addf %add3A_199, %mul3A_200 : vector<16xf32>
        %max3A_202 = arith.constant 0.000000e+00 : f32
        %max3A_203 = vector.broadcast %max3A_202 : f32 to vector<16xf32>
        %max3A_204 = arith.maximumf %add3A_201, %max3A_203 : vector<16xf32>
        %add3A_205 = arith.addf %get3A_141, %get3A_173 : vector<16xf32>
        %mul3A_206 = arith.mulf %add3A_129, %get3A_10 : vector<16xf32>
        %add3A_207 = arith.addf %add3A_205, %mul3A_206 : vector<16xf32>
        %max3A_208 = arith.constant 0.000000e+00 : f32
        %max3A_209 = vector.broadcast %max3A_208 : f32 to vector<16xf32>
        %max3A_210 = arith.maximumf %add3A_207, %max3A_209 : vector<16xf32>
        %add3A_211 = arith.addf %get3A_145, %get3A_177 : vector<16xf32>
        %mul3A_212 = arith.mulf %add3A_129, %get3A_13 : vector<16xf32>
        %add3A_213 = arith.addf %add3A_211, %mul3A_212 : vector<16xf32>
        %max3A_214 = arith.constant 0.000000e+00 : f32
        %max3A_215 = vector.broadcast %max3A_214 : f32 to vector<16xf32>
        %max3A_216 = arith.maximumf %add3A_213, %max3A_215 : vector<16xf32>
        %add3A_217 = arith.addf %get3A_149, %get3A_181 : vector<16xf32>
        %mul3A_218 = arith.mulf %add3A_129, %get3A_16 : vector<16xf32>
        %add3A_219 = arith.addf %add3A_217, %mul3A_218 : vector<16xf32>
        %max3A_220 = arith.constant 0.000000e+00 : f32
        %max3A_221 = vector.broadcast %max3A_220 : f32 to vector<16xf32>
        %max3A_222 = arith.maximumf %add3A_219, %max3A_221 : vector<16xf32>
        %add3A_223 = arith.addf %get3A_153, %get3A_185 : vector<16xf32>
        %mul3A_224 = arith.mulf %add3A_129, %get3A_19 : vector<16xf32>
        %add3A_225 = arith.addf %add3A_223, %mul3A_224 : vector<16xf32>
        %max3A_226 = arith.constant 0.000000e+00 : f32
        %max3A_227 = vector.broadcast %max3A_226 : f32 to vector<16xf32>
        %max3A_228 = arith.maximumf %add3A_225, %max3A_227 : vector<16xf32>
        %add3A_229 = arith.addf %get3A_157, %get3A_189 : vector<16xf32>
        %mul3A_230 = arith.mulf %add3A_129, %get3A_22 : vector<16xf32>
        %add3A_231 = arith.addf %add3A_229, %mul3A_230 : vector<16xf32>
        %max3A_232 = arith.constant 0.000000e+00 : f32
        %max3A_233 = vector.broadcast %max3A_232 : f32 to vector<16xf32>
        %max3A_234 = arith.maximumf %add3A_231, %max3A_233 : vector<16xf32>
        %add3A_235 = arith.addf %get3A_161, %get3A_193 : vector<16xf32>
        %mul3A_236 = arith.mulf %add3A_129, %get3A_25 : vector<16xf32>
        %add3A_237 = arith.addf %add3A_235, %mul3A_236 : vector<16xf32>
        %max3A_238 = arith.constant 0.000000e+00 : f32
        %max3A_239 = vector.broadcast %max3A_238 : f32 to vector<16xf32>
        %max3A_240 = arith.maximumf %add3A_237, %max3A_239 : vector<16xf32>
        %swap3A = arith.index_cast %scan3A_108 : i32 to index
        %swap3A_241 = arith.constant 0 : index
        %swap3A_242 = tpu.vector_load %arg24[%swap3A, %swap3A_241] {strides = array<i32>} : memref<64x128xf32, #tpu.memory_space<vmem>>, vector<1x16xf32>,
        %swap3A_243 = vector.shape_cast %swap3A_242 : vector<1x16xf32> to vector<16xf32>
        %swap3A_244 = vector.shape_cast %max3A_198 : vector<16xf32> to vector<1x16xf32>
        tpu.vector_store %arg24[%swap3A, %swap3A_241], %swap3A_244 {strides = array<i32>} : memref<64x128xf32, #tpu.memory_space<vmem>>, vector<1x16xf32>,
        %swap3A_245 = arith.index_cast %scan3A_108 : i32 to index
        %swap3A_246 = arith.constant 16 : index
        %swap3A_247 = tpu.vector_load %arg24[%swap3A_245, %swap3A_246] {strides = array<i32>} : memref<64x128xf32, #tpu.memory_space<vmem>>, vector<1x16xf32>,
        %swap3A_248 = vector.shape_cast %swap3A_247 : vector<1x16xf32> to vector<16xf32>
        %swap3A_249 = vector.shape_cast %max3A_204 : vector<16xf32> to vector<1x16xf32>
        tpu.vector_store %arg24[%swap3A_245, %swap3A_246], %swap3A_249 {strides = array<i32>} : memref<64x128xf32, #tpu.memory_space<vmem>>, vector<1x16xf32>,
        %swap3A_250 = arith.index_cast %scan3A_108 : i32 to index
        %swap3A_251 = arith.constant 32 : index
        %swap3A_252 = tpu.vector_load %arg24[%swap3A_250, %swap3A_251] {strides = array<i32>} : memref<64x128xf32, #tpu.memory_space<vmem>>, vector<1x16xf32>,
        %swap3A_253 = vector.shape_cast %swap3A_252 : vector<1x16xf32> to vector<16xf32>
        %swap3A_254 = vector.shape_cast %max3A_210 : vector<16xf32> to vector<1x16xf32>
        tpu.vector_store %arg24[%swap3A_250, %swap3A_251], %swap3A_254 {strides = array<i32>} : memref<64x128xf32, #tpu.memory_space<vmem>>, vector<1x16xf32>,
        %swap3A_255 = arith.index_cast %scan3A_108 : i32 to index
        %swap3A_256 = arith.constant 48 : index
        %swap3A_257 = tpu.vector_load %arg24[%swap3A_255, %swap3A_256] {strides = array<i32>} : memref<64x128xf32, #tpu.memory_space<vmem>>, vector<1x16xf32>,
        %swap3A_258 = vector.shape_cast %swap3A_257 : vector<1x16xf32> to vector<16xf32>
        %swap3A_259 = vector.shape_cast %max3A_216 : vector<16xf32> to vector<1x16xf32>
        tpu.vector_store %arg24[%swap3A_255, %swap3A_256], %swap3A_259 {strides = array<i32>} : memref<64x128xf32, #tpu.memory_space<vmem>>, vector<1x16xf32>,
        %swap3A_260 = arith.index_cast %scan3A_108 : i32 to index
        %swap3A_261 = arith.constant 64 : index
        %swap3A_262 = tpu.vector_load %arg24[%swap3A_260, %swap3A_261] {strides = array<i32>} : memref<64x128xf32, #tpu.memory_space<vmem>>, vector<1x16xf32>,
        %swap3A_263 = vector.shape_cast %swap3A_262 : vector<1x16xf32> to vector<16xf32>
        %swap3A_264 = vector.shape_cast %max3A_222 : vector<16xf32> to vector<1x16xf32>
        tpu.vector_store %arg24[%swap3A_260, %swap3A_261], %swap3A_264 {strides = array<i32>} : memref<64x128xf32, #tpu.memory_space<vmem>>, vector<1x16xf32>,
        %swap3A_265 = arith.index_cast %scan3A_108 : i32 to index
        %swap3A_266 = arith.constant 80 : index
        %swap3A_267 = tpu.vector_load %arg24[%swap3A_265, %swap3A_266] {strides = array<i32>} : memref<64x128xf32, #tpu.memory_space<vmem>>, vector<1x16xf32>,
        %swap3A_268 = vector.shape_cast %swap3A_267 : vector<1x16xf32> to vector<16xf32>
        %swap3A_269 = vector.shape_cast %max3A_228 : vector<16xf32> to vector<1x16xf32>
        tpu.vector_store %arg24[%swap3A_265, %swap3A_266], %swap3A_269 {strides = array<i32>} : memref<64x128xf32, #tpu.memory_space<vmem>>, vector<1x16xf32>,
        %swap3A_270 = arith.index_cast %scan3A_108 : i32 to index
        %swap3A_271 = arith.constant 96 : index
        %swap3A_272 = tpu.vector_load %arg24[%swap3A_270, %swap3A_271] {strides = array<i32>} : memref<64x128xf32, #tpu.memory_space<vmem>>, vector<1x16xf32>,
        %swap3A_273 = vector.shape_cast %swap3A_272 : vector<1x16xf32> to vector<16xf32>
        %swap3A_274 = vector.shape_cast %max3A_234 : vector<16xf32> to vector<1x16xf32>
        tpu.vector_store %arg24[%swap3A_270, %swap3A_271], %swap3A_274 {strides = array<i32>} : memref<64x128xf32, #tpu.memory_space<vmem>>, vector<1x16xf32>,
        %swap3A_275 = arith.index_cast %scan3A_108 : i32 to index
        %swap3A_276 = arith.constant 112 : index
        %swap3A_277 = tpu.vector_load %arg24[%swap3A_275, %swap3A_276] {strides = array<i32>} : memref<64x128xf32, #tpu.memory_space<vmem>>, vector<1x16xf32>,
        %swap3A_278 = vector.shape_cast %swap3A_277 : vector<1x16xf32> to vector<16xf32>
        %swap3A_279 = vector.shape_cast %max3A_240 : vector<16xf32> to vector<1x16xf32>
        tpu.vector_store %arg24[%swap3A_275, %swap3A_276], %swap3A_279 {strides = array<i32>} : memref<64x128xf32, #tpu.memory_space<vmem>>, vector<1x16xf32>,
        %scan3A_280 = arith.constant 1 : i32
        %scan3A_281 = arith.addi %scan3A_108, %scan3A_280 : i32
        %get3A_282 = arith.index_cast %scan3A_281 : i32 to index
        %get3A_283 = arith.constant 0 : index
        %get3A_284 = tpu.vector_load %arg22[%get3A_282, %get3A_283] {strides = array<i32>} : memref<64x16xf32, #tpu.memory_space<vmem>>, vector<1x16xf32>,
        %get3A_285 = vector.shape_cast %get3A_284 : vector<1x16xf32> to vector<16xf32>
        %get3A_286 = arith.index_cast %scan3A_281 : i32 to index
        %get3A_287 = arith.constant 0 : index
        %get3A_288 = tpu.vector_load %arg23[%get3A_286, %get3A_287] {strides = array<i32>} : memref<64x16xf32, #tpu.memory_space<vmem>>, vector<1x16xf32>,
        %get3A_289 = vector.shape_cast %get3A_288 : vector<1x16xf32> to vector<16xf32>
        %sub3A_290 = arith.subf %get3A_285, %get3A_289 : vector<16xf32>
        %mul3A_291 = arith.mulf %sub3A_290, %sub3A_290 : vector<16xf32>
        %broadcast_in_dim3A_292 = arith.constant 0 : i32
        %broadcast_in_dim3A_293 = vector.broadcast %broadcast_in_dim3A_292 : i32 to vector<16x1xi32>
        %gather3A_294 = vector.shape_cast %broadcast_in_dim3A_293 : vector<16x1xi32> to vector<16xi32>
        %gather3A_295 = tpu.dynamic_gather %mul3A_291[%gather3A_294] in [0] : vector<16xf32>, vector<16xi32> -> vector<16xf32>
        %broadcast_in_dim3A_296 = arith.constant 1 : i32
        %broadcast_in_dim3A_297 = vector.broadcast %broadcast_in_dim3A_296 : i32 to vector<16x1xi32>
        %gather3A_298 = vector.shape_cast %broadcast_in_dim3A_297 : vector<16x1xi32> to vector<16xi32>
        %gather3A_299 = tpu.dynamic_gather %mul3A_291[%gather3A_298] in [0] : vector<16xf32>, vector<16xi32> -> vector<16xf32>
        %add3A_300 = arith.addf %gather3A_295, %gather3A_299 : vector<16xf32>
        %broadcast_in_dim3A_301 = arith.constant 2 : i32
        %broadcast_in_dim3A_302 = vector.broadcast %broadcast_in_dim3A_301 : i32 to vector<16x1xi32>
        %gather3A_303 = vector.shape_cast %broadcast_in_dim3A_302 : vector<16x1xi32> to vector<16xi32>
        %gather3A_304 = tpu.dynamic_gather %mul3A_291[%gather3A_303] in [0] : vector<16xf32>, vector<16xi32> -> vector<16xf32>
        %add3A_305 = arith.addf %add3A_300, %gather3A_304 : vector<16xf32>
        %get3A_306 = arith.index_cast %scan3A_281 : i32 to index
        %get3A_307 = arith.constant 0 : index
        %get3A_308 = tpu.vector_load %arg20[%get3A_306, %get3A_307] {strides = array<i32>} : memref<64x128xf32, #tpu.memory_space<vmem>>, vector<1x16xf32>,
        %get3A_309 = vector.shape_cast %get3A_308 : vector<1x16xf32> to vector<16xf32>
        %get3A_310 = arith.index_cast %scan3A_281 : i32 to index
        %get3A_311 = arith.constant 16 : index
        %get3A_312 = tpu.vector_load %arg20[%get3A_310, %get3A_311] {strides = array<i32>} : memref<64x128xf32, #tpu.memory_space<vmem>>, vector<1x16xf32>,
        %get3A_313 = vector.shape_cast %get3A_312 : vector<1x16xf32> to vector<16xf32>
        %get3A_314 = arith.index_cast %scan3A_281 : i32 to index
        %get3A_315 = arith.constant 32 : index
        %get3A_316 = tpu.vector_load %arg20[%get3A_314, %get3A_315] {strides = array<i32>} : memref<64x128xf32, #tpu.memory_space<vmem>>, vector<1x16xf32>,
        %get3A_317 = vector.shape_cast %get3A_316 : vector<1x16xf32> to vector<16xf32>
        %get3A_318 = arith.index_cast %scan3A_281 : i32 to index
        %get3A_319 = arith.constant 48 : index
        %get3A_320 = tpu.vector_load %arg20[%get3A_318, %get3A_319] {strides = array<i32>} : memref<64x128xf32, #tpu.memory_space<vmem>>, vector<1x16xf32>,
        %get3A_321 = vector.shape_cast %get3A_320 : vector<1x16xf32> to vector<16xf32>
        %get3A_322 = arith.index_cast %scan3A_281 : i32 to index
        %get3A_323 = arith.constant 64 : index
        %get3A_324 = tpu.vector_load %arg20[%get3A_322, %get3A_323] {strides = array<i32>} : memref<64x128xf32, #tpu.memory_space<vmem>>, vector<1x16xf32>,
        %get3A_325 = vector.shape_cast %get3A_324 : vector<1x16xf32> to vector<16xf32>
        %get3A_326 = arith.index_cast %scan3A_281 : i32 to index
        %get3A_327 = arith.constant 80 : index
        %get3A_328 = tpu.vector_load %arg20[%get3A_326, %get3A_327] {strides = array<i32>} : memref<64x128xf32, #tpu.memory_space<vmem>>, vector<1x16xf32>,
        %get3A_329 = vector.shape_cast %get3A_328 : vector<1x16xf32> to vector<16xf32>
        %get3A_330 = arith.index_cast %scan3A_281 : i32 to index
        %get3A_331 = arith.constant 96 : index
        %get3A_332 = tpu.vector_load %arg20[%get3A_330, %get3A_331] {strides = array<i32>} : memref<64x128xf32, #tpu.memory_space<vmem>>, vector<1x16xf32>,
        %get3A_333 = vector.shape_cast %get3A_332 : vector<1x16xf32> to vector<16xf32>
        %get3A_334 = arith.index_cast %scan3A_281 : i32 to index
        %get3A_335 = arith.constant 112 : index
        %get3A_336 = tpu.vector_load %arg20[%get3A_334, %get3A_335] {strides = array<i32>} : memref<64x128xf32, #tpu.memory_space<vmem>>, vector<1x16xf32>,
        %get3A_337 = vector.shape_cast %get3A_336 : vector<1x16xf32> to vector<16xf32>
        %get3A_338 = arith.index_cast %scan3A_281 : i32 to index
        %get3A_339 = arith.constant 0 : index
        %get3A_340 = tpu.vector_load %arg21[%get3A_338, %get3A_339] {strides = array<i32>} : memref<64x128xf32, #tpu.memory_space<vmem>>, vector<1x16xf32>,
        %get3A_341 = vector.shape_cast %get3A_340 : vector<1x16xf32> to vector<16xf32>
        %get3A_342 = arith.index_cast %scan3A_281 : i32 to index
        %get3A_343 = arith.constant 16 : index
        %get3A_344 = tpu.vector_load %arg21[%get3A_342, %get3A_343] {strides = array<i32>} : memref<64x128xf32, #tpu.memory_space<vmem>>, vector<1x16xf32>,
        %get3A_345 = vector.shape_cast %get3A_344 : vector<1x16xf32> to vector<16xf32>
        %get3A_346 = arith.index_cast %scan3A_281 : i32 to index
        %get3A_347 = arith.constant 32 : index
        %get3A_348 = tpu.vector_load %arg21[%get3A_346, %get3A_347] {strides = array<i32>} : memref<64x128xf32, #tpu.memory_space<vmem>>, vector<1x16xf32>,
        %get3A_349 = vector.shape_cast %get3A_348 : vector<1x16xf32> to vector<16xf32>
        %get3A_350 = arith.index_cast %scan3A_281 : i32 to index
        %get3A_351 = arith.constant 48 : index
        %get3A_352 = tpu.vector_load %arg21[%get3A_350, %get3A_351] {strides = array<i32>} : memref<64x128xf32, #tpu.memory_space<vmem>>, vector<1x16xf32>,
        %get3A_353 = vector.shape_cast %get3A_352 : vector<1x16xf32> to vector<16xf32>
        %get3A_354 = arith.index_cast %scan3A_281 : i32 to index
        %get3A_355 = arith.constant 64 : index
        %get3A_356 = tpu.vector_load %arg21[%get3A_354, %get3A_355] {strides = array<i32>} : memref<64x128xf32, #tpu.memory_space<vmem>>, vector<1x16xf32>,
        %get3A_357 = vector.shape_cast %get3A_356 : vector<1x16xf32> to vector<16xf32>
        %get3A_358 = arith.index_cast %scan3A_281 : i32 to index
        %get3A_359 = arith.constant 80 : index
        %get3A_360 = tpu.vector_load %arg21[%get3A_358, %get3A_359] {strides = array<i32>} : memref<64x128xf32, #tpu.memory_space<vmem>>, vector<1x16xf32>,
        %get3A_361 = vector.shape_cast %get3A_360 : vector<1x16xf32> to vector<16xf32>
        %get3A_362 = arith.index_cast %scan3A_281 : i32 to index
        %get3A_363 = arith.constant 96 : index
        %get3A_364 = tpu.vector_load %arg21[%get3A_362, %get3A_363] {strides = array<i32>} : memref<64x128xf32, #tpu.memory_space<vmem>>, vector<1x16xf32>,
        %get3A_365 = vector.shape_cast %get3A_364 : vector<1x16xf32> to vector<16xf32>
        %get3A_366 = arith.index_cast %scan3A_281 : i32 to index
        %get3A_367 = arith.constant 112 : index
        %get3A_368 = tpu.vector_load %arg21[%get3A_366, %get3A_367] {strides = array<i32>} : memref<64x128xf32, #tpu.memory_space<vmem>>, vector<1x16xf32>,
        %get3A_369 = vector.shape_cast %get3A_368 : vector<1x16xf32> to vector<16xf32>
        %add3A_370 = arith.addf %get3A_309, %get3A_341 : vector<16xf32>
        %mul3A_371 = arith.mulf %add3A_305, %get3A_4 : vector<16xf32>
        %add3A_372 = arith.addf %add3A_370, %mul3A_371 : vector<16xf32>
        %max3A_373 = arith.constant 0.000000e+00 : f32
        %max3A_374 = vector.broadcast %max3A_373 : f32 to vector<16xf32>
        %max3A_375 = arith.maximumf %add3A_372, %max3A_374 : vector<16xf32>
        %add3A_376 = arith.addf %get3A_313, %get3A_345 : vector<16xf32>
        %mul3A_377 = arith.mulf %add3A_305, %get3A_7 : vector<16xf32>
        %add3A_378 = arith.addf %add3A_376, %mul3A_377 : vector<16xf32>
        %max3A_379 = arith.constant 0.000000e+00 : f32
        %max3A_380 = vector.broadcast %max3A_379 : f32 to vector<16xf32>
        %max3A_381 = arith.maximumf %add3A_378, %max3A_380 : vector<16xf32>
        %add3A_382 = arith.addf %get3A_317, %get3A_349 : vector<16xf32>
        %mul3A_383 = arith.mulf %add3A_305, %get3A_10 : vector<16xf32>
        %add3A_384 = arith.addf %add3A_382, %mul3A_383 : vector<16xf32>
        %max3A_385 = arith.constant 0.000000e+00 : f32
        %max3A_386 = vector.broadcast %max3A_385 : f32 to vector<16xf32>
        %max3A_387 = arith.maximumf %add3A_384, %max3A_386 : vector<16xf32>
        %add3A_388 = arith.addf %get3A_321, %get3A_353 : vector<16xf32>
        %mul3A_389 = arith.mulf %add3A_305, %get3A_13 : vector<16xf32>
        %add3A_390 = arith.addf %add3A_388, %mul3A_389 : vector<16xf32>
        %max3A_391 = arith.constant 0.000000e+00 : f32
        %max3A_392 = vector.broadcast %max3A_391 : f32 to vector<16xf32>
        %max3A_393 = arith.maximumf %add3A_390, %max3A_392 : vector<16xf32>
        %add3A_394 = arith.addf %get3A_325, %get3A_357 : vector<16xf32>
        %mul3A_395 = arith.mulf %add3A_305, %get3A_16 : vector<16xf32>
        %add3A_396 = arith.addf %add3A_394, %mul3A_395 : vector<16xf32>
        %max3A_397 = arith.constant 0.000000e+00 : f32
        %max3A_398 = vector.broadcast %max3A_397 : f32 to vector<16xf32>
        %max3A_399 = arith.maximumf %add3A_396, %max3A_398 : vector<16xf32>
        %add3A_400 = arith.addf %get3A_329, %get3A_361 : vector<16xf32>
        %mul3A_401 = arith.mulf %add3A_305, %get3A_19 : vector<16xf32>
        %add3A_402 = arith.addf %add3A_400, %mul3A_401 : vector<16xf32>
        %max3A_403 = arith.constant 0.000000e+00 : f32
        %max3A_404 = vector.broadcast %max3A_403 : f32 to vector<16xf32>
        %max3A_405 = arith.maximumf %add3A_402, %max3A_404 : vector<16xf32>
        %add3A_406 = arith.addf %get3A_333, %get3A_365 : vector<16xf32>
        %mul3A_407 = arith.mulf %add3A_305, %get3A_22 : vector<16xf32>
        %add3A_408 = arith.addf %add3A_406, %mul3A_407 : vector<16xf32>
        %max3A_409 = arith.constant 0.000000e+00 : f32
        %max3A_410 = vector.broadcast %max3A_409 : f32 to vector<16xf32>
        %max3A_411 = arith.maximumf %add3A_408, %max3A_410 : vector<16xf32>
        %add3A_412 = arith.addf %get3A_337, %get3A_369 : vector<16xf32>
        %mul3A_413 = arith.mulf %add3A_305, %get3A_25 : vector<16xf32>
        %add3A_414 = arith.addf %add3A_412, %mul3A_413 : vector<16xf32>
        %max3A_415 = arith.constant 0.000000e+00 : f32
        %max3A_416 = vector.broadcast %max3A_415 : f32 to vector<16xf32>
        %max3A_417 = arith.maximumf %add3A_414, %max3A_416 : vector<16xf32>
        %swap3A_418 = arith.index_cast %scan3A_281 : i32 to index
        %swap3A_419 = arith.constant 0 : index
        %swap3A_420 = tpu.vector_load %arg24[%swap3A_418, %swap3A_419] {strides = array<i32>} : memref<64x128xf32, #tpu.memory_space<vmem>>, vector<1x16xf32>,
        %swap3A_421 = vector.shape_cast %swap3A_420 : vector<1x16xf32> to vector<16xf32>
        %swap3A_422 = vector.shape_cast %max3A_375 : vector<16xf32> to vector<1x16xf32>
        tpu.vector_store %arg24[%swap3A_418, %swap3A_419], %swap3A_422 {strides = array<i32>} : memref<64x128xf32, #tpu.memory_space<vmem>>, vector<1x16xf32>,
        %swap3A_423 = arith.index_cast %scan3A_281 : i32 to index
        %swap3A_424 = arith.constant 16 : index
        %swap3A_425 = tpu.vector_load %arg24[%swap3A_423, %swap3A_424] {strides = array<i32>} : memref<64x128xf32, #tpu.memory_space<vmem>>, vector<1x16xf32>,
        %swap3A_426 = vector.shape_cast %swap3A_425 : vector<1x16xf32> to vector<16xf32>
        %swap3A_427 = vector.shape_cast %max3A_381 : vector<16xf32> to vector<1x16xf32>
        tpu.vector_store %arg24[%swap3A_423, %swap3A_424], %swap3A_427 {strides = array<i32>} : memref<64x128xf32, #tpu.memory_space<vmem>>, vector<1x16xf32>,
        %swap3A_428 = arith.index_cast %scan3A_281 : i32 to index
        %swap3A_429 = arith.constant 32 : index
        %swap3A_430 = tpu.vector_load %arg24[%swap3A_428, %swap3A_429] {strides = array<i32>} : memref<64x128xf32, #tpu.memory_space<vmem>>, vector<1x16xf32>,
        %swap3A_431 = vector.shape_cast %swap3A_430 : vector<1x16xf32> to vector<16xf32>
        %swap3A_432 = vector.shape_cast %max3A_387 : vector<16xf32> to vector<1x16xf32>
        tpu.vector_store %arg24[%swap3A_428, %swap3A_429], %swap3A_432 {strides = array<i32>} : memref<64x128xf32, #tpu.memory_space<vmem>>, vector<1x16xf32>,
        %swap3A_433 = arith.index_cast %scan3A_281 : i32 to index
        %swap3A_434 = arith.constant 48 : index
        %swap3A_435 = tpu.vector_load %arg24[%swap3A_433, %swap3A_434] {strides = array<i32>} : memref<64x128xf32, #tpu.memory_space<vmem>>, vector<1x16xf32>,
        %swap3A_436 = vector.shape_cast %swap3A_435 : vector<1x16xf32> to vector<16xf32>
        %swap3A_437 = vector.shape_cast %max3A_393 : vector<16xf32> to vector<1x16xf32>
        tpu.vector_store %arg24[%swap3A_433, %swap3A_434], %swap3A_437 {strides = array<i32>} : memref<64x128xf32, #tpu.memory_space<vmem>>, vector<1x16xf32>,
        %swap3A_438 = arith.index_cast %scan3A_281 : i32 to index
        %swap3A_439 = arith.constant 64 : index
        %swap3A_440 = tpu.vector_load %arg24[%swap3A_438, %swap3A_439] {strides = array<i32>} : memref<64x128xf32, #tpu.memory_space<vmem>>, vector<1x16xf32>,
        %swap3A_441 = vector.shape_cast %swap3A_440 : vector<1x16xf32> to vector<16xf32>
        %swap3A_442 = vector.shape_cast %max3A_399 : vector<16xf32> to vector<1x16xf32>
        tpu.vector_store %arg24[%swap3A_438, %swap3A_439], %swap3A_442 {strides = array<i32>} : memref<64x128xf32, #tpu.memory_space<vmem>>, vector<1x16xf32>,
        %swap3A_443 = arith.index_cast %scan3A_281 : i32 to index
        %swap3A_444 = arith.constant 80 : index
        %swap3A_445 = tpu.vector_load %arg24[%swap3A_443, %swap3A_444] {strides = array<i32>} : memref<64x128xf32, #tpu.memory_space<vmem>>, vector<1x16xf32>,
        %swap3A_446 = vector.shape_cast %swap3A_445 : vector<1x16xf32> to vector<16xf32>
        %swap3A_447 = vector.shape_cast %max3A_405 : vector<16xf32> to vector<1x16xf32>
        tpu.vector_store %arg24[%swap3A_443, %swap3A_444], %swap3A_447 {strides = array<i32>} : memref<64x128xf32, #tpu.memory_space<vmem>>, vector<1x16xf32>,
        %swap3A_448 = arith.index_cast %scan3A_281 : i32 to index
        %swap3A_449 = arith.constant 96 : index
        %swap3A_450 = tpu.vector_load %arg24[%swap3A_448, %swap3A_449] {strides = array<i32>} : memref<64x128xf32, #tpu.memory_space<vmem>>, vector<1x16xf32>,
        %swap3A_451 = vector.shape_cast %swap3A_450 : vector<1x16xf32> to vector<16xf32>
        %swap3A_452 = vector.shape_cast %max3A_411 : vector<16xf32> to vector<1x16xf32>
        tpu.vector_store %arg24[%swap3A_448, %swap3A_449], %swap3A_452 {strides = array<i32>} : memref<64x128xf32, #tpu.memory_space<vmem>>, vector<1x16xf32>,
        %swap3A_453 = arith.index_cast %scan3A_281 : i32 to index
        %swap3A_454 = arith.constant 112 : index
        %swap3A_455 = tpu.vector_load %arg24[%swap3A_453, %swap3A_454] {strides = array<i32>} : memref<64x128xf32, #tpu.memory_space<vmem>>, vector<1x16xf32>,
        %swap3A_456 = vector.shape_cast %swap3A_455 : vector<1x16xf32> to vector<16xf32>
        %swap3A_457 = vector.shape_cast %max3A_417 : vector<16xf32> to vector<1x16xf32>
        tpu.vector_store %arg24[%swap3A_453, %swap3A_454], %swap3A_457 {strides = array<i32>} : memref<64x128xf32, #tpu.memory_space<vmem>>, vector<1x16xf32>,
        %scan3A_458 = arith.constant 2 : i32
        %scan3A_459 = arith.addi %scan3A_108, %scan3A_458 : i32
        %get3A_460 = arith.index_cast %scan3A_459 : i32 to index
        %get3A_461 = arith.constant 0 : index
        %get3A_462 = tpu.vector_load %arg22[%get3A_460, %get3A_461] {strides = array<i32>} : memref<64x16xf32, #tpu.memory_space<vmem>>, vector<1x16xf32>,
        %get3A_463 = vector.shape_cast %get3A_462 : vector<1x16xf32> to vector<16xf32>
        %get3A_464 = arith.index_cast %scan3A_459 : i32 to index
        %get3A_465 = arith.constant 0 : index
        %get3A_466 = tpu.vector_load %arg23[%get3A_464, %get3A_465] {strides = array<i32>} : memref<64x16xf32, #tpu.memory_space<vmem>>, vector<1x16xf32>,
        %get3A_467 = vector.shape_cast %get3A_466 : vector<1x16xf32> to vector<16xf32>
        %sub3A_468 = arith.subf %get3A_463, %get3A_467 : vector<16xf32>
        %mul3A_469 = arith.mulf %sub3A_468, %sub3A_468 : vector<16xf32>
        %broadcast_in_dim3A_470 = arith.constant 0 : i32
        %broadcast_in_dim3A_471 = vector.broadcast %broadcast_in_dim3A_470 : i32 to vector<16x1xi32>
        %gather3A_472 = vector.shape_cast %broadcast_in_dim3A_471 : vector<16x1xi32> to vector<16xi32>
        %gather3A_473 = tpu.dynamic_gather %mul3A_469[%gather3A_472] in [0] : vector<16xf32>, vector<16xi32> -> vector<16xf32>
        %broadcast_in_dim3A_474 = arith.constant 1 : i32
        %broadcast_in_dim3A_475 = vector.broadcast %broadcast_in_dim3A_474 : i32 to vector<16x1xi32>
        %gather3A_476 = vector.shape_cast %broadcast_in_dim3A_475 : vector<16x1xi32> to vector<16xi32>
        %gather3A_477 = tpu.dynamic_gather %mul3A_469[%gather3A_476] in [0] : vector<16xf32>, vector<16xi32> -> vector<16xf32>
        %add3A_478 = arith.addf %gather3A_473, %gather3A_477 : vector<16xf32>
        %broadcast_in_dim3A_479 = arith.constant 2 : i32
        %broadcast_in_dim3A_480 = vector.broadcast %broadcast_in_dim3A_479 : i32 to vector<16x1xi32>
        %gather3A_481 = vector.shape_cast %broadcast_in_dim3A_480 : vector<16x1xi32> to vector<16xi32>
        %gather3A_482 = tpu.dynamic_gather %mul3A_469[%gather3A_481] in [0] : vector<16xf32>, vector<16xi32> -> vector<16xf32>
        %add3A_483 = arith.addf %add3A_478, %gather3A_482 : vector<16xf32>
        %get3A_484 = arith.index_cast %scan3A_459 : i32 to index
        %get3A_485 = arith.constant 0 : index
        %get3A_486 = tpu.vector_load %arg20[%get3A_484, %get3A_485] {strides = array<i32>} : memref<64x128xf32, #tpu.memory_space<vmem>>, vector<1x16xf32>,
        %get3A_487 = vector.shape_cast %get3A_486 : vector<1x16xf32> to vector<16xf32>
        %get3A_488 = arith.index_cast %scan3A_459 : i32 to index
        %get3A_489 = arith.constant 16 : index
        %get3A_490 = tpu.vector_load %arg20[%get3A_488, %get3A_489] {strides = array<i32>} : memref<64x128xf32, #tpu.memory_space<vmem>>, vector<1x16xf32>,
        %get3A_491 = vector.shape_cast %get3A_490 : vector<1x16xf32> to vector<16xf32>
        %get3A_492 = arith.index_cast %scan3A_459 : i32 to index
        %get3A_493 = arith.constant 32 : index
        %get3A_494 = tpu.vector_load %arg20[%get3A_492, %get3A_493] {strides = array<i32>} : memref<64x128xf32, #tpu.memory_space<vmem>>, vector<1x16xf32>,
        %get3A_495 = vector.shape_cast %get3A_494 : vector<1x16xf32> to vector<16xf32>
        %get3A_496 = arith.index_cast %scan3A_459 : i32 to index
        %get3A_497 = arith.constant 48 : index
        %get3A_498 = tpu.vector_load %arg20[%get3A_496, %get3A_497] {strides = array<i32>} : memref<64x128xf32, #tpu.memory_space<vmem>>, vector<1x16xf32>,
        %get3A_499 = vector.shape_cast %get3A_498 : vector<1x16xf32> to vector<16xf32>
        %get3A_500 = arith.index_cast %scan3A_459 : i32 to index
        %get3A_501 = arith.constant 64 : index
        %get3A_502 = tpu.vector_load %arg20[%get3A_500, %get3A_501] {strides = array<i32>} : memref<64x128xf32, #tpu.memory_space<vmem>>, vector<1x16xf32>,
        %get3A_503 = vector.shape_cast %get3A_502 : vector<1x16xf32> to vector<16xf32>
        %get3A_504 = arith.index_cast %scan3A_459 : i32 to index
        %get3A_505 = arith.constant 80 : index
        %get3A_506 = tpu.vector_load %arg20[%get3A_504, %get3A_505] {strides = array<i32>} : memref<64x128xf32, #tpu.memory_space<vmem>>, vector<1x16xf32>,
        %get3A_507 = vector.shape_cast %get3A_506 : vector<1x16xf32> to vector<16xf32>
        %get3A_508 = arith.index_cast %scan3A_459 : i32 to index
        %get3A_509 = arith.constant 96 : index
        %get3A_510 = tpu.vector_load %arg20[%get3A_508, %get3A_509] {strides = array<i32>} : memref<64x128xf32, #tpu.memory_space<vmem>>, vector<1x16xf32>,
        %get3A_511 = vector.shape_cast %get3A_510 : vector<1x16xf32> to vector<16xf32>
        %get3A_512 = arith.index_cast %scan3A_459 : i32 to index
        %get3A_513 = arith.constant 112 : index
        %get3A_514 = tpu.vector_load %arg20[%get3A_512, %get3A_513] {strides = array<i32>} : memref<64x128xf32, #tpu.memory_space<vmem>>, vector<1x16xf32>,
        %get3A_515 = vector.shape_cast %get3A_514 : vector<1x16xf32> to vector<16xf32>
        %get3A_516 = arith.index_cast %scan3A_459 : i32 to index
        %get3A_517 = arith.constant 0 : index
        %get3A_518 = tpu.vector_load %arg21[%get3A_516, %get3A_517] {strides = array<i32>} : memref<64x128xf32, #tpu.memory_space<vmem>>, vector<1x16xf32>,
        %get3A_519 = vector.shape_cast %get3A_518 : vector<1x16xf32> to vector<16xf32>
        %get3A_520 = arith.index_cast %scan3A_459 : i32 to index
        %get3A_521 = arith.constant 16 : index
        %get3A_522 = tpu.vector_load %arg21[%get3A_520, %get3A_521] {strides = array<i32>} : memref<64x128xf32, #tpu.memory_space<vmem>>, vector<1x16xf32>,
        %get3A_523 = vector.shape_cast %get3A_522 : vector<1x16xf32> to vector<16xf32>
        %get3A_524 = arith.index_cast %scan3A_459 : i32 to index
        %get3A_525 = arith.constant 32 : index
        %get3A_526 = tpu.vector_load %arg21[%get3A_524, %get3A_525] {strides = array<i32>} : memref<64x128xf32, #tpu.memory_space<vmem>>, vector<1x16xf32>,
        %get3A_527 = vector.shape_cast %get3A_526 : vector<1x16xf32> to vector<16xf32>
        %get3A_528 = arith.index_cast %scan3A_459 : i32 to index
        %get3A_529 = arith.constant 48 : index
        %get3A_530 = tpu.vector_load %arg21[%get3A_528, %get3A_529] {strides = array<i32>} : memref<64x128xf32, #tpu.memory_space<vmem>>, vector<1x16xf32>,
        %get3A_531 = vector.shape_cast %get3A_530 : vector<1x16xf32> to vector<16xf32>
        %get3A_532 = arith.index_cast %scan3A_459 : i32 to index
        %get3A_533 = arith.constant 64 : index
        %get3A_534 = tpu.vector_load %arg21[%get3A_532, %get3A_533] {strides = array<i32>} : memref<64x128xf32, #tpu.memory_space<vmem>>, vector<1x16xf32>,
        %get3A_535 = vector.shape_cast %get3A_534 : vector<1x16xf32> to vector<16xf32>
        %get3A_536 = arith.index_cast %scan3A_459 : i32 to index
        %get3A_537 = arith.constant 80 : index
        %get3A_538 = tpu.vector_load %arg21[%get3A_536, %get3A_537] {strides = array<i32>} : memref<64x128xf32, #tpu.memory_space<vmem>>, vector<1x16xf32>,
        %get3A_539 = vector.shape_cast %get3A_538 : vector<1x16xf32> to vector<16xf32>
        %get3A_540 = arith.index_cast %scan3A_459 : i32 to index
        %get3A_541 = arith.constant 96 : index
        %get3A_542 = tpu.vector_load %arg21[%get3A_540, %get3A_541] {strides = array<i32>} : memref<64x128xf32, #tpu.memory_space<vmem>>, vector<1x16xf32>,
        %get3A_543 = vector.shape_cast %get3A_542 : vector<1x16xf32> to vector<16xf32>
        %get3A_544 = arith.index_cast %scan3A_459 : i32 to index
        %get3A_545 = arith.constant 112 : index
        %get3A_546 = tpu.vector_load %arg21[%get3A_544, %get3A_545] {strides = array<i32>} : memref<64x128xf32, #tpu.memory_space<vmem>>, vector<1x16xf32>,
        %get3A_547 = vector.shape_cast %get3A_546 : vector<1x16xf32> to vector<16xf32>
        %add3A_548 = arith.addf %get3A_487, %get3A_519 : vector<16xf32>
        %mul3A_549 = arith.mulf %add3A_483, %get3A_4 : vector<16xf32>
        %add3A_550 = arith.addf %add3A_548, %mul3A_549 : vector<16xf32>
        %max3A_551 = arith.constant 0.000000e+00 : f32
        %max3A_552 = vector.broadcast %max3A_551 : f32 to vector<16xf32>
        %max3A_553 = arith.maximumf %add3A_550, %max3A_552 : vector<16xf32>
        %add3A_554 = arith.addf %get3A_491, %get3A_523 : vector<16xf32>
        %mul3A_555 = arith.mulf %add3A_483, %get3A_7 : vector<16xf32>
        %add3A_556 = arith.addf %add3A_554, %mul3A_555 : vector<16xf32>
        %max3A_557 = arith.constant 0.000000e+00 : f32
        %max3A_558 = vector.broadcast %max3A_557 : f32 to vector<16xf32>
        %max3A_559 = arith.maximumf %add3A_556, %max3A_558 : vector<16xf32>
        %add3A_560 = arith.addf %get3A_495, %get3A_527 : vector<16xf32>
        %mul3A_561 = arith.mulf %add3A_483, %get3A_10 : vector<16xf32>
        %add3A_562 = arith.addf %add3A_560, %mul3A_561 : vector<16xf32>
        %max3A_563 = arith.constant 0.000000e+00 : f32
        %max3A_564 = vector.broadcast %max3A_563 : f32 to vector<16xf32>
        %max3A_565 = arith.maximumf %add3A_562, %max3A_564 : vector<16xf32>
        %add3A_566 = arith.addf %get3A_499, %get3A_531 : vector<16xf32>
        %mul3A_567 = arith.mulf %add3A_483, %get3A_13 : vector<16xf32>
        %add3A_568 = arith.addf %add3A_566, %mul3A_567 : vector<16xf32>
        %max3A_569 = arith.constant 0.000000e+00 : f32
        %max3A_570 = vector.broadcast %max3A_569 : f32 to vector<16xf32>
        %max3A_571 = arith.maximumf %add3A_568, %max3A_570 : vector<16xf32>
        %add3A_572 = arith.addf %get3A_503, %get3A_535 : vector<16xf32>
        %mul3A_573 = arith.mulf %add3A_483, %get3A_16 : vector<16xf32>
        %add3A_574 = arith.addf %add3A_572, %mul3A_573 : vector<16xf32>
        %max3A_575 = arith.constant 0.000000e+00 : f32
        %max3A_576 = vector.broadcast %max3A_575 : f32 to vector<16xf32>
        %max3A_577 = arith.maximumf %add3A_574, %max3A_576 : vector<16xf32>
        %add3A_578 = arith.addf %get3A_507, %get3A_539 : vector<16xf32>
        %mul3A_579 = arith.mulf %add3A_483, %get3A_19 : vector<16xf32>
        %add3A_580 = arith.addf %add3A_578, %mul3A_579 : vector<16xf32>
        %max3A_581 = arith.constant 0.000000e+00 : f32
        %max3A_582 = vector.broadcast %max3A_581 : f32 to vector<16xf32>
        %max3A_583 = arith.maximumf %add3A_580, %max3A_582 : vector<16xf32>
        %add3A_584 = arith.addf %get3A_511, %get3A_543 : vector<16xf32>
        %mul3A_585 = arith.mulf %add3A_483, %get3A_22 : vector<16xf32>
        %add3A_586 = arith.addf %add3A_584, %mul3A_585 : vector<16xf32>
        %max3A_587 = arith.constant 0.000000e+00 : f32
        %max3A_588 = vector.broadcast %max3A_587 : f32 to vector<16xf32>
        %max3A_589 = arith.maximumf %add3A_586, %max3A_588 : vector<16xf32>
        %add3A_590 = arith.addf %get3A_515, %get3A_547 : vector<16xf32>
        %mul3A_591 = arith.mulf %add3A_483, %get3A_25 : vector<16xf32>
        %add3A_592 = arith.addf %add3A_590, %mul3A_591 : vector<16xf32>
        %max3A_593 = arith.constant 0.000000e+00 : f32
        %max3A_594 = vector.broadcast %max3A_593 : f32 to vector<16xf32>
        %max3A_595 = arith.maximumf %add3A_592, %max3A_594 : vector<16xf32>
        %swap3A_596 = arith.index_cast %scan3A_459 : i32 to index
        %swap3A_597 = arith.constant 0 : index
        %swap3A_598 = tpu.vector_load %arg24[%swap3A_596, %swap3A_597] {strides = array<i32>} : memref<64x128xf32, #tpu.memory_space<vmem>>, vector<1x16xf32>,
        %swap3A_599 = vector.shape_cast %swap3A_598 : vector<1x16xf32> to vector<16xf32>
        %swap3A_600 = vector.shape_cast %max3A_553 : vector<16xf32> to vector<1x16xf32>
        tpu.vector_store %arg24[%swap3A_596, %swap3A_597], %swap3A_600 {strides = array<i32>} : memref<64x128xf32, #tpu.memory_space<vmem>>, vector<1x16xf32>,
        %swap3A_601 = arith.index_cast %scan3A_459 : i32 to index
        %swap3A_602 = arith.constant 16 : index
        %swap3A_603 = tpu.vector_load %arg24[%swap3A_601, %swap3A_602] {strides = array<i32>} : memref<64x128xf32, #tpu.memory_space<vmem>>, vector<1x16xf32>,
        %swap3A_604 = vector.shape_cast %swap3A_603 : vector<1x16xf32> to vector<16xf32>
        %swap3A_605 = vector.shape_cast %max3A_559 : vector<16xf32> to vector<1x16xf32>
        tpu.vector_store %arg24[%swap3A_601, %swap3A_602], %swap3A_605 {strides = array<i32>} : memref<64x128xf32, #tpu.memory_space<vmem>>, vector<1x16xf32>,
        %swap3A_606 = arith.index_cast %scan3A_459 : i32 to index
        %swap3A_607 = arith.constant 32 : index
        %swap3A_608 = tpu.vector_load %arg24[%swap3A_606, %swap3A_607] {strides = array<i32>} : memref<64x128xf32, #tpu.memory_space<vmem>>, vector<1x16xf32>,
        %swap3A_609 = vector.shape_cast %swap3A_608 : vector<1x16xf32> to vector<16xf32>
        %swap3A_610 = vector.shape_cast %max3A_565 : vector<16xf32> to vector<1x16xf32>
        tpu.vector_store %arg24[%swap3A_606, %swap3A_607], %swap3A_610 {strides = array<i32>} : memref<64x128xf32, #tpu.memory_space<vmem>>, vector<1x16xf32>,
        %swap3A_611 = arith.index_cast %scan3A_459 : i32 to index
        %swap3A_612 = arith.constant 48 : index
        %swap3A_613 = tpu.vector_load %arg24[%swap3A_611, %swap3A_612] {strides = array<i32>} : memref<64x128xf32, #tpu.memory_space<vmem>>, vector<1x16xf32>,
        %swap3A_614 = vector.shape_cast %swap3A_613 : vector<1x16xf32> to vector<16xf32>
        %swap3A_615 = vector.shape_cast %max3A_571 : vector<16xf32> to vector<1x16xf32>
        tpu.vector_store %arg24[%swap3A_611, %swap3A_612], %swap3A_615 {strides = array<i32>} : memref<64x128xf32, #tpu.memory_space<vmem>>, vector<1x16xf32>,
        %swap3A_616 = arith.index_cast %scan3A_459 : i32 to index
        %swap3A_617 = arith.constant 64 : index
        %swap3A_618 = tpu.vector_load %arg24[%swap3A_616, %swap3A_617] {strides = array<i32>} : memref<64x128xf32, #tpu.memory_space<vmem>>, vector<1x16xf32>,
        %swap3A_619 = vector.shape_cast %swap3A_618 : vector<1x16xf32> to vector<16xf32>
        %swap3A_620 = vector.shape_cast %max3A_577 : vector<16xf32> to vector<1x16xf32>
        tpu.vector_store %arg24[%swap3A_616, %swap3A_617], %swap3A_620 {strides = array<i32>} : memref<64x128xf32, #tpu.memory_space<vmem>>, vector<1x16xf32>,
        %swap3A_621 = arith.index_cast %scan3A_459 : i32 to index
        %swap3A_622 = arith.constant 80 : index
        %swap3A_623 = tpu.vector_load %arg24[%swap3A_621, %swap3A_622] {strides = array<i32>} : memref<64x128xf32, #tpu.memory_space<vmem>>, vector<1x16xf32>,
        %swap3A_624 = vector.shape_cast %swap3A_623 : vector<1x16xf32> to vector<16xf32>
        %swap3A_625 = vector.shape_cast %max3A_583 : vector<16xf32> to vector<1x16xf32>
        tpu.vector_store %arg24[%swap3A_621, %swap3A_622], %swap3A_625 {strides = array<i32>} : memref<64x128xf32, #tpu.memory_space<vmem>>, vector<1x16xf32>,
        %swap3A_626 = arith.index_cast %scan3A_459 : i32 to index
        %swap3A_627 = arith.constant 96 : index
        %swap3A_628 = tpu.vector_load %arg24[%swap3A_626, %swap3A_627] {strides = array<i32>} : memref<64x128xf32, #tpu.memory_space<vmem>>, vector<1x16xf32>,
        %swap3A_629 = vector.shape_cast %swap3A_628 : vector<1x16xf32> to vector<16xf32>
        %swap3A_630 = vector.shape_cast %max3A_589 : vector<16xf32> to vector<1x16xf32>
        tpu.vector_store %arg24[%swap3A_626, %swap3A_627], %swap3A_630 {strides = array<i32>} : memref<64x128xf32, #tpu.memory_space<vmem>>, vector<1x16xf32>,
        %swap3A_631 = arith.index_cast %scan3A_459 : i32 to index
        %swap3A_632 = arith.constant 112 : index
        %swap3A_633 = tpu.vector_load %arg24[%swap3A_631, %swap3A_632] {strides = array<i32>} : memref<64x128xf32, #tpu.memory_space<vmem>>, vector<1x16xf32>,
        %swap3A_634 = vector.shape_cast %swap3A_633 : vector<1x16xf32> to vector<16xf32>
        %swap3A_635 = vector.shape_cast %max3A_595 : vector<16xf32> to vector<1x16xf32>
        tpu.vector_store %arg24[%swap3A_631, %swap3A_632], %swap3A_635 {strides = array<i32>} : memref<64x128xf32, #tpu.memory_space<vmem>>, vector<1x16xf32>,
        %scan3A_636 = arith.constant 3 : i32
        %scan3A_637 = arith.addi %scan3A_108, %scan3A_636 : i32
        %get3A_638 = arith.index_cast %scan3A_637 : i32 to index
        %get3A_639 = arith.constant 0 : index
        %get3A_640 = tpu.vector_load %arg22[%get3A_638, %get3A_639] {strides = array<i32>} : memref<64x16xf32, #tpu.memory_space<vmem>>, vector<1x16xf32>,
        %get3A_641 = vector.shape_cast %get3A_640 : vector<1x16xf32> to vector<16xf32>
        %get3A_642 = arith.index_cast %scan3A_637 : i32 to index
        %get3A_643 = arith.constant 0 : index
        %get3A_644 = tpu.vector_load %arg23[%get3A_642, %get3A_643] {strides = array<i32>} : memref<64x16xf32, #tpu.memory_space<vmem>>, vector<1x16xf32>,
        %get3A_645 = vector.shape_cast %get3A_644 : vector<1x16xf32> to vector<16xf32>
        %sub3A_646 = arith.subf %get3A_641, %get3A_645 : vector<16xf32>
        %mul3A_647 = arith.mulf %sub3A_646, %sub3A_646 : vector<16xf32>
        %broadcast_in_dim3A_648 = arith.constant 0 : i32
        %broadcast_in_dim3A_649 = vector.broadcast %broadcast_in_dim3A_648 : i32 to vector<16x1xi32>
        %gather3A_650 = vector.shape_cast %broadcast_in_dim3A_649 : vector<16x1xi32> to vector<16xi32>
        %gather3A_651 = tpu.dynamic_gather %mul3A_647[%gather3A_650] in [0] : vector<16xf32>, vector<16xi32> -> vector<16xf32>
        %broadcast_in_dim3A_652 = arith.constant 1 : i32
        %broadcast_in_dim3A_653 = vector.broadcast %broadcast_in_dim3A_652 : i32 to vector<16x1xi32>
        %gather3A_654 = vector.shape_cast %broadcast_in_dim3A_653 : vector<16x1xi32> to vector<16xi32>
        %gather3A_655 = tpu.dynamic_gather %mul3A_647[%gather3A_654] in [0] : vector<16xf32>, vector<16xi32> -> vector<16xf32>
        %add3A_656 = arith.addf %gather3A_651, %gather3A_655 : vector<16xf32>
        %broadcast_in_dim3A_657 = arith.constant 2 : i32
        %broadcast_in_dim3A_658 = vector.broadcast %broadcast_in_dim3A_657 : i32 to vector<16x1xi32>
        %gather3A_659 = vector.shape_cast %broadcast_in_dim3A_658 : vector<16x1xi32> to vector<16xi32>
        %gather3A_660 = tpu.dynamic_gather %mul3A_647[%gather3A_659] in [0] : vector<16xf32>, vector<16xi32> -> vector<16xf32>
        %add3A_661 = arith.addf %add3A_656, %gather3A_660 : vector<16xf32>
        %get3A_662 = arith.index_cast %scan3A_637 : i32 to index
        %get3A_663 = arith.constant 0 : index
        %get3A_664 = tpu.vector_load %arg20[%get3A_662, %get3A_663] {strides = array<i32>} : memref<64x128xf32, #tpu.memory_space<vmem>>, vector<1x16xf32>,
        %get3A_665 = vector.shape_cast %get3A_664 : vector<1x16xf32> to vector<16xf32>
        %get3A_666 = arith.index_cast %scan3A_637 : i32 to index
        %get3A_667 = arith.constant 16 : index
        %get3A_668 = tpu.vector_load %arg20[%get3A_666, %get3A_667] {strides = array<i32>} : memref<64x128xf32, #tpu.memory_space<vmem>>, vector<1x16xf32>,
        %get3A_669 = vector.shape_cast %get3A_668 : vector<1x16xf32> to vector<16xf32>
        %get3A_670 = arith.index_cast %scan3A_637 : i32 to index
        %get3A_671 = arith.constant 32 : index
        %get3A_672 = tpu.vector_load %arg20[%get3A_670, %get3A_671] {strides = array<i32>} : memref<64x128xf32, #tpu.memory_space<vmem>>, vector<1x16xf32>,
        %get3A_673 = vector.shape_cast %get3A_672 : vector<1x16xf32> to vector<16xf32>
        %get3A_674 = arith.index_cast %scan3A_637 : i32 to index
        %get3A_675 = arith.constant 48 : index
        %get3A_676 = tpu.vector_load %arg20[%get3A_674, %get3A_675] {strides = array<i32>} : memref<64x128xf32, #tpu.memory_space<vmem>>, vector<1x16xf32>,
        %get3A_677 = vector.shape_cast %get3A_676 : vector<1x16xf32> to vector<16xf32>
        %get3A_678 = arith.index_cast %scan3A_637 : i32 to index
        %get3A_679 = arith.constant 64 : index
        %get3A_680 = tpu.vector_load %arg20[%get3A_678, %get3A_679] {strides = array<i32>} : memref<64x128xf32, #tpu.memory_space<vmem>>, vector<1x16xf32>,
        %get3A_681 = vector.shape_cast %get3A_680 : vector<1x16xf32> to vector<16xf32>
        %get3A_682 = arith.index_cast %scan3A_637 : i32 to index
        %get3A_683 = arith.constant 80 : index
        %get3A_684 = tpu.vector_load %arg20[%get3A_682, %get3A_683] {strides = array<i32>} : memref<64x128xf32, #tpu.memory_space<vmem>>, vector<1x16xf32>,
        %get3A_685 = vector.shape_cast %get3A_684 : vector<1x16xf32> to vector<16xf32>
        %get3A_686 = arith.index_cast %scan3A_637 : i32 to index
        %get3A_687 = arith.constant 96 : index
        %get3A_688 = tpu.vector_load %arg20[%get3A_686, %get3A_687] {strides = array<i32>} : memref<64x128xf32, #tpu.memory_space<vmem>>, vector<1x16xf32>,
        %get3A_689 = vector.shape_cast %get3A_688 : vector<1x16xf32> to vector<16xf32>
        %get3A_690 = arith.index_cast %scan3A_637 : i32 to index
        %get3A_691 = arith.constant 112 : index
        %get3A_692 = tpu.vector_load %arg20[%get3A_690, %get3A_691] {strides = array<i32>} : memref<64x128xf32, #tpu.memory_space<vmem>>, vector<1x16xf32>,
        %get3A_693 = vector.shape_cast %get3A_692 : vector<1x16xf32> to vector<16xf32>
        %get3A_694 = arith.index_cast %scan3A_637 : i32 to index
        %get3A_695 = arith.constant 0 : index
        %get3A_696 = tpu.vector_load %arg21[%get3A_694, %get3A_695] {strides = array<i32>} : memref<64x128xf32, #tpu.memory_space<vmem>>, vector<1x16xf32>,
        %get3A_697 = vector.shape_cast %get3A_696 : vector<1x16xf32> to vector<16xf32>
        %get3A_698 = arith.index_cast %scan3A_637 : i32 to index
        %get3A_699 = arith.constant 16 : index
        %get3A_700 = tpu.vector_load %arg21[%get3A_698, %get3A_699] {strides = array<i32>} : memref<64x128xf32, #tpu.memory_space<vmem>>, vector<1x16xf32>,
        %get3A_701 = vector.shape_cast %get3A_700 : vector<1x16xf32> to vector<16xf32>
        %get3A_702 = arith.index_cast %scan3A_637 : i32 to index
        %get3A_703 = arith.constant 32 : index
        %get3A_704 = tpu.vector_load %arg21[%get3A_702, %get3A_703] {strides = array<i32>} : memref<64x128xf32, #tpu.memory_space<vmem>>, vector<1x16xf32>,
        %get3A_705 = vector.shape_cast %get3A_704 : vector<1x16xf32> to vector<16xf32>
        %get3A_706 = arith.index_cast %scan3A_637 : i32 to index
        %get3A_707 = arith.constant 48 : index
        %get3A_708 = tpu.vector_load %arg21[%get3A_706, %get3A_707] {strides = array<i32>} : memref<64x128xf32, #tpu.memory_space<vmem>>, vector<1x16xf32>,
        %get3A_709 = vector.shape_cast %get3A_708 : vector<1x16xf32> to vector<16xf32>
        %get3A_710 = arith.index_cast %scan3A_637 : i32 to index
        %get3A_711 = arith.constant 64 : index
        %get3A_712 = tpu.vector_load %arg21[%get3A_710, %get3A_711] {strides = array<i32>} : memref<64x128xf32, #tpu.memory_space<vmem>>, vector<1x16xf32>,
        %get3A_713 = vector.shape_cast %get3A_712 : vector<1x16xf32> to vector<16xf32>
        %get3A_714 = arith.index_cast %scan3A_637 : i32 to index
        %get3A_715 = arith.constant 80 : index
        %get3A_716 = tpu.vector_load %arg21[%get3A_714, %get3A_715] {strides = array<i32>} : memref<64x128xf32, #tpu.memory_space<vmem>>, vector<1x16xf32>,
        %get3A_717 = vector.shape_cast %get3A_716 : vector<1x16xf32> to vector<16xf32>
        %get3A_718 = arith.index_cast %scan3A_637 : i32 to index
        %get3A_719 = arith.constant 96 : index
        %get3A_720 = tpu.vector_load %arg21[%get3A_718, %get3A_719] {strides = array<i32>} : memref<64x128xf32, #tpu.memory_space<vmem>>, vector<1x16xf32>,
        %get3A_721 = vector.shape_cast %get3A_720 : vector<1x16xf32> to vector<16xf32>
        %get3A_722 = arith.index_cast %scan3A_637 : i32 to index
        %get3A_723 = arith.constant 112 : index
        %get3A_724 = tpu.vector_load %arg21[%get3A_722, %get3A_723] {strides = array<i32>} : memref<64x128xf32, #tpu.memory_space<vmem>>, vector<1x16xf32>,
        %get3A_725 = vector.shape_cast %get3A_724 : vector<1x16xf32> to vector<16xf32>
        %add3A_726 = arith.addf %get3A_665, %get3A_697 : vector<16xf32>
        %mul3A_727 = arith.mulf %add3A_661, %get3A_4 : vector<16xf32>
        %add3A_728 = arith.addf %add3A_726, %mul3A_727 : vector<16xf32>
        %max3A_729 = arith.constant 0.000000e+00 : f32
        %max3A_730 = vector.broadcast %max3A_729 : f32 to vector<16xf32>
        %max3A_731 = arith.maximumf %add3A_728, %max3A_730 : vector<16xf32>
        %add3A_732 = arith.addf %get3A_669, %get3A_701 : vector<16xf32>
        %mul3A_733 = arith.mulf %add3A_661, %get3A_7 : vector<16xf32>
        %add3A_734 = arith.addf %add3A_732, %mul3A_733 : vector<16xf32>
        %max3A_735 = arith.constant 0.000000e+00 : f32
        %max3A_736 = vector.broadcast %max3A_735 : f32 to vector<16xf32>
        %max3A_737 = arith.maximumf %add3A_734, %max3A_736 : vector<16xf32>
        %add3A_738 = arith.addf %get3A_673, %get3A_705 : vector<16xf32>
        %mul3A_739 = arith.mulf %add3A_661, %get3A_10 : vector<16xf32>
        %add3A_740 = arith.addf %add3A_738, %mul3A_739 : vector<16xf32>
        %max3A_741 = arith.constant 0.000000e+00 : f32
        %max3A_742 = vector.broadcast %max3A_741 : f32 to vector<16xf32>
        %max3A_743 = arith.maximumf %add3A_740, %max3A_742 : vector<16xf32>
        %add3A_744 = arith.addf %get3A_677, %get3A_709 : vector<16xf32>
        %mul3A_745 = arith.mulf %add3A_661, %get3A_13 : vector<16xf32>
        %add3A_746 = arith.addf %add3A_744, %mul3A_745 : vector<16xf32>
        %max3A_747 = arith.constant 0.000000e+00 : f32
        %max3A_748 = vector.broadcast %max3A_747 : f32 to vector<16xf32>
        %max3A_749 = arith.maximumf %add3A_746, %max3A_748 : vector<16xf32>
        %add3A_750 = arith.addf %get3A_681, %get3A_713 : vector<16xf32>
        %mul3A_751 = arith.mulf %add3A_661, %get3A_16 : vector<16xf32>
        %add3A_752 = arith.addf %add3A_750, %mul3A_751 : vector<16xf32>
        %max3A_753 = arith.constant 0.000000e+00 : f32
        %max3A_754 = vector.broadcast %max3A_753 : f32 to vector<16xf32>
        %max3A_755 = arith.maximumf %add3A_752, %max3A_754 : vector<16xf32>
        %add3A_756 = arith.addf %get3A_685, %get3A_717 : vector<16xf32>
        %mul3A_757 = arith.mulf %add3A_661, %get3A_19 : vector<16xf32>
        %add3A_758 = arith.addf %add3A_756, %mul3A_757 : vector<16xf32>
        %max3A_759 = arith.constant 0.000000e+00 : f32
        %max3A_760 = vector.broadcast %max3A_759 : f32 to vector<16xf32>
        %max3A_761 = arith.maximumf %add3A_758, %max3A_760 : vector<16xf32>
        %add3A_762 = arith.addf %get3A_689, %get3A_721 : vector<16xf32>
        %mul3A_763 = arith.mulf %add3A_661, %get3A_22 : vector<16xf32>
        %add3A_764 = arith.addf %add3A_762, %mul3A_763 : vector<16xf32>
        %max3A_765 = arith.constant 0.000000e+00 : f32
        %max3A_766 = vector.broadcast %max3A_765 : f32 to vector<16xf32>
        %max3A_767 = arith.maximumf %add3A_764, %max3A_766 : vector<16xf32>
        %add3A_768 = arith.addf %get3A_693, %get3A_725 : vector<16xf32>
        %mul3A_769 = arith.mulf %add3A_661, %get3A_25 : vector<16xf32>
        %add3A_770 = arith.addf %add3A_768, %mul3A_769 : vector<16xf32>
        %max3A_771 = arith.constant 0.000000e+00 : f32
        %max3A_772 = vector.broadcast %max3A_771 : f32 to vector<16xf32>
        %max3A_773 = arith.maximumf %add3A_770, %max3A_772 : vector<16xf32>
        %swap3A_774 = arith.index_cast %scan3A_637 : i32 to index
        %swap3A_775 = arith.constant 0 : index
        %swap3A_776 = tpu.vector_load %arg24[%swap3A_774, %swap3A_775] {strides = array<i32>} : memref<64x128xf32, #tpu.memory_space<vmem>>, vector<1x16xf32>,
        %swap3A_777 = vector.shape_cast %swap3A_776 : vector<1x16xf32> to vector<16xf32>
        %swap3A_778 = vector.shape_cast %max3A_731 : vector<16xf32> to vector<1x16xf32>
        tpu.vector_store %arg24[%swap3A_774, %swap3A_775], %swap3A_778 {strides = array<i32>} : memref<64x128xf32, #tpu.memory_space<vmem>>, vector<1x16xf32>,
        %swap3A_779 = arith.index_cast %scan3A_637 : i32 to index
        %swap3A_780 = arith.constant 16 : index
        %swap3A_781 = tpu.vector_load %arg24[%swap3A_779, %swap3A_780] {strides = array<i32>} : memref<64x128xf32, #tpu.memory_space<vmem>>, vector<1x16xf32>,
        %swap3A_782 = vector.shape_cast %swap3A_781 : vector<1x16xf32> to vector<16xf32>
        %swap3A_783 = vector.shape_cast %max3A_737 : vector<16xf32> to vector<1x16xf32>
        tpu.vector_store %arg24[%swap3A_779, %swap3A_780], %swap3A_783 {strides = array<i32>} : memref<64x128xf32, #tpu.memory_space<vmem>>, vector<1x16xf32>,
        %swap3A_784 = arith.index_cast %scan3A_637 : i32 to index
        %swap3A_785 = arith.constant 32 : index
        %swap3A_786 = tpu.vector_load %arg24[%swap3A_784, %swap3A_785] {strides = array<i32>} : memref<64x128xf32, #tpu.memory_space<vmem>>, vector<1x16xf32>,
        %swap3A_787 = vector.shape_cast %swap3A_786 : vector<1x16xf32> to vector<16xf32>
        %swap3A_788 = vector.shape_cast %max3A_743 : vector<16xf32> to vector<1x16xf32>
        tpu.vector_store %arg24[%swap3A_784, %swap3A_785], %swap3A_788 {strides = array<i32>} : memref<64x128xf32, #tpu.memory_space<vmem>>, vector<1x16xf32>,
        %swap3A_789 = arith.index_cast %scan3A_637 : i32 to index
        %swap3A_790 = arith.constant 48 : index
        %swap3A_791 = tpu.vector_load %arg24[%swap3A_789, %swap3A_790] {strides = array<i32>} : memref<64x128xf32, #tpu.memory_space<vmem>>, vector<1x16xf32>,
        %swap3A_792 = vector.shape_cast %swap3A_791 : vector<1x16xf32> to vector<16xf32>
        %swap3A_793 = vector.shape_cast %max3A_749 : vector<16xf32> to vector<1x16xf32>
        tpu.vector_store %arg24[%swap3A_789, %swap3A_790], %swap3A_793 {strides = array<i32>} : memref<64x128xf32, #tpu.memory_space<vmem>>, vector<1x16xf32>,
        %swap3A_794 = arith.index_cast %scan3A_637 : i32 to index
        %swap3A_795 = arith.constant 64 : index
        %swap3A_796 = tpu.vector_load %arg24[%swap3A_794, %swap3A_795] {strides = array<i32>} : memref<64x128xf32, #tpu.memory_space<vmem>>, vector<1x16xf32>,
        %swap3A_797 = vector.shape_cast %swap3A_796 : vector<1x16xf32> to vector<16xf32>
        %swap3A_798 = vector.shape_cast %max3A_755 : vector<16xf32> to vector<1x16xf32>
        tpu.vector_store %arg24[%swap3A_794, %swap3A_795], %swap3A_798 {strides = array<i32>} : memref<64x128xf32, #tpu.memory_space<vmem>>, vector<1x16xf32>,
        %swap3A_799 = arith.index_cast %scan3A_637 : i32 to index
        %swap3A_800 = arith.constant 80 : index
        %swap3A_801 = tpu.vector_load %arg24[%swap3A_799, %swap3A_800] {strides = array<i32>} : memref<64x128xf32, #tpu.memory_space<vmem>>, vector<1x16xf32>,
        %swap3A_802 = vector.shape_cast %swap3A_801 : vector<1x16xf32> to vector<16xf32>
        %swap3A_803 = vector.shape_cast %max3A_761 : vector<16xf32> to vector<1x16xf32>
        tpu.vector_store %arg24[%swap3A_799, %swap3A_800], %swap3A_803 {strides = array<i32>} : memref<64x128xf32, #tpu.memory_space<vmem>>, vector<1x16xf32>,
        %swap3A_804 = arith.index_cast %scan3A_637 : i32 to index
        %swap3A_805 = arith.constant 96 : index
        %swap3A_806 = tpu.vector_load %arg24[%swap3A_804, %swap3A_805] {strides = array<i32>} : memref<64x128xf32, #tpu.memory_space<vmem>>, vector<1x16xf32>,
        %swap3A_807 = vector.shape_cast %swap3A_806 : vector<1x16xf32> to vector<16xf32>
        %swap3A_808 = vector.shape_cast %max3A_767 : vector<16xf32> to vector<1x16xf32>
        tpu.vector_store %arg24[%swap3A_804, %swap3A_805], %swap3A_808 {strides = array<i32>} : memref<64x128xf32, #tpu.memory_space<vmem>>, vector<1x16xf32>,
        %swap3A_809 = arith.index_cast %scan3A_637 : i32 to index
        %swap3A_810 = arith.constant 112 : index
        %swap3A_811 = tpu.vector_load %arg24[%swap3A_809, %swap3A_810] {strides = array<i32>} : memref<64x128xf32, #tpu.memory_space<vmem>>, vector<1x16xf32>,
        %swap3A_812 = vector.shape_cast %swap3A_811 : vector<1x16xf32> to vector<16xf32>
        %swap3A_813 = vector.shape_cast %max3A_773 : vector<16xf32> to vector<1x16xf32>
        tpu.vector_store %arg24[%swap3A_809, %swap3A_810], %swap3A_813 {strides = array<i32>} : memref<64x128xf32, #tpu.memory_space<vmem>>, vector<1x16xf32>,
      }
      %scan3A_107 = arith.constant 64 : i32
      "tpu.region"() ({
        %run_scoped3A = tpu.sem_alloc : memref<!tpu.dma_semaphore, #tpu.memory_space<semaphore_mem>>
        %dma_start3A_108 = arith.constant 0 : i32
        %dma_start3A_109 = arith.constant 0 : i32
        %dma_start3A_110 = tpu.memref_slice %arg11[%dma_start3A_108, %dma_start3A_109] : memref<10240x128xf32, #tpu.memory_space<vmem_shared>> -> memref<10240x128xf32, #tpu.memory_space<vmem_shared>>
        tpu.enqueue_indirect_dma source(%arg24 : memref<64x128xf32, #tpu.memory_space<vmem>>) target(%dma_start3A_110 : memref<10240x128xf32, #tpu.memory_space<vmem_shared>>) offsets(%arg19 : memref<64xi32, #tpu.memory_space<vmem>>) semaphore(%run_scoped3A : memref<!tpu.dma_semaphore, #tpu.memory_space<semaphore_mem>>) {add = true}
        %dma_wait3A_111 = arith.constant 0 : i32
        %dma_wait3A_112 = arith.constant 0 : i32
        %dma_wait3A_113 = tpu.memref_slice %arg11[%dma_wait3A_111, %dma_wait3A_112] : memref<10240x128xf32, #tpu.memory_space<vmem_shared>> -> memref<10240x128xf32, #tpu.memory_space<vmem_shared>>
        tpu.wait_indirect_dma semaphore(%run_scoped3A : memref<!tpu.dma_semaphore, #tpu.memory_space<semaphore_mem>>) src(%arg24 : memref<64x128xf32, #tpu.memory_space<vmem>>) dst(%dma_wait3A_113 : memref<10240x128xf32, #tpu.memory_space<vmem_shared>>)
        tpu.yield
      }) : () -> ()
    }
    %scan3A_46 = arith.constant 80 : i32
    %barrier3A_47 = arith.constant 0 : index
    tpu.barrier barrier_id(%barrier3A_47)
    "tpu.region"() ({
      %run_scoped3A = tpu.sem_alloc : memref<!tpu.dma_semaphore, #tpu.memory_space<semaphore_mem>>
      %dma_start3A_48 = arith.constant 0 : i32
      %dma_start3A_49 = tpu.memref_slice %arg9[%arg0, %multiple_of3A, %dma_start3A_48] : memref<2x10240x128xf32, #tpu.memory_space<hbm>> -> memref<1x640x128xf32, #tpu.memory_space<hbm>>
      %dma_start3A_50 = tpu.memref_squeeze %dma_start3A_49 : memref<1x640x128xf32, #tpu.memory_space<hbm>> -> memref<640x128xf32, #tpu.memory_space<hbm>>
      %dma_start3A_51 = arith.constant 0 : i32
      %dma_start3A_52 = tpu.memref_slice %arg11[%multiple_of3A, %dma_start3A_51] : memref<10240x128xf32, #tpu.memory_space<vmem_shared>> -> memref<640x128xf32, #tpu.memory_space<vmem_shared>>
      tpu.enqueue_dma source(%dma_start3A_52 : memref<640x128xf32, #tpu.memory_space<vmem_shared>>) target(%dma_start3A_50 : memref<640x128xf32, #tpu.memory_space<hbm>>) target_semaphore(%run_scoped3A : memref<!tpu.dma_semaphore, #tpu.memory_space<semaphore_mem>>)
      %dma_wait3A = arith.constant 0 : i32
      %dma_wait3A_53 = tpu.memref_slice %arg9[%arg0, %multiple_of3A, %dma_wait3A] : memref<2x10240x128xf32, #tpu.memory_space<hbm>> -> memref<1x640x128xf32, #tpu.memory_space<hbm>>
      %dma_wait3A_54 = tpu.memref_squeeze %dma_wait3A_53 : memref<1x640x128xf32, #tpu.memory_space<hbm>> -> memref<640x128xf32, #tpu.memory_space<hbm>>
      %dma_wait3A_55 = arith.constant 0 : i32
      %dma_wait3A_56 = tpu.memref_slice %arg11[%multiple_of3A, %dma_wait3A_55] : memref<10240x128xf32, #tpu.memory_space<vmem_shared>> -> memref<640x128xf32, #tpu.memory_space<vmem_shared>>
      tpu.wait_dma2 semaphore(%run_scoped3A : memref<!tpu.dma_semaphore, #tpu.memory_space<semaphore_mem>>) src(%dma_wait3A_56 : memref<640x128xf32, #tpu.memory_space<vmem_shared>>) dst(%dma_wait3A_54 : memref<640x128xf32, #tpu.memory_space<hbm>>)
      tpu.yield
    }) : () -> ()
    return
  }
}

module attributes {stable_mosaic.version = 14 : i64} {
  func.func @_pre_body(%arg0: i32, %arg1: memref<1000x128xf32, #tpu.memory_space<vmem>>, %arg2: memref<128x128xf32, #tpu.memory_space<vmem>>, %arg3: memref<128x128xf32, #tpu.memory_space<vmem>>, %arg4: memref<1x128xf32, #tpu.memory_space<vmem>>, %arg5: memref<1000x128xf32, #tpu.memory_space<vmem>>, %arg6: memref<1000x128xf32, #tpu.memory_space<vmem>>) attributes {dimension_semantics = [#tpu.dimension_semantics<arbitrary>], iteration_bounds = array<i64: 10>, scalar_prefetch = 0 : i64, scratch_operands = 0 : i64, tpu.core_type = #tpu.core_type<tc>, window_params = [{transform_indices = @transform_0, window_bounds = array<i64: 1000, 128>}, {pipeline_mode = #tpu.pipeline_mode<synchronous>, transform_indices = @transform_1, window_bounds = array<i64: 128, 128>}, {pipeline_mode = #tpu.pipeline_mode<synchronous>, transform_indices = @transform_2, window_bounds = array<i64: 128, 128>}, {pipeline_mode = #tpu.pipeline_mode<synchronous>, transform_indices = @transform_3, window_bounds = array<i64: 1, 128>}, {transform_indices = @transform_4, window_bounds = array<i64: 1000, 128>}, {transform_indices = @transform_5, window_bounds = array<i64: 1000, 128>}]} {
    %get3A = arith.constant 0 : index
    %get3A_0 = arith.constant 0 : index
    %get3A_1 = vector.load %arg1[%get3A, %get3A_0] : memref<1000x128xf32, #tpu.memory_space<vmem>>, vector<1000x128xf32>
    %get3A_2 = arith.constant 0 : index
    %get3A_3 = arith.constant 0 : index
    %get3A_4 = vector.load %arg2[%get3A_2, %get3A_3] : memref<128x128xf32, #tpu.memory_space<vmem>>, vector<128x128xf32>
    %dot_general3A = arith.constant dense<0.000000e+00> : vector<1000x128xf32>
    %dot_general3A_5 = tpu.matmul %get3A_1, %get3A_4, %dot_general3A {dimension_numbers = #tpu.dot_dimension_numbers<[1], [1], [0], [0], [0, 0, 1, 0], [], []>, transpose_lhs_hint = false} : vector<1000x128xf32>, vector<128x128xf32>, vector<1000x128xf32> -> vector<1000x128xf32>
    %swap3A = arith.constant 0 : index
    %swap3A_6 = arith.constant 0 : index
    %swap3A_7 = vector.load %arg5[%swap3A, %swap3A_6] : memref<1000x128xf32, #tpu.memory_space<vmem>>, vector<1000x128xf32>
    tpu.vector_store %arg5[%swap3A, %swap3A_6], %dot_general3A_5 {strides = array<i32>} : memref<1000x128xf32, #tpu.memory_space<vmem>>, vector<1000x128xf32>,
    %get3A_8 = arith.constant 0 : index
    %get3A_9 = arith.constant 0 : index
    %get3A_10 = vector.load %arg3[%get3A_8, %get3A_9] : memref<128x128xf32, #tpu.memory_space<vmem>>, vector<128x128xf32>
    %dot_general3A_11 = arith.constant dense<0.000000e+00> : vector<1000x128xf32>
    %dot_general3A_12 = tpu.matmul %get3A_1, %get3A_10, %dot_general3A_11 {dimension_numbers = #tpu.dot_dimension_numbers<[1], [1], [0], [0], [0, 0, 1, 0], [], []>, transpose_lhs_hint = false} : vector<1000x128xf32>, vector<128x128xf32>, vector<1000x128xf32> -> vector<1000x128xf32>
    %get3A_13 = arith.constant 0 : index
    %get3A_14 = arith.constant 0 : index
    %get3A_15 = vector.load %arg4[%get3A_13, %get3A_14] : memref<1x128xf32, #tpu.memory_space<vmem>>, vector<1x128xf32>
    %add3A = vector.broadcast %get3A_15 : vector<1x128xf32> to vector<1000x128xf32>
    %add3A_16 = arith.addf %dot_general3A_12, %add3A : vector<1000x128xf32>
    %swap3A_17 = arith.constant 0 : index
    %swap3A_18 = arith.constant 0 : index
    %swap3A_19 = vector.load %arg6[%swap3A_17, %swap3A_18] : memref<1000x128xf32, #tpu.memory_space<vmem>>, vector<1000x128xf32>
    tpu.vector_store %arg6[%swap3A_17, %swap3A_18], %add3A_16 {strides = array<i32>} : memref<1000x128xf32, #tpu.memory_space<vmem>>, vector<1000x128xf32>,
    return
  }
  func.func @transform_0(%arg0: i32) -> (i32, i32) {
    %c0_i32 = arith.constant 0 : i32
    %c0_i32_0 = arith.constant 0 : i32
    return %arg0, %c0_i32 : i32, i32
  }
  func.func @transform_1(%arg0: i32) -> (i32, i32) {
    %c0_i32 = arith.constant 0 : i32
    %c0_i32_0 = arith.constant 0 : i32
    %c0_i32_1 = arith.constant 0 : i32
    return %c0_i32, %c0_i32_0 : i32, i32
  }
  func.func @transform_2(%arg0: i32) -> (i32, i32) {
    %c0_i32 = arith.constant 0 : i32
    %c0_i32_0 = arith.constant 0 : i32
    %c0_i32_1 = arith.constant 0 : i32
    return %c0_i32, %c0_i32_0 : i32, i32
  }
  func.func @transform_3(%arg0: i32) -> (i32, i32) {
    %c0_i32 = arith.constant 0 : i32
    %c0_i32_0 = arith.constant 0 : i32
    %c0_i32_1 = arith.constant 0 : i32
    return %c0_i32, %c0_i32_0 : i32, i32
  }
  func.func @transform_4(%arg0: i32) -> (i32, i32) {
    %c0_i32 = arith.constant 0 : i32
    %c0_i32_0 = arith.constant 0 : i32
    return %arg0, %c0_i32 : i32, i32
  }
  func.func @transform_5(%arg0: i32) -> (i32, i32) {
    %c0_i32 = arith.constant 0 : i32
    %c0_i32_0 = arith.constant 0 : i32
    return %arg0, %c0_i32 : i32, i32
  }
}

module attributes {stable_mosaic.version = 14 : i64} {
  func.func @_post_body(%arg0: i32, %arg1: memref<1000x128xf32, #tpu.memory_space<vmem>>, %arg2: memref<1000x128xf32, #tpu.memory_space<vmem>>, %arg3: memref<1000x128xf32, #tpu.memory_space<vmem>>, %arg4: memref<128x128xf32, #tpu.memory_space<vmem>>, %arg5: memref<128x128xf32, #tpu.memory_space<vmem>>, %arg6: memref<128x128xf32, #tpu.memory_space<vmem>>, %arg7: memref<1x128xf32, #tpu.memory_space<vmem>>, %arg8: memref<1000x128xf32, #tpu.memory_space<vmem>>) attributes {dimension_semantics = [#tpu.dimension_semantics<arbitrary>], iteration_bounds = array<i64: 10>, scalar_prefetch = 0 : i64, scratch_operands = 0 : i64, tpu.core_type = #tpu.core_type<tc>, window_params = [{transform_indices = @transform_0, window_bounds = array<i64: 1000, 128>}, {transform_indices = @transform_1, window_bounds = array<i64: 1000, 128>}, {transform_indices = @transform_2, window_bounds = array<i64: 1000, 128>}, {pipeline_mode = #tpu.pipeline_mode<synchronous>, transform_indices = @transform_3, window_bounds = array<i64: 128, 128>}, {pipeline_mode = #tpu.pipeline_mode<synchronous>, transform_indices = @transform_4, window_bounds = array<i64: 128, 128>}, {pipeline_mode = #tpu.pipeline_mode<synchronous>, transform_indices = @transform_5, window_bounds = array<i64: 128, 128>}, {pipeline_mode = #tpu.pipeline_mode<synchronous>, transform_indices = @transform_6, window_bounds = array<i64: 1, 128>}, {transform_indices = @transform_7, window_bounds = array<i64: 1000, 128>}]} {
    %get3A = arith.constant 0 : index
    %get3A_0 = arith.constant 0 : index
    %get3A_1 = vector.load %arg1[%get3A, %get3A_0] : memref<1000x128xf32, #tpu.memory_space<vmem>>, vector<1000x128xf32>
    %get3A_2 = arith.constant 0 : index
    %get3A_3 = arith.constant 0 : index
    %get3A_4 = vector.load %arg2[%get3A_2, %get3A_3] : memref<1000x128xf32, #tpu.memory_space<vmem>>, vector<1000x128xf32>
    %get3A_5 = arith.constant 0 : index
    %get3A_6 = arith.constant 0 : index
    %get3A_7 = vector.load %arg3[%get3A_5, %get3A_6] : memref<1000x128xf32, #tpu.memory_space<vmem>>, vector<1000x128xf32>
    %add3A = arith.addf %get3A_4, %get3A_7 : vector<1000x128xf32>
    %get3A_8 = arith.constant 0 : index
    %get3A_9 = arith.constant 0 : index
    %get3A_10 = vector.load %arg5[%get3A_8, %get3A_9] : memref<128x128xf32, #tpu.memory_space<vmem>>, vector<128x128xf32>
    %dot_general3A = arith.constant dense<0.000000e+00> : vector<1000x128xf32>
    %dot_general3A_11 = tpu.matmul %get3A_1, %get3A_10, %dot_general3A {dimension_numbers = #tpu.dot_dimension_numbers<[1], [1], [0], [0], [0, 0, 1, 0], [], []>, transpose_lhs_hint = false} : vector<1000x128xf32>, vector<128x128xf32>, vector<1000x128xf32> -> vector<1000x128xf32>
    %get3A_12 = arith.constant 0 : index
    %get3A_13 = arith.constant 0 : index
    %get3A_14 = vector.load %arg6[%get3A_12, %get3A_13] : memref<128x128xf32, #tpu.memory_space<vmem>>, vector<128x128xf32>
    %dot_general3A_15 = arith.constant dense<0.000000e+00> : vector<1000x128xf32>
    %dot_general3A_16 = tpu.matmul %add3A, %get3A_14, %dot_general3A_15 {dimension_numbers = #tpu.dot_dimension_numbers<[1], [1], [0], [0], [0, 0, 1, 0], [], []>, transpose_lhs_hint = false} : vector<1000x128xf32>, vector<128x128xf32>, vector<1000x128xf32> -> vector<1000x128xf32>
    %add3A_17 = arith.addf %dot_general3A_11, %dot_general3A_16 : vector<1000x128xf32>
    %get3A_18 = arith.constant 0 : index
    %get3A_19 = arith.constant 0 : index
    %get3A_20 = vector.load %arg7[%get3A_18, %get3A_19] : memref<1x128xf32, #tpu.memory_space<vmem>>, vector<1x128xf32>
    %add3A_21 = vector.broadcast %get3A_20 : vector<1x128xf32> to vector<1000x128xf32>
    %add3A_22 = arith.addf %add3A_17, %add3A_21 : vector<1000x128xf32>
    %get3A_23 = arith.constant 0 : index
    %get3A_24 = arith.constant 0 : index
    %get3A_25 = vector.load %arg4[%get3A_23, %get3A_24] : memref<128x128xf32, #tpu.memory_space<vmem>>, vector<128x128xf32>
    %dot_general3A_26 = arith.constant dense<0.000000e+00> : vector<1000x128xf32>
    %dot_general3A_27 = tpu.matmul %get3A_1, %get3A_25, %dot_general3A_26 {dimension_numbers = #tpu.dot_dimension_numbers<[1], [1], [0], [0], [0, 0, 1, 0], [], []>, transpose_lhs_hint = false} : vector<1000x128xf32>, vector<128x128xf32>, vector<1000x128xf32> -> vector<1000x128xf32>
    %max3A = arith.constant 0.000000e+00 : f32
    %max3A_28 = vector.broadcast %max3A : f32 to vector<1000x128xf32>
    %max3A_29 = arith.maximumf %add3A_22, %max3A_28 : vector<1000x128xf32>
    %add3A_30 = arith.addf %dot_general3A_27, %max3A_29 : vector<1000x128xf32>
    %swap3A = arith.constant 0 : index
    %swap3A_31 = arith.constant 0 : index
    %swap3A_32 = vector.load %arg8[%swap3A, %swap3A_31] : memref<1000x128xf32, #tpu.memory_space<vmem>>, vector<1000x128xf32>
    tpu.vector_store %arg8[%swap3A, %swap3A_31], %add3A_30 {strides = array<i32>} : memref<1000x128xf32, #tpu.memory_space<vmem>>, vector<1000x128xf32>,
    return
  }
  func.func @transform_0(%arg0: i32) -> (i32, i32) {
    %c0_i32 = arith.constant 0 : i32
    %c0_i32_0 = arith.constant 0 : i32
    return %arg0, %c0_i32 : i32, i32
  }
  func.func @transform_1(%arg0: i32) -> (i32, i32) {
    %c0_i32 = arith.constant 0 : i32
    %c0_i32_0 = arith.constant 0 : i32
    return %arg0, %c0_i32 : i32, i32
  }
  func.func @transform_2(%arg0: i32) -> (i32, i32) {
    %c0_i32 = arith.constant 0 : i32
    %c0_i32_0 = arith.constant 0 : i32
    return %arg0, %c0_i32 : i32, i32
  }
  func.func @transform_3(%arg0: i32) -> (i32, i32) {
    %c0_i32 = arith.constant 0 : i32
    %c0_i32_0 = arith.constant 0 : i32
    %c0_i32_1 = arith.constant 0 : i32
    return %c0_i32, %c0_i32_0 : i32, i32
  }
  func.func @transform_4(%arg0: i32) -> (i32, i32) {
    %c0_i32 = arith.constant 0 : i32
    %c0_i32_0 = arith.constant 0 : i32
    %c0_i32_1 = arith.constant 0 : i32
    return %c0_i32, %c0_i32_0 : i32, i32
  }
  func.func @transform_5(%arg0: i32) -> (i32, i32) {
    %c0_i32 = arith.constant 0 : i32
    %c0_i32_0 = arith.constant 0 : i32
    %c0_i32_1 = arith.constant 0 : i32
    return %c0_i32, %c0_i32_0 : i32, i32
  }
  func.func @transform_6(%arg0: i32) -> (i32, i32) {
    %c0_i32 = arith.constant 0 : i32
    %c0_i32_0 = arith.constant 0 : i32
    %c0_i32_1 = arith.constant 0 : i32
    return %c0_i32, %c0_i32_0 : i32, i32
  }
  func.func @transform_7(%arg0: i32) -> (i32, i32) {
    %c0_i32 = arith.constant 0 : i32
    %c0_i32_0 = arith.constant 0 : i32
    return %arg0, %c0_i32 : i32, i32
  }
}

</mosaic_0001>

<sc_bundles>
// kernel: kernel.5.cloned.1.call-start
scs
__scs_entry_jumppad:
0x0: {  	(pc) =	sbr.rel $0x88, $3  }
0x1: {  	(tag) =	ssettag $0x0;
	lr =	simm.s32 $0x1  }
0x2: {  	[smem:$0x3F99] =	sst lr;
	_ =	strace $0xD0000000  }
0x3: {  	_ = 	snop  }
0x4: {  	_ = 	snop  }
0x5: {  	_ = 	snop  }
0x6: {  	_ = 	snop  }
0x7: {  	_ = 	snop  }
__scs_overlays_trampoline_lowered:
0x8: {  	[smem:$0x3FA8] =	sst s0  }
0x9: {  	[smem:$0x3FA9] =	sst s1  }
0xa: {  	[smem:$0x3FAA] =	sst s2  }
0xb: {  	[smem:$0x3FAB] =	sst s3  }
0xc: {  	[smem:$0x3FAC] =	sst s4  }
0xd: {  	[smem:$0x3FAD] =	sst s5  }
0xe: {  	[smem:$0x3FAE] =	sst s6  }
0xf: {  	[smem:$0x3FAF] =	sst s7  }
0x10: {  	[smem:$0x3FB0] =	sst s8  }
0x11: {  	[smem:$0x3FB1] =	sst s9;
	s0 =	simm.s32 @!p0 $0x0  }
0x12: {  	s1 =	sld [smem:$0x3F97];
	s0 =	simm.s32 @p0 $0x1  }
0x13: {  	[smem:$0x3FB2] =	sst s0;
	s0 =	simm.s32 @!p1 $0x0  }
0x14: {  	s2 =	sld [smem:$0x3F96];
	s0 =	simm.s32 @p1 $0x1  }
0x15: {  	[smem:$0x3FB3] =	sst s0;
	s0 =	simm.s32 @!p2 $0x0  }
0x16: {  	s3 =	sld [smem:$0x3FDB];
	s0 =	simm.s32 @p2 $0x1  }
0x17: {  	s4 =	simm.s32 $0x1BF5;
	[smem:$0x3FB5] =	sst s0  }
0x18: {  	s0 =	sld [smem:$0x3F98];
	_ =	swait.ge [sflag:s4], $0x0  }
0x19: {  	s7 =	sld [smem:$0x3F99]  }
0x1a: {  	s8 =	sadd.s32 $0xFFFFE003, lr  }
0x1b: {  	s9 =	sadd.s32 $0xFFFFFEF7, lr;
	s5 =	simm.s32 $0xFFFFFFFF;
	p2 =	slt.u32 s8, $0xFFFFF086  }
0x1c: {  	p1 =	slt.u32 s9, $0xF7A;
	s5 =	simm.s32 @!p2 $0x0  }
0x1d: {  	s5 =	simm.s32 @p1 $0x1;
	p0 =	seq.s32 s7, s2  }
0x1e: {  	s7 =	smul.u32 @!p0 $0xF7A, s2;
	p2 =	seq.s32 @!p0 s5, $0x0  }
0x1f: {  	s9 =	smul.u32 $0xF7A, s1;
	s8 =	simm.s32 @!p0 $0x1BF5;
	p2 =	por !p2, p0  }
0x20: {  	[sflag:s8] =	ssyncset.s32 @!p0 $0xFFFFF086;
	s6 =	sadd.s32 @!p0 s3, s7;
	s7 =	simm.s32 @!p0 $0x108  }
0x21: {  	s3 =	sadd.s32 s3, s9;
	s6 =	sadd.s32 @!p0 $0x88, s6;
	s7 =	simm.s32 @p2 $0x1082  }
0x22: {  	[simem:s7], [sflag:s8] =	dma.local @!p0 [hbm:s6], $0xF7A  }
0x23: {  	s9 =	sor.u32 $0xD0000000, s2;
	s6 =	simm.s32 $0x108;
	_ =	swait.ge @!p0 [sflag:s8], $0x0  }
0x24: {  	s3 =	sadd.s32 $0x88, s3;
	s6 =	simm.s32 @!p1 $0x1082;
	[sflag:s4] =	ssyncset.s32 $0xFFFFF086  }
0x25: {  	[simem:s6], [sflag:s4] =	dma.local [hbm:s3], $0xF7A  }
0x26: {  	[smem:$0x3F99] =	sst s1;
	(tag) =	ssettag s2;
	_ =	strace s9  }
0x27: {  	s1 =	sld [smem:$0x3FA9]  }
0x28: {  	s2 =	sld [smem:$0x3FAA]  }
0x29: {  	s4 =	sld [smem:$0x3FAC]  }
0x2a: {  	p0 =	seq.s32 s5, $0x0;
	s5 =	sld [smem:$0x3FAD]  }
0x2b: {  	s6 =	sld [smem:$0x3FAE]  }
0x2c: {  	s7 =	sld [smem:$0x3FAF]  }
0x2d: {  	s3 =	simm.s32 $0x108;
	s8 =	sld [smem:$0x3FB0]  }
0x2e: {  	s3 =	simm.s32 @!p0 $0x1082;
	s9 =	sld [smem:$0x3FB1]  }
0x2f: {  	lr =	sadd.s32 s0, s3;
	s0 =	sld [smem:$0x3FA8]  }
0x30: {  	s3 =	sld [smem:$0x3FAB]  }
0x31: {  	[smem:$0x3FB4] =	sst s10  }
0x32: {  	s10 =	sld [smem:$0x3FB2];
	_ =	sdelay $0x3  }
0x33: {  	p0 =	seq.s32 s10, $0x1;
	s10 =	sld [smem:$0x3FB4];
	_ =	sdelay $0x3  }
0x34: {  	[smem:$0x3FB4] =	sst s10  }
0x35: {  	s10 =	sld [smem:$0x3FB3];
	_ =	sdelay $0x3  }
0x36: {  	p1 =	seq.s32 s10, $0x1;
	s10 =	sld [smem:$0x3FB4];
	_ =	sdelay $0x3  }
0x37: {  	[smem:$0x3FB4] =	sst s10  }
0x38: {  	s10 =	sld [smem:$0x3FB5]  }
0x39: {  	_ = 	snop;
	(pc) =	sbr.ind lr, $3  }
0x3a: {  	_ = 	snop  }
0x3b: {  	_ = 	snop  }
0x3c: {  	p2 =	seq.s32 s10, $0x1;
	s10 =	sld [smem:$0x3FB4]  }
0x3d: {  	_ =	shalt  }
0x3e: {  	_ =	shalt  }
0x3f: {  	_ =	shalt  }
0x40: {  	_ =	shalt  }
0x41: {  	_ =	shalt  }
0x42: {  	_ =	shalt  }
0x43: {  	_ =	shalt  }
0x44: {  	_ =	shalt  }
0x45: {  	_ =	shalt  }
0x46: {  	_ =	shalt  }
0x47: {  	_ =	shalt  }
0x48: {  	_ =	shalt  }
0x49: {  	_ =	shalt  }
0x4a: {  	_ =	shalt  }
0x4b: {  	_ =	shalt  }
0x4c: {  	_ =	shalt  }
0x4d: {  	_ =	shalt  }
0x4e: {  	_ =	shalt  }
0x4f: {  	_ =	shalt  }
0x50: {  	_ =	shalt  }
0x51: {  	_ =	shalt  }
0x52: {  	_ =	shalt  }
0x53: {  	_ =	shalt  }
0x54: {  	_ =	shalt  }
0x55: {  	_ =	shalt  }
0x56: {  	_ =	shalt  }
0x57: {  	_ =	shalt  }
0x58: {  	_ =	shalt  }
0x59: {  	_ =	shalt  }
0x5a: {  	_ =	shalt  }
0x5b: {  	_ =	shalt  }
0x5c: {  	_ =	shalt  }
0x5d: {  	_ =	shalt  }
0x5e: {  	_ =	shalt  }
0x5f: {  	_ =	shalt  }
0x60: {  	_ =	shalt  }
0x61: {  	_ =	shalt  }
0x62: {  	_ =	shalt  }
0x63: {  	_ =	shalt  }
0x64: {  	_ =	shalt  }
0x65: {  	_ =	shalt  }
0x66: {  	_ =	shalt  }
0x67: {  	_ =	shalt  }
0x68: {  	_ =	shalt  }
0x69: {  	_ =	shalt  }
0x6a: {  	_ =	shalt  }
0x6b: {  	_ =	shalt  }
0x6c: {  	_ =	shalt  }
0x6d: {  	_ =	shalt  }
0x6e: {  	_ =	shalt  }
0x6f: {  	_ =	shalt  }
0x70: {  	_ =	shalt  }
0x71: {  	_ =	shalt  }
0x72: {  	_ =	shalt  }
0x73: {  	_ =	shalt  }
0x74: {  	_ =	shalt  }
0x75: {  	_ =	shalt  }
0x76: {  	_ =	shalt  }
0x77: {  	_ =	shalt  }
0x78: {  	_ =	shalt  }
0x79: {  	_ =	shalt  }
0x7a: {  	_ =	shalt  }
0x7b: {  	_ =	shalt  }
0x7c: {  	_ =	shalt  }
0x7d: {  	_ =	shalt  }
0x7e: {  	_ =	shalt  }
0x7f: {  	_ =	shalt  }
0x80: {  	_ =	shalt  }
0x81: {  	_ =	shalt  }
0x82: {  	_ =	shalt  }
0x83: {  	_ =	shalt  }
0x84: {  	_ =	shalt  }
0x85: {  	_ =	shalt  }
0x86: {  	_ =	shalt  }
0x87: {  	_ =	shalt  }
.Lfunc_end0:
.L_simem_size_0:
called_computation_lowered:
.L_overlay_start_0:
0x88: {  	s2 =	sld [smem:$0x3FD9]  }
0x89: {  	s3 =	sld [smem:$0x3FFE];
	_ =	sdelay $0x1  }
0x8a: {  	s1 =	srdreg.scid  }
0x8b: {  	s0 =	sand.u32 $0x1, s1  }
0x8c: {  	s17 =	sshll.u32 s0, $0xA;
	s2 =	sadd.s32 s3, s2  }
0x8d: {  	s2 =	sadd.s32 s2, s17  }
0x8e: {  	[smem:$0x3FC0] =	sst s2  }
0x8f: {  	_ = 	snop  }
0x90: {  	s2 =	sld [smem:$0x3FD0];
	(tm) =	ssettm $0x1  }
0x91: {  	s18 =	sld [smem:$0x3FFB];
	_ =	sdelay $0x3  }
0x92: {  	_ =	strace s18  }
0x93: {  	s3 =	sld [smem:$0x3FFC];
	_ =	sdelay $0x3  }
0x94: {  	_ =	strace s3  }
0x95: {  	s3 =	sld [smem:$0x3FFD];
	_ =	sdelay $0x3  }
0x96: {  	_ =	strace s3  }
0x97: {  	_ =	strace $0x8FFFFFFF  }
0x98: {  	s19 =	sld [smem:$0x3FDB];
	_ =	sdelay $0x1  }
0x99: {  	s4 =	simm.s32 $_scs_section_size  }
0x9a: {  	s5 =	simm.s32 $_size__tile_overlayer_lowered;
	s6 =	simm.s32 $_tile_overlayer_lowered  }
0x9b: {  	s22 =	simm.s32 $0x1BFF;
	s21 =	sshll.u32 s6, $0x1;
	s3 =	sadd.s32 s4, s19  }
0x9c: {  	s7 =	simm.s32 $0x0;
	s20 =	sshll.u32 s5, $0x1;
	s5 =	sadd.s32 s21, s3  }
0x9d: {  	[timem:s7], [sflag:s22] =	dma.local [hbm:s5], s20  }
0x9e: {  	_ =	swait.ge [sflag:s22], s20  }
0x9f: {  	s4 =	ssub.s32 $0x0, s20;
	[sflag:s22] =	ssyncset.done $0x0  }
0xa0: {  	[sflag:s22] =	ssyncadd.s32 s4;
	_ =	sdelay $0x1  }
0xa1: {  	s23 =	simm.s32 $0x1B8B  }
0xa2: {  	_ =	swait.ge [sflag:s23], $0x1  }
0xa3: {  	[sflag:s23] =	ssyncset.done $0x0  }
0xa4: {  	s25 =	simm.s32 $0x1B8E;
	s24 =	sld [smem:$0x3FFE];
	[sflag:s23] =	ssyncadd.s32 $0xFFFFFFFF  }
0xa5: {  	s26 =	simm.s32 $execute0_lowered;
	[smem:$0x3FD2] =	sst s25  }
0xa6: {  	s5 =	sshll.u32 s26, $0x1;
	_ =	strace $0x80000046;
	[dreg:$0x1] =	wrdreg $0xFFFFFFFF  }
0xa7: {  	s28 =	simm.s32 $_size_execute0_lowered;
	s3 =	sadd.s32 s3, s5;
	[dreg:$0x0] =	wrdreg $0x0  }
0xa8: {  	s5 =	sshll.u32 s28, $0x1;
	[dreg:$0x2] =	wrdreg s3  }
0xa9: {  	[dreg:$0x3] =	wrdreg s5  }
0xaa: {  	[dreg:$0x4] =	wrdreg $0xC0  }
0xab: {  	_ =	task [dreg:s7], $0x5FFFF  }
0xac: {  	[dreg:$0x1] =	wrdreg $0xFFFFFFFF  }
0xad: {  	[dreg:$0x0] =	wrdreg $0x60  }
0xae: {  	[dreg:$0x2] =	wrdreg s2  }
0xaf: {  	[dreg:$0x3] =	wrdreg s24  }
0xb0: {  	[dreg:$0x4] =	wrdreg $0x800  }
0xb1: {  	[dreg:$0x5] =	wrdreg $0x9  }
0xb2: {  	_ =	task.clear_ibuf [dreg:s7], $0x6FFFF;
	_ =	strace $0x90000046  }
0xb3: {  	s29 =	simm.s32 $0x9;
	_ =	strace $0x80000048  }
0xb4: {  	_ =	swait.ge [sflag:s29], $0x1  }
0xb5: {  	[sflag:s29] =	ssyncadd.s32 $0xFFFFFFFF  }
0xb6: {  	_ =	strace $0x90000048  }
0xb7: {  	_ =	sfence  }
0xb8: {  	s30 =	sld [smem:$0x0];
	_ =	sdelay $0x2  }
0xb9: {  	s31 =	sshll.u32 s1, $0xD;
	s1 =	sshrl.u32 s1, $0x2  }
0xba: {  	s3 =	sand.u32 $0x4000, s31;
	s1 =	sadd.s32 s1, s30  }
0xbb: {  	s0 =	sor.u32 s3, s0;
	s1 =	sshll.u32 s1, $0x11  }
0xbc: {  	s0 =	sor.u32 s1, s0  }
0xbd: {  	s0 =	sadd.s32 $0x8F2B, s0  }
0xbe: {  	[sflag:s0] =	ssyncadd.remote.s32 $0x1  }
0xbf: {  	_ =	sfence.sel $0xFFFF  }
0xc0: {  	[dreg:$0x0] =	wrdreg $0xFFFFFFFF;
	(pc) =	sbr.abs _section_cstart, $3  }
0xc1: {  	[dreg:$0x1] =	wrdreg $0xFFFFFFFF  }
0xc2: {  	_ =	task.clear_ibuf [dreg:s7], $0x2FFFF;
	_ =	strace $0x9FFFFFFF  }
0xc3: {  	(tm) =	ssettm $0x7FFFFFFF  }
tec
execute0_lowered:
.L_overlay_start_1:
0x0: {  	(tag) =	ssettag $0x1  }
0x1: {  	s1 =	rddreg [dreg:$0x0]  }
0x2: {  	s0 =	rddreg [dreg:$0x1]  }
0x3: {  	s2 =	rddreg [dreg:$0x2];
	s4 =	simm.s32 $0x0;
	s14 =	stileid.u32  }
0x4: {  	s3 =	srdreg.scid;
	s19 =	simm.s32 $0x9;
	s28 =	simm.s32 $0x18900  }
0x5: {  	s29 =	simm.s32 $0x18940;
	s16 =	simm.s32 $0x8;
	s17 =	simm.s32 $0x0  }
0x6: {  	[smem:$0x7FF] =	sst s4;
	s5 =	sadd.s32 $0x1AC00, s0;
	s6 =	sadd.s32 $0x1C00, s0  }
0x7: {  	s9 =	smul.u32 $0x14000, s14;
	s3 =	sand.u32 $0x1, s3;
	s7 =	sadd.s32 $0x10C00, s0  }
0x8: {  	s8 =	sadd.s32 $0x6C00, s0;
	s11 =	sadd.s32 $0x1A00, s0;
	s12 =	sshll.u32 s14, $0x1  }
0x9: {  	s24 =	sshll.u32 s14, $0x6;
	_ =	strace $0x80000047;
	s10 =	smul.u32 $0x140000, s3  }
0xa: {  	[dreg:$0x4] =	wrdreg s11;
	s13 =	ssub.s32 $0x2, s3;
	s3 =	sor.u32 s3, s12  }
0xb: {  	s12 =	simm.s32 $0x6;
	s21 =	sshrl.u32 s9, $0x3;
	s22 =	sshrl.u32 s13, $0x1  }
0xc: {  	s3 =	smul.u32 $0x2800, s3;
	s10 =	sadd.s32 s9, s10;
	s11 =	sadd.s32 s21, s0  }
0xd: {  	s23 =	ssub.s32 s13, s22;
	s9 =	sadd.s32 s9, s2;
	s21 =	simm.s32 $0x140C0  }
0xe: {  	s22 =	simm.s32 $0x40;
	s13 =	simm.s32 $0x7;
	s10 =	sshrl.u32 s10, $0x3  }
0xf: {  	s25 =	sshrl.u32 s3, $0x3;
	s11 =	sadd.s32 $0x41E00, s11;
	s14 =	sor.u32 $0x40, s3  }
0x10: {  	s15 =	sor.u32 $0x80, s3;
	s31 =	smax.u32 s23, $0x1;
	[dreg:$0x5] =	wrdreg s11  }
0x11: {  	s3 =	sshrl.u32 s9, $0x3;
	s23 =	simm.s32 $0x1;
	[dreg:$0xa] =	wrdreg s31  }
0x12: {  	s9 =	simm.s32 $0x1D180;
	s26 =	sadd.s32 s7, s25;
	[dreg:$0xb] =	wrdreg s3  }
0x13: {  	s0 =	sadd.s32 s10, s0;
	s30 =	sadd.s32 s8, s25;
	[dreg:$0x7] =	wrdreg s26  }
0x14: {  	s11 =	sor.u32 $0x1C09, s24;
	s24 =	simm.s32 $0x2;
	[dreg:$0x8] =	wrdreg s30  }
0x15: {  	s25 =	simm.s32 $0x3;
	s0 =	sadd.s32 $0x69E00, s0;
	[dreg:$0x6] =	wrdreg s11  }
0x16: {  	v0 =	vimm.s32 $0x0;
	v1 =	vimm.s32 $0x1;
	v2 =	vimm.s32 $0x2;
	s10 =	simm.s32 $0x5;
	s26 =	simm.s32 $0x4;
	[dreg:$0x9] =	wrdreg s0  }
.LBB2_1:
0x17: {  	[dreg:$0xc] =	wrdreg s17  }
0x18: {  	s0 =	rddreg [dreg:$0x5]  }
0x19: {  	[spmem:s3], [sflag:s11] =	dma.local [hbm:s0], $0x2800  }
0x1a: {  	_ =	swait.ge [sflag:s19], $0x2800  }
0x1b: {  	[sflag:s19] =	ssyncset.done $0x0  }
0x1c: {  	s31 =	rddreg [dreg:$0x4];
	[sflag:s19] =	ssyncadd.s32 $0xFFFFD800  }
0x1d: {  	[tilespmem:s4], [sflag:$0x9] =	stream.linear.gather [hbm4b:s31+s4], $0x80, $0x38;
	[tilespmem:$0x1F180] =	vst v63  }
0x1e: {  	_ =	swait.ge [sflag:s19], $0x80  }
0x1f: {  	[sflag:s19] =	ssyncset.done $0x0  }
0x20: {  	[sflag:s19] =	ssyncadd.s32 $0xFFFFFF80  }
0x21: {  	[bflag:$0x0] =	sbarrier.arrive $0xFFFF  }
0x22: {  	v3 =	vld [tilespmem:$0x0]  }
0x23: {  	v4 =	vld [tilespmem:$0x10]  }
0x24: {  	v5 =	vld [tilespmem:$0x20]  }
0x25: {  	v6 =	vld [tilespmem:$0x30]  }
0x26: {  	v7 =	vld [tilespmem:$0x40]  }
0x27: {  	v8 =	vld [tilespmem:$0x50]  }
0x28: {  	s11 =	simm.s32 $0x14080;
	v9 =	vld [tilespmem:$0x60];
	s3 =	rddreg [dreg:$0x7]  }
0x29: {  	v10 =	vld [tilespmem:$0x70];
	[tilespmem:s11], [sflag:$0x9] =	stream.linear.gather [hbm4b:s3+s4], $0x40, $0x38  }
0x2a: {  	_ =	swait.ge [sflag:s19], $0x40  }
0x2b: {  	[sflag:s19] =	ssyncset.done $0x0  }
0x2c: {  	s17 =	rddreg [dreg:$0x8];
	[sflag:s19] =	ssyncadd.s32 $0xFFFFFFC0  }
0x2d: {  	[tilespmem:s21], [sflag:$0x9] =	stream.linear.gather [hbm4b:s17+s4], $0x40, $0x38;
	[tilespmem:$0x1F180] =	vst v63  }
0x2e: {  	_ =	swait.ge [sflag:s19], $0x40  }
0x2f: {  	[sflag:s19] =	ssyncset.done $0x0  }
0x30: {  	s18 =	simm.s32 $0x14100;
	[sflag:s19] =	ssyncadd.s32 $0xFFFFFFC0  }
0x31: {  	[tilespmem:s18], [sflag:$0x1] =	stream.indirect.gather [hbm4b:s1+s22], $0x80, s11, s22, $0xb8;
	[tilespmem:$0x1F180] =	vst v63  }
0x32: {  	s20 =	simm.s32 $0x16100  }
0x33: {  	[tilespmem:s20], [sflag:$0x2] =	stream.indirect.gather [hbm4b:s5+s22], $0x80, s21, s22, $0xb8;
	[tilespmem:$0x1F180] =	vst v63  }
0x34: {  	s30 =	simm.s32 $0x18100  }
0x35: {  	[tilespmem:s30], [sflag:$0x3] =	stream.indirect.gather [hbm4b:s6+s22], $0x10, s11, s22, $0xb8;
	[tilespmem:$0x1F180] =	vst v63  }
0x36: {  	s31 =	simm.s32 $0x18500;
	s20 =	simm.s32 $0x0  }
0x37: {  	[tilespmem:s31], [sflag:$0x4] =	stream.indirect.gather [hbm4b:s6+s22], $0x10, s21, s22, $0xb8;
	[tilespmem:$0x1F180] =	vst v63  }
.LBB2_2:
0x38: {  	s11 =	sshll.u32 s20, $0x7  }
0x39: {  	s0 =	sadd.s32 s11, s14  }
0x3a: {  	s0 =	sshrl.u32 s0, $0x3  }
0x3b: {  	s3 =	sadd.s32 s7, s0  }
0x3c: {  	[tilespmem:s28], [sflag:$0x9] =	stream.linear.gather [hbm4b:s3+s4], $0x40, $0x38;
	[tilespmem:$0x1F180] =	vst v63  }
0x3d: {  	_ =	swait.ge [sflag:s19], $0x40  }
0x3e: {  	[sflag:s19] =	ssyncset.done $0x0  }
0x3f: {  	s0 =	sadd.s32 s8, s0;
	[sflag:s19] =	ssyncadd.s32 $0xFFFFFFC0  }
0x40: {  	[tilespmem:s29], [sflag:$0x9] =	stream.linear.gather [hbm4b:s0+s4], $0x40, $0x38;
	[tilespmem:$0x1F180] =	vst v63  }
0x41: {  	_ =	swait.ge [sflag:s19], $0x40  }
0x42: {  	[sflag:s19] =	ssyncset.done $0x0  }
0x43: {  	s18 =	simm.s32 $0x18980;
	[sflag:s19] =	ssyncadd.s32 $0xFFFFFFC0  }
0x44: {  	[tilespmem:s18], [sflag:$0x5] =	stream.indirect.gather [hbm4b:s1+s22], $0x80, s28, s22, $0xb8;
	[tilespmem:$0x1F180] =	vst v63  }
0x45: {  	s3 =	simm.s32 $0x1A980  }
0x46: {  	[tilespmem:s3], [sflag:$0x6] =	stream.indirect.gather [hbm4b:s5+s22], $0x80, s29, s22, $0xb8;
	[tilespmem:$0x1F180] =	vst v63  }
0x47: {  	s17 =	simm.s32 $0x1C980  }
0x48: {  	[tilespmem:s17], [sflag:$0x7] =	stream.indirect.gather [hbm4b:s6+s22], $0x10, s28, s22, $0xb8;
	[tilespmem:$0x1F180] =	vst v63  }
0x49: {  	s18 =	simm.s32 $0x1CD80  }
0x4a: {  	[tilespmem:s18], [sflag:$0x8] =	stream.indirect.gather [hbm4b:s6+s22], $0x10, s29, s22, $0xb8;
	[tilespmem:$0x1F180] =	vst v63  }
0x4b: {  	_ =	swait.ge [sflag:s23], $0x2000  }
0x4c: {  	[sflag:s23] =	ssyncset.done $0x0  }
0x4d: {  	[sflag:s23] =	ssyncadd.s32 $0xFFFFE000  }
0x4e: {  	_ =	swait.ge [sflag:s24], $0x2000  }
0x4f: {  	[sflag:s24] =	ssyncset.done $0x0  }
0x50: {  	[sflag:s24] =	ssyncadd.s32 $0xFFFFE000  }
0x51: {  	_ =	swait.ge [sflag:s25], $0x400  }
0x52: {  	[sflag:s25] =	ssyncset.done $0x0  }
0x53: {  	[sflag:s25] =	ssyncadd.s32 $0xFFFFFC00  }
0x54: {  	s30 =	simm.s32 $0x16200;
	s31 =	simm.s32 $0x1D280;
	_ =	swait.ge [sflag:s26], $0x400  }
0x55: {  	s0 =	simm.s32 $0x18520;
	s3 =	simm.s32 $0x18120;
	[sflag:s26] =	ssyncset.done $0x0  }
0x56: {  	s17 =	simm.s32 $0x14200;
	s18 =	simm.s32 $0xFFFFFFFC;
	[sflag:s26] =	ssyncadd.s32 $0xFFFFFC00  }
.LBB2_3:
0x57: {  	v11 =	vld [tilespmem:s3+$0xFFFFFFE0]  }
0x58: {  	v12 =	vld [tilespmem:s0+$0xFFFFFFE0]  }
0x59: {  	v13 =	vld [tilespmem:s17+$0xFFFFFF00]  }
0x5a: {  	v37 =	vld [tilespmem:s17+$0xFFFFFF10]  }
0x5b: {  	v14 =	vld [tilespmem:s17+$0xFFFFFF20]  }
0x5c: {  	v15 =	vld [tilespmem:s17+$0xFFFFFF30]  }
0x5d: {  	v20 =	vld [tilespmem:s30+$0xFFFFFF00]  }
0x5e: {  	v38 =	vld [tilespmem:s30+$0xFFFFFF10];
	v11 =	vsub.f32 v11, v12  }
0x5f: {  	v21 =	vld [tilespmem:s30+$0xFFFFFF20]  }
0x60: {  	v39 =	vld [tilespmem:s30+$0xFFFFFF30];
	v11 =	vmul.f32 v11, v11  }
0x61: {  	v22 =	vld [tilespmem:s17+$0xFFFFFF60]  }
0x62: {  	v23 =	vld [tilespmem:s17+$0xFFFFFF70];
	v17 =	vperm.xlane v11, v0;
	v18 =	vperm.xlane v11, v1  }
0x63: {  	v43 =	vld [tilespmem:s30+$0xFFFFFF60]  }
0x64: {  	v45 =	vld [tilespmem:s30+$0xFFFFFF70];
	v11 =	vperm.xlane v11, v2;
	v17 =	vadd.f32 v18, v17;
	_ =	sdelay $0x1  }
0x65: {  	v11 =	vadd.f32 v11, v17  }
0x66: {  	v16 =	vld [tilespmem:s17+$0xFFFFFF40];
	v13 =	vadd.f32 v20, v13;
	v12 =	vadd.f32 v38, v37  }
0x67: {  	v19 =	vld [tilespmem:s17+$0xFFFFFF50];
	v14 =	vadd.f32 v21, v14;
	v15 =	vadd.f32 v39, v15;
	v40 =	vmul.f32 v11, v3  }
0x68: {  	v24 =	vld [tilespmem:s30+$0xFFFFFF40];
	v49 =	vadd.f32 v43, v22;
	v18 =	vadd.f32 v45, v23;
	v41 =	vmul.f32 v11, v4  }
0x69: {  	v25 =	vld [tilespmem:s30+$0xFFFFFF50];
	v42 =	vmul.f32 v11, v5;
	v44 =	vmul.f32 v11, v6;
	v13 =	vadd.f32 v13, v40  }
0x6a: {  	v46 =	vmul.f32 v11, v7;
	v47 =	vmul.f32 v11, v8;
	v12 =	vadd.f32 v12, v41  }
0x6b: {  	v50 =	vmul.f32 v11, v9;
	v14 =	vadd.f32 v14, v42;
	v13 =	vmax.f32 v13, $0.0e+00  }
0x6c: {  	v11 =	vmul.f32 v11, v10;
	v15 =	vadd.f32 v15, v44;
	v12 =	vmax.f32 v12, $0.0e+00;
	[tilespmem:s31+$0xFFFFFF00] =	vst v13  }
0x6d: {  	v16 =	vadd.f32 v24, v16;
	v52 =	vadd.f32 v49, v50;
	v14 =	vmax.f32 v14, $0.0e+00;
	[tilespmem:s31+$0xFFFFFF10] =	vst v12  }
0x6e: {  	v19 =	vadd.f32 v25, v19;
	v11 =	vadd.f32 v18, v11;
	v15 =	vmax.f32 v15, $0.0e+00;
	[tilespmem:s31+$0xFFFFFF20] =	vst v14  }
0x6f: {  	v48 =	vadd.f32 v16, v46;
	v53 =	vmax.f32 v52, $0.0e+00;
	[tilespmem:s31+$0xFFFFFF30] =	vst v15  }
0x70: {  	v51 =	vadd.f32 v19, v47;
	v11 =	vmax.f32 v11, $0.0e+00;
	[tilespmem:s31+$0xFFFFFF60] =	vst v53  }
0x71: {  	v13 =	vmax.f32 v48, $0.0e+00;
	[tilespmem:s31+$0xFFFFFF70] =	vst v11  }
0x72: {  	v12 =	vmax.f32 v51, $0.0e+00;
	[tilespmem:s31+$0xFFFFFF40] =	vst v13  }
0x73: {  	[tilespmem:s31+$0xFFFFFF50] =	vst v12  }
0x74: {  	v11 =	vld [tilespmem:s3+$0xFFFFFFF0]  }
0x75: {  	v12 =	vld [tilespmem:s0+$0xFFFFFFF0]  }
0x76: {  	v13 =	vld [tilespmem:s17+$0xFFFFFF80]  }
0x77: {  	v54 =	vld [tilespmem:s17+$0xFFFFFF90]  }
0x78: {  	v55 =	vld [tilespmem:s17+$0xFFFFFFA0]  }
0x79: {  	v15 =	vld [tilespmem:s17+$0xFFFFFFB0]  }
0x7a: {  	v60 =	vld [tilespmem:s30+$0xFFFFFF80]  }
0x7b: {  	v61 =	vld [tilespmem:s30+$0xFFFFFF90];
	v11 =	vsub.f32 v11, v12  }
0x7c: {  	v62 =	vld [tilespmem:s30+$0xFFFFFFA0]  }
0x7d: {  	v63 =	vld [tilespmem:s30+$0xFFFFFFB0];
	v11 =	vmul.f32 v11, v11  }
0x7e: {  	v28 =	vld [tilespmem:s17+$0xFFFFFFE0]  }
0x7f: {  	v29 =	vld [tilespmem:s17+$0xFFFFFFF0];
	v57 =	vperm.xlane v11, v0;
	v58 =	vperm.xlane v11, v1  }
0x80: {  	v35 =	vld [tilespmem:s30+$0xFFFFFFE0]  }
0x81: {  	v37 =	vld [tilespmem:s30+$0xFFFFFFF0];
	v11 =	vperm.xlane v11, v2;
	v17 =	vadd.f32 v58, v57;
	_ =	sdelay $0x1  }
0x82: {  	v11 =	vadd.f32 v11, v17  }
0x83: {  	v56 =	vld [tilespmem:s17+$0xFFFFFFC0];
	v13 =	vadd.f32 v60, v13;
	v12 =	vadd.f32 v61, v54  }
0x84: {  	v59 =	vld [tilespmem:s17+$0xFFFFFFD0];
	v14 =	vadd.f32 v62, v55;
	v15 =	vadd.f32 v63, v15;
	v30 =	vmul.f32 v11, v3  }
0x85: {  	v31 =	vld [tilespmem:s30+$0xFFFFFFC0];
	v41 =	vadd.f32 v35, v28;
	v18 =	vadd.f32 v37, v29;
	v32 =	vmul.f32 v11, v4  }
0x86: {  	v33 =	vld [tilespmem:s30+$0xFFFFFFD0];
	v34 =	vmul.f32 v11, v5;
	v36 =	vmul.f32 v11, v6;
	v13 =	vadd.f32 v13, v30  }
0x87: {  	v38 =	vmul.f32 v11, v7;
	v39 =	vmul.f32 v11, v8;
	v12 =	vadd.f32 v12, v32  }
0x88: {  	v42 =	vmul.f32 v11, v9;
	v14 =	vadd.f32 v14, v34;
	v13 =	vmax.f32 v13, $0.0e+00  }
0x89: {  	v11 =	vmul.f32 v11, v10;
	v15 =	vadd.f32 v15, v36;
	v12 =	vmax.f32 v12, $0.0e+00;
	[tilespmem:s31+$0xFFFFFF80] =	vst v13  }
0x8a: {  	v16 =	vadd.f32 v31, v56;
	v44 =	vadd.f32 v41, v42;
	v14 =	vmax.f32 v14, $0.0e+00;
	[tilespmem:s31+$0xFFFFFF90] =	vst v12  }
0x8b: {  	v19 =	vadd.f32 v33, v59;
	v11 =	vadd.f32 v18, v11;
	v15 =	vmax.f32 v15, $0.0e+00;
	[tilespmem:s31+$0xFFFFFFA0] =	vst v14  }
0x8c: {  	v40 =	vadd.f32 v16, v38;
	v45 =	vmax.f32 v44, $0.0e+00;
	[tilespmem:s31+$0xFFFFFFB0] =	vst v15  }
0x8d: {  	v43 =	vadd.f32 v19, v39;
	v11 =	vmax.f32 v11, $0.0e+00;
	[tilespmem:s31+$0xFFFFFFE0] =	vst v45  }
0x8e: {  	v13 =	vmax.f32 v40, $0.0e+00;
	[tilespmem:s31+$0xFFFFFFF0] =	vst v11  }
0x8f: {  	v12 =	vmax.f32 v43, $0.0e+00;
	[tilespmem:s31+$0xFFFFFFC0] =	vst v13  }
0x90: {  	[tilespmem:s31+$0xFFFFFFD0] =	vst v12  }
0x91: {  	v11 =	vld [tilespmem:s3+$0x0]  }
0x92: {  	v12 =	vld [tilespmem:s0+$0x0]  }
0x93: {  	v13 =	vld [tilespmem:s17+$0x0]  }
0x94: {  	v46 =	vld [tilespmem:s17+$0x10]  }
0x95: {  	v47 =	vld [tilespmem:s17+$0x20]  }
0x96: {  	v15 =	vld [tilespmem:s17+$0x30]  }
0x97: {  	v52 =	vld [tilespmem:s30+$0x0]  }
0x98: {  	v53 =	vld [tilespmem:s30+$0x10];
	v11 =	vsub.f32 v11, v12  }
0x99: {  	v54 =	vld [tilespmem:s30+$0x20]  }
0x9a: {  	v55 =	vld [tilespmem:s30+$0x30];
	v11 =	vmul.f32 v11, v11  }
0x9b: {  	v56 =	vld [tilespmem:s17+$0x60]  }
0x9c: {  	v57 =	vld [tilespmem:s17+$0x70];
	v49 =	vperm.xlane v11, v0;
	v50 =	vperm.xlane v11, v1  }
0x9d: {  	v63 =	vld [tilespmem:s30+$0x60]  }
0x9e: {  	v27 =	vld [tilespmem:s30+$0x70];
	v11 =	vperm.xlane v11, v2;
	v17 =	vadd.f32 v50, v49;
	_ =	sdelay $0x1  }
0x9f: {  	v11 =	vadd.f32 v11, v17  }
0xa0: {  	v48 =	vld [tilespmem:s17+$0x40];
	v13 =	vadd.f32 v52, v13;
	v12 =	vadd.f32 v53, v46  }
0xa1: {  	v51 =	vld [tilespmem:s17+$0x50];
	v14 =	vadd.f32 v54, v47;
	v15 =	vadd.f32 v55, v15;
	v58 =	vmul.f32 v11, v3  }
0xa2: {  	v59 =	vld [tilespmem:s30+$0x40];
	v31 =	vadd.f32 v63, v56;
	v18 =	vadd.f32 v27, v57;
	v60 =	vmul.f32 v11, v4  }
0xa3: {  	v61 =	vld [tilespmem:s30+$0x50];
	v62 =	vmul.f32 v11, v5;
	v26 =	vmul.f32 v11, v6;
	v13 =	vadd.f32 v13, v58  }
0xa4: {  	v28 =	vmul.f32 v11, v7;
	v29 =	vmul.f32 v11, v8;
	v12 =	vadd.f32 v12, v60  }
0xa5: {  	v32 =	vmul.f32 v11, v9;
	v14 =	vadd.f32 v14, v62;
	v13 =	vmax.f32 v13, $0.0e+00  }
0xa6: {  	v11 =	vmul.f32 v11, v10;
	v15 =	vadd.f32 v15, v26;
	v12 =	vmax.f32 v12, $0.0e+00;
	[tilespmem:s31+$0x0] =	vst v13  }
0xa7: {  	v16 =	vadd.f32 v59, v48;
	v34 =	vadd.f32 v31, v32;
	v14 =	vmax.f32 v14, $0.0e+00;
	[tilespmem:s31+$0x10] =	vst v12  }
0xa8: {  	v19 =	vadd.f32 v61, v51;
	v11 =	vadd.f32 v18, v11;
	v15 =	vmax.f32 v15, $0.0e+00;
	[tilespmem:s31+$0x20] =	vst v14  }
0xa9: {  	v30 =	vadd.f32 v16, v28;
	v35 =	vmax.f32 v34, $0.0e+00;
	[tilespmem:s31+$0x30] =	vst v15  }
0xaa: {  	v33 =	vadd.f32 v19, v29;
	v11 =	vmax.f32 v11, $0.0e+00;
	[tilespmem:s31+$0x60] =	vst v35  }
0xab: {  	v13 =	vmax.f32 v30, $0.0e+00;
	[tilespmem:s31+$0x70] =	vst v11  }
0xac: {  	v12 =	vmax.f32 v33, $0.0e+00;
	[tilespmem:s31+$0x40] =	vst v13  }
0xad: {  	[tilespmem:s31+$0x50] =	vst v12  }
0xae: {  	v11 =	vld [tilespmem:s3+$0x10]  }
0xaf: {  	v12 =	vld [tilespmem:s0+$0x10]  }
0xb0: {  	v13 =	vld [tilespmem:s17+$0x80]  }
0xb1: {  	v36 =	vld [tilespmem:s17+$0x90]  }
0xb2: {  	v37 =	vld [tilespmem:s17+$0xA0]  }
0xb3: {  	v15 =	vld [tilespmem:s17+$0xB0]  }
0xb4: {  	v42 =	vld [tilespmem:s30+$0x80]  }
0xb5: {  	v43 =	vld [tilespmem:s30+$0x90];
	v11 =	vsub.f32 v11, v12  }
0xb6: {  	v44 =	vld [tilespmem:s30+$0xA0]  }
0xb7: {  	v45 =	vld [tilespmem:s30+$0xB0];
	v11 =	vmul.f32 v11, v11  }
0xb8: {  	v46 =	vld [tilespmem:s17+$0xE0]  }
0xb9: {  	v47 =	vld [tilespmem:s17+$0xF0];
	v39 =	vperm.xlane v11, v0;
	v40 =	vperm.xlane v11, v1  }
0xba: {  	v53 =	vld [tilespmem:s30+$0xE0]  }
0xbb: {  	v55 =	vld [tilespmem:s30+$0xF0];
	v11 =	vperm.xlane v11, v2;
	v17 =	vadd.f32 v40, v39;
	_ =	sdelay $0x1  }
0xbc: {  	v11 =	vadd.f32 v11, v17  }
0xbd: {  	v38 =	vld [tilespmem:s17+$0xC0];
	v13 =	vadd.f32 v42, v13;
	v12 =	vadd.f32 v43, v36  }
0xbe: {  	v41 =	vld [tilespmem:s17+$0xD0];
	v14 =	vadd.f32 v44, v37;
	v15 =	vadd.f32 v45, v15;
	v48 =	vmul.f32 v11, v3  }
0xbf: {  	v49 =	vld [tilespmem:s30+$0xC0];
	v59 =	vadd.f32 v53, v46;
	v18 =	vadd.f32 v55, v47;
	v50 =	vmul.f32 v11, v4  }
0xc0: {  	v51 =	vld [tilespmem:s30+$0xD0];
	v52 =	vmul.f32 v11, v5;
	v54 =	vmul.f32 v11, v6;
	v13 =	vadd.f32 v13, v48  }
0xc1: {  	v56 =	vmul.f32 v11, v7;
	v57 =	vmul.f32 v11, v8;
	v12 =	vadd.f32 v12, v50  }
0xc2: {  	v60 =	vmul.f32 v11, v9;
	v14 =	vadd.f32 v14, v52;
	v13 =	vmax.f32 v13, $0.0e+00  }
0xc3: {  	v11 =	vmul.f32 v11, v10;
	v15 =	vadd.f32 v15, v54;
	v12 =	vmax.f32 v12, $0.0e+00;
	[tilespmem:s31+$0x80] =	vst v13  }
0xc4: {  	s18 =	sadd.s32 $0x4, s18;
	v16 =	vadd.f32 v49, v38;
	v62 =	vadd.f32 v59, v60;
	v14 =	vmax.f32 v14, $0.0e+00;
	[tilespmem:s31+$0x90] =	vst v12  }
0xc5: {  	p0 =	slt.u32 s18, $0x3C;
	v19 =	vadd.f32 v51, v41;
	v11 =	vadd.f32 v18, v11;
	v15 =	vmax.f32 v15, $0.0e+00;
	[tilespmem:s31+$0xA0] =	vst v14  }
.Ltmp0:
0xc6: {  	v58 =	vadd.f32 v16, v56;
	v63 =	vmax.f32 v62, $0.0e+00;
	[tilespmem:s31+$0xB0] =	vst v15;
	(pc) =	sbr.rel @p0 .LBB2_3-.Ltmp0, $4  }
0xc7: {  	v61 =	vadd.f32 v19, v57;
	v11 =	vmax.f32 v11, $0.0e+00;
	[tilespmem:s31+$0xE0] =	vst v63  }
0xc8: {  	v13 =	vmax.f32 v58, $0.0e+00;
	[tilespmem:s31+$0xF0] =	vst v11  }
0xc9: {  	s17 =	sadd.s32 $0x200, s17;
	s30 =	sadd.s32 $0x200, s30;
	v12 =	vmax.f32 v61, $0.0e+00;
	[tilespmem:s31+$0xC0] =	vst v13  }
0xca: {  	s0 =	sadd.s32 $0x40, s0;
	s3 =	sadd.s32 $0x40, s3;
	[tilespmem:s31+$0xD0] =	vst v12;
	s31 =	sadd.s32 $0x200, s31  }
0xcb: {  	[spmem:s2] =	stream.indirect.scatter.add.f32 [tilespmem:s9], [sflag:$0x9], $0x80, s21, s22, $0xb8;
	[tilespmem:$0x1F180] =	vst v63  }
0xcc: {  	p0 =	seq.s32 s20, $0x4F  }
0xcd: {  	_ =	swait.ge [sflag:s19], $0x2000;
	s0 =	sadd.s32 @!p0 s11, s15  }
0xce: {  	s11 =	simm.s32 @!p0 $0x0;
	[sflag:s19] =	ssyncset.done $0x0;
	s0 =	sshrl.u32 @!p0 s0, $0x3  }
0xcf: {  	s17 =	simm.s32 @!p0 $0x14080;
	[sflag:s19] =	ssyncadd.s32 $0xFFFFE000;
	s3 =	sadd.s32 @!p0 s7, s0  }
0xd0: {  	[tilespmem:s17], [sflag:$0x9] =	stream.linear.gather @!p0 [hbm4b:s3+s11], $0x40, $0x38;
	[tilespmem:$0x1F180] =	vst v63  }
0xd1: {  	s3 =	simm.s32 @!p0 $0x9  }
0xd2: {  	_ =	swait.ge @!p0 [sflag:s3], $0x40  }
0xd3: {  	[sflag:s3] =	ssyncset.done @!p0 $0x0  }
0xd4: {  	s18 =	simm.s32 @!p0 $0x140C0;
	s0 =	sadd.s32 @!p0 s8, s0;
	[sflag:s3] =	ssyncadd.s32 @!p0 $0xFFFFFFC0  }
0xd5: {  	[tilespmem:s18], [sflag:$0x9] =	stream.linear.gather @!p0 [hbm4b:s0+s11], $0x40, $0x38;
	[tilespmem:$0x1F180] =	vst v63  }
0xd6: {  	_ =	swait.ge @!p0 [sflag:s3], $0x40  }
0xd7: {  	[sflag:s3] =	ssyncset.done @!p0 $0x0  }
0xd8: {  	s0 =	simm.s32 @!p0 $0x40;
	[sflag:s3] =	ssyncadd.s32 @!p0 $0xFFFFFFC0;
	s3 =	simm.s32 @!p0 $0x14100  }
0xd9: {  	[tilespmem:s3], [sflag:$0x1] =	stream.indirect.gather @!p0 [hbm4b:s1+s0], $0x80, s17, s0, $0xb8;
	[tilespmem:$0x1F180] =	vst v63  }
0xda: {  	s3 =	simm.s32 @!p0 $0x16100  }
0xdb: {  	[tilespmem:s3], [sflag:$0x2] =	stream.indirect.gather @!p0 [hbm4b:s5+s0], $0x80, s18, s0, $0xb8;
	[tilespmem:$0x1F180] =	vst v63  }
0xdc: {  	s3 =	simm.s32 @!p0 $0x18100  }
0xdd: {  	[tilespmem:s3], [sflag:$0x3] =	stream.indirect.gather @!p0 [hbm4b:s6+s0], $0x10, s17, s0, $0xb8;
	[tilespmem:$0x1F180] =	vst v63  }
0xde: {  	s3 =	simm.s32 @!p0 $0x18500  }
0xdf: {  	[tilespmem:s3], [sflag:$0x4] =	stream.indirect.gather @!p0 [hbm4b:s6+s0], $0x10, s18, s0, $0xb8;
	[tilespmem:$0x1F180] =	vst v63  }
0xe0: {  	_ =	swait.ge [sflag:s10], $0x2000  }
0xe1: {  	[sflag:s10] =	ssyncset.done $0x0  }
0xe2: {  	[sflag:s10] =	ssyncadd.s32 $0xFFFFE000  }
0xe3: {  	_ =	swait.ge [sflag:s12], $0x2000  }
0xe4: {  	[sflag:s12] =	ssyncset.done $0x0  }
0xe5: {  	[sflag:s12] =	ssyncadd.s32 $0xFFFFE000  }
0xe6: {  	_ =	swait.ge [sflag:s13], $0x400  }
0xe7: {  	[sflag:s13] =	ssyncset.done $0x0  }
0xe8: {  	[sflag:s13] =	ssyncadd.s32 $0xFFFFFC00  }
0xe9: {  	s30 =	simm.s32 $0x1D280;
	s11 =	simm.s32 $0xFFFFFFFC;
	_ =	swait.ge [sflag:s16], $0x400  }
0xea: {  	s17 =	simm.s32 $0x18A80;
	s18 =	simm.s32 $0x1AA80;
	[sflag:s16] =	ssyncset.done $0x0  }
0xeb: {  	s0 =	simm.s32 $0x1CDA0;
	s3 =	simm.s32 $0x1C9A0;
	[sflag:s16] =	ssyncadd.s32 $0xFFFFFC00  }
.LBB2_5:
0xec: {  	v11 =	vld [tilespmem:s3+$0xFFFFFFE0]  }
0xed: {  	v12 =	vld [tilespmem:s0+$0xFFFFFFE0]  }
0xee: {  	v13 =	vld [tilespmem:s17+$0xFFFFFF00]  }
0xef: {  	v37 =	vld [tilespmem:s17+$0xFFFFFF10]  }
0xf0: {  	v14 =	vld [tilespmem:s17+$0xFFFFFF20]  }
0xf1: {  	v15 =	vld [tilespmem:s17+$0xFFFFFF30]  }
0xf2: {  	v20 =	vld [tilespmem:s18+$0xFFFFFF00]  }
0xf3: {  	v38 =	vld [tilespmem:s18+$0xFFFFFF10];
	v11 =	vsub.f32 v11, v12  }
0xf4: {  	v21 =	vld [tilespmem:s18+$0xFFFFFF20]  }
0xf5: {  	v39 =	vld [tilespmem:s18+$0xFFFFFF30];
	v11 =	vmul.f32 v11, v11  }
0xf6: {  	v22 =	vld [tilespmem:s17+$0xFFFFFF60]  }
0xf7: {  	v23 =	vld [tilespmem:s17+$0xFFFFFF70];
	v17 =	vperm.xlane v11, v0;
	v18 =	vperm.xlane v11, v1  }
0xf8: {  	v43 =	vld [tilespmem:s18+$0xFFFFFF60]  }
0xf9: {  	v45 =	vld [tilespmem:s18+$0xFFFFFF70];
	v11 =	vperm.xlane v11, v2;
	v17 =	vadd.f32 v18, v17;
	_ =	sdelay $0x1  }
0xfa: {  	v11 =	vadd.f32 v11, v17  }
0xfb: {  	v16 =	vld [tilespmem:s17+$0xFFFFFF40];
	v13 =	vadd.f32 v20, v13;
	v12 =	vadd.f32 v38, v37  }
0xfc: {  	v19 =	vld [tilespmem:s17+$0xFFFFFF50];
	v14 =	vadd.f32 v21, v14;
	v15 =	vadd.f32 v39, v15;
	v40 =	vmul.f32 v11, v3  }
0xfd: {  	v24 =	vld [tilespmem:s18+$0xFFFFFF40];
	v49 =	vadd.f32 v43, v22;
	v18 =	vadd.f32 v45, v23;
	v41 =	vmul.f32 v11, v4  }
0xfe: {  	v25 =	vld [tilespmem:s18+$0xFFFFFF50];
	v42 =	vmul.f32 v11, v5;
	v44 =	vmul.f32 v11, v6;
	v13 =	vadd.f32 v13, v40  }
0xff: {  	v46 =	vmul.f32 v11, v7;
	v47 =	vmul.f32 v11, v8;
	v12 =	vadd.f32 v12, v41  }
0x100: {  	v50 =	vmul.f32 v11, v9;
	v14 =	vadd.f32 v14, v42;
	v13 =	vmax.f32 v13, $0.0e+00  }
0x101: {  	v11 =	vmul.f32 v11, v10;
	v15 =	vadd.f32 v15, v44;
	v12 =	vmax.f32 v12, $0.0e+00;
	[tilespmem:s30+$0xFFFFFF00] =	vst v13  }
0x102: {  	v16 =	vadd.f32 v24, v16;
	v52 =	vadd.f32 v49, v50;
	v14 =	vmax.f32 v14, $0.0e+00;
	[tilespmem:s30+$0xFFFFFF10] =	vst v12  }
0x103: {  	v19 =	vadd.f32 v25, v19;
	v11 =	vadd.f32 v18, v11;
	v15 =	vmax.f32 v15, $0.0e+00;
	[tilespmem:s30+$0xFFFFFF20] =	vst v14  }
0x104: {  	v48 =	vadd.f32 v16, v46;
	v53 =	vmax.f32 v52, $0.0e+00;
	[tilespmem:s30+$0xFFFFFF30] =	vst v15  }
0x105: {  	v51 =	vadd.f32 v19, v47;
	v11 =	vmax.f32 v11, $0.0e+00;
	[tilespmem:s30+$0xFFFFFF60] =	vst v53  }
0x106: {  	v13 =	vmax.f32 v48, $0.0e+00;
	[tilespmem:s30+$0xFFFFFF70] =	vst v11  }
0x107: {  	v12 =	vmax.f32 v51, $0.0e+00;
	[tilespmem:s30+$0xFFFFFF40] =	vst v13  }
0x108: {  	[tilespmem:s30+$0xFFFFFF50] =	vst v12  }
0x109: {  	v11 =	vld [tilespmem:s3+$0xFFFFFFF0]  }
0x10a: {  	v12 =	vld [tilespmem:s0+$0xFFFFFFF0]  }
0x10b: {  	v13 =	vld [tilespmem:s17+$0xFFFFFF80]  }
0x10c: {  	v54 =	vld [tilespmem:s17+$0xFFFFFF90]  }
0x10d: {  	v55 =	vld [tilespmem:s17+$0xFFFFFFA0]  }
0x10e: {  	v15 =	vld [tilespmem:s17+$0xFFFFFFB0]  }
0x10f: {  	v60 =	vld [tilespmem:s18+$0xFFFFFF80]  }
0x110: {  	v61 =	vld [tilespmem:s18+$0xFFFFFF90];
	v11 =	vsub.f32 v11, v12  }
0x111: {  	v62 =	vld [tilespmem:s18+$0xFFFFFFA0]  }
0x112: {  	v63 =	vld [tilespmem:s18+$0xFFFFFFB0];
	v11 =	vmul.f32 v11, v11  }
0x113: {  	v28 =	vld [tilespmem:s17+$0xFFFFFFE0]  }
0x114: {  	v29 =	vld [tilespmem:s17+$0xFFFFFFF0];
	v57 =	vperm.xlane v11, v0;
	v58 =	vperm.xlane v11, v1  }
0x115: {  	v35 =	vld [tilespmem:s18+$0xFFFFFFE0]  }
0x116: {  	v37 =	vld [tilespmem:s18+$0xFFFFFFF0];
	v11 =	vperm.xlane v11, v2;
	v17 =	vadd.f32 v58, v57;
	_ =	sdelay $0x1  }
0x117: {  	v11 =	vadd.f32 v11, v17  }
0x118: {  	v56 =	vld [tilespmem:s17+$0xFFFFFFC0];
	v13 =	vadd.f32 v60, v13;
	v12 =	vadd.f32 v61, v54  }
0x119: {  	v59 =	vld [tilespmem:s17+$0xFFFFFFD0];
	v14 =	vadd.f32 v62, v55;
	v15 =	vadd.f32 v63, v15;
	v30 =	vmul.f32 v11, v3  }
0x11a: {  	v31 =	vld [tilespmem:s18+$0xFFFFFFC0];
	v41 =	vadd.f32 v35, v28;
	v18 =	vadd.f32 v37, v29;
	v32 =	vmul.f32 v11, v4  }
0x11b: {  	v33 =	vld [tilespmem:s18+$0xFFFFFFD0];
	v34 =	vmul.f32 v11, v5;
	v36 =	vmul.f32 v11, v6;
	v13 =	vadd.f32 v13, v30  }
0x11c: {  	v38 =	vmul.f32 v11, v7;
	v39 =	vmul.f32 v11, v8;
	v12 =	vadd.f32 v12, v32  }
0x11d: {  	v42 =	vmul.f32 v11, v9;
	v14 =	vadd.f32 v14, v34;
	v13 =	vmax.f32 v13, $0.0e+00  }
0x11e: {  	v11 =	vmul.f32 v11, v10;
	v15 =	vadd.f32 v15, v36;
	v12 =	vmax.f32 v12, $0.0e+00;
	[tilespmem:s30+$0xFFFFFF80] =	vst v13  }
0x11f: {  	v16 =	vadd.f32 v31, v56;
	v44 =	vadd.f32 v41, v42;
	v14 =	vmax.f32 v14, $0.0e+00;
	[tilespmem:s30+$0xFFFFFF90] =	vst v12  }
0x120: {  	v19 =	vadd.f32 v33, v59;
	v11 =	vadd.f32 v18, v11;
	v15 =	vmax.f32 v15, $0.0e+00;
	[tilespmem:s30+$0xFFFFFFA0] =	vst v14  }
0x121: {  	v40 =	vadd.f32 v16, v38;
	v45 =	vmax.f32 v44, $0.0e+00;
	[tilespmem:s30+$0xFFFFFFB0] =	vst v15  }
0x122: {  	v43 =	vadd.f32 v19, v39;
	v11 =	vmax.f32 v11, $0.0e+00;
	[tilespmem:s30+$0xFFFFFFE0] =	vst v45  }
0x123: {  	v13 =	vmax.f32 v40, $0.0e+00;
	[tilespmem:s30+$0xFFFFFFF0] =	vst v11  }
0x124: {  	v12 =	vmax.f32 v43, $0.0e+00;
	[tilespmem:s30+$0xFFFFFFC0] =	vst v13  }
0x125: {  	[tilespmem:s30+$0xFFFFFFD0] =	vst v12  }
0x126: {  	v11 =	vld [tilespmem:s3+$0x0]  }
0x127: {  	v12 =	vld [tilespmem:s0+$0x0]  }
0x128: {  	v13 =	vld [tilespmem:s17+$0x0]  }
0x129: {  	v46 =	vld [tilespmem:s17+$0x10]  }
0x12a: {  	v47 =	vld [tilespmem:s17+$0x20]  }
0x12b: {  	v15 =	vld [tilespmem:s17+$0x30]  }
0x12c: {  	v52 =	vld [tilespmem:s18+$0x0]  }
0x12d: {  	v53 =	vld [tilespmem:s18+$0x10];
	v11 =	vsub.f32 v11, v12  }
0x12e: {  	v54 =	vld [tilespmem:s18+$0x20]  }
0x12f: {  	v55 =	vld [tilespmem:s18+$0x30];
	v11 =	vmul.f32 v11, v11  }
0x130: {  	v56 =	vld [tilespmem:s17+$0x60]  }
0x131: {  	v57 =	vld [tilespmem:s17+$0x70];
	v49 =	vperm.xlane v11, v0;
	v50 =	vperm.xlane v11, v1  }
0x132: {  	v63 =	vld [tilespmem:s18+$0x60]  }
0x133: {  	v27 =	vld [tilespmem:s18+$0x70];
	v11 =	vperm.xlane v11, v2;
	v17 =	vadd.f32 v50, v49;
	_ =	sdelay $0x1  }
0x134: {  	v11 =	vadd.f32 v11, v17  }
0x135: {  	v48 =	vld [tilespmem:s17+$0x40];
	v13 =	vadd.f32 v52, v13;
	v12 =	vadd.f32 v53, v46  }
0x136: {  	v51 =	vld [tilespmem:s17+$0x50];
	v14 =	vadd.f32 v54, v47;
	v15 =	vadd.f32 v55, v15;
	v58 =	vmul.f32 v11, v3  }
0x137: {  	v59 =	vld [tilespmem:s18+$0x40];
	v31 =	vadd.f32 v63, v56;
	v18 =	vadd.f32 v27, v57;
	v60 =	vmul.f32 v11, v4  }
0x138: {  	v61 =	vld [tilespmem:s18+$0x50];
	v62 =	vmul.f32 v11, v5;
	v26 =	vmul.f32 v11, v6;
	v13 =	vadd.f32 v13, v58  }
0x139: {  	v28 =	vmul.f32 v11, v7;
	v29 =	vmul.f32 v11, v8;
	v12 =	vadd.f32 v12, v60  }
0x13a: {  	v32 =	vmul.f32 v11, v9;
	v14 =	vadd.f32 v14, v62;
	v13 =	vmax.f32 v13, $0.0e+00  }
0x13b: {  	v11 =	vmul.f32 v11, v10;
	v15 =	vadd.f32 v15, v26;
	v12 =	vmax.f32 v12, $0.0e+00;
	[tilespmem:s30+$0x0] =	vst v13  }
0x13c: {  	v16 =	vadd.f32 v59, v48;
	v34 =	vadd.f32 v31, v32;
	v14 =	vmax.f32 v14, $0.0e+00;
	[tilespmem:s30+$0x10] =	vst v12  }
0x13d: {  	v19 =	vadd.f32 v61, v51;
	v11 =	vadd.f32 v18, v11;
	v15 =	vmax.f32 v15, $0.0e+00;
	[tilespmem:s30+$0x20] =	vst v14  }
0x13e: {  	v30 =	vadd.f32 v16, v28;
	v35 =	vmax.f32 v34, $0.0e+00;
	[tilespmem:s30+$0x30] =	vst v15  }
0x13f: {  	v33 =	vadd.f32 v19, v29;
	v11 =	vmax.f32 v11, $0.0e+00;
	[tilespmem:s30+$0x60] =	vst v35  }
0x140: {  	v13 =	vmax.f32 v30, $0.0e+00;
	[tilespmem:s30+$0x70] =	vst v11  }
0x141: {  	v12 =	vmax.f32 v33, $0.0e+00;
	[tilespmem:s30+$0x40] =	vst v13  }
0x142: {  	[tilespmem:s30+$0x50] =	vst v12  }
0x143: {  	v11 =	vld [tilespmem:s3+$0x10]  }
0x144: {  	v12 =	vld [tilespmem:s0+$0x10]  }
0x145: {  	v13 =	vld [tilespmem:s17+$0x80]  }
0x146: {  	v36 =	vld [tilespmem:s17+$0x90]  }
0x147: {  	v37 =	vld [tilespmem:s17+$0xA0]  }
0x148: {  	v15 =	vld [tilespmem:s17+$0xB0]  }
0x149: {  	v42 =	vld [tilespmem:s18+$0x80]  }
0x14a: {  	v43 =	vld [tilespmem:s18+$0x90];
	v11 =	vsub.f32 v11, v12  }
0x14b: {  	v44 =	vld [tilespmem:s18+$0xA0]  }
0x14c: {  	v45 =	vld [tilespmem:s18+$0xB0];
	v11 =	vmul.f32 v11, v11  }
0x14d: {  	v46 =	vld [tilespmem:s17+$0xE0]  }
0x14e: {  	v47 =	vld [tilespmem:s17+$0xF0];
	v39 =	vperm.xlane v11, v0;
	v40 =	vperm.xlane v11, v1  }
0x14f: {  	v53 =	vld [tilespmem:s18+$0xE0]  }
0x150: {  	v55 =	vld [tilespmem:s18+$0xF0];
	v11 =	vperm.xlane v11, v2;
	v17 =	vadd.f32 v40, v39;
	_ =	sdelay $0x1  }
0x151: {  	v11 =	vadd.f32 v11, v17  }
0x152: {  	v38 =	vld [tilespmem:s17+$0xC0];
	v13 =	vadd.f32 v42, v13;
	v12 =	vadd.f32 v43, v36  }
0x153: {  	v41 =	vld [tilespmem:s17+$0xD0];
	v14 =	vadd.f32 v44, v37;
	v15 =	vadd.f32 v45, v15;
	v48 =	vmul.f32 v11, v3  }
0x154: {  	v49 =	vld [tilespmem:s18+$0xC0];
	v59 =	vadd.f32 v53, v46;
	v18 =	vadd.f32 v55, v47;
	v50 =	vmul.f32 v11, v4  }
0x155: {  	v51 =	vld [tilespmem:s18+$0xD0];
	v52 =	vmul.f32 v11, v5;
	v54 =	vmul.f32 v11, v6;
	v13 =	vadd.f32 v13, v48  }
0x156: {  	v56 =	vmul.f32 v11, v7;
	v57 =	vmul.f32 v11, v8;
	v12 =	vadd.f32 v12, v50  }
0x157: {  	v60 =	vmul.f32 v11, v9;
	v14 =	vadd.f32 v14, v52;
	v13 =	vmax.f32 v13, $0.0e+00  }
0x158: {  	v11 =	vmul.f32 v11, v10;
	v15 =	vadd.f32 v15, v54;
	v12 =	vmax.f32 v12, $0.0e+00;
	[tilespmem:s30+$0x80] =	vst v13  }
0x159: {  	s11 =	sadd.s32 $0x4, s11;
	v16 =	vadd.f32 v49, v38;
	v62 =	vadd.f32 v59, v60;
	v14 =	vmax.f32 v14, $0.0e+00;
	[tilespmem:s30+$0x90] =	vst v12  }
0x15a: {  	p0 =	slt.u32 s11, $0x3C;
	v19 =	vadd.f32 v51, v41;
	v11 =	vadd.f32 v18, v11;
	v15 =	vmax.f32 v15, $0.0e+00;
	[tilespmem:s30+$0xA0] =	vst v14  }
.Ltmp1:
0x15b: {  	v58 =	vadd.f32 v16, v56;
	v63 =	vmax.f32 v62, $0.0e+00;
	[tilespmem:s30+$0xB0] =	vst v15;
	(pc) =	sbr.rel @p0 .LBB2_5-.Ltmp1, $4  }
0x15c: {  	v61 =	vadd.f32 v19, v57;
	v11 =	vmax.f32 v11, $0.0e+00;
	[tilespmem:s30+$0xE0] =	vst v63  }
0x15d: {  	v13 =	vmax.f32 v58, $0.0e+00;
	[tilespmem:s30+$0xF0] =	vst v11  }
0x15e: {  	s17 =	sadd.s32 $0x200, s17;
	s18 =	sadd.s32 $0x200, s18;
	v12 =	vmax.f32 v61, $0.0e+00;
	[tilespmem:s30+$0xC0] =	vst v13  }
0x15f: {  	s0 =	sadd.s32 $0x40, s0;
	s3 =	sadd.s32 $0x40, s3;
	[tilespmem:s30+$0xD0] =	vst v12;
	s30 =	sadd.s32 $0x200, s30  }
0x160: {  	s20 =	sadd.s32 $0x1, s20  }
0x161: {  	p0 =	sne.s32 s20, $0x50  }
.Ltmp2:
0x162: {  	_ = 	snop;
	(pc) =	sbr.rel @p0 .LBB2_2-.Ltmp2, $4  }
0x163: {  	[spmem:s2] =	stream.indirect.scatter.add.f32 [tilespmem:s9], [sflag:$0x9], $0x80, s29, s22, $0xb8;
	[tilespmem:$0x1F180] =	vst v63  }
0x164: {  	_ =	swait.ge [sflag:s19], $0x2000  }
0x165: {  	[sflag:s19] =	ssyncset.done $0x0  }
0x166: {  	[sflag:s19] =	ssyncadd.s32 $0xFFFFE000  }
0x167: {  	[bflag:$0x0] =	sbarrier.arrive $0xFFFF  }
0x168: {  	s11 =	rddreg [dreg:$0x6]  }
0x169: {  	s0 =	rddreg [dreg:$0x9]  }
0x16a: {  	s3 =	rddreg [dreg:$0xb]  }
0x16b: {  	[hbm:s0], [sflag:s11] =	dma.local [spmem:s3], $0x2800  }
0x16c: {  	_ =	swait.ge [sflag:s19], $0x2800  }
0x16d: {  	s17 =	rddreg [dreg:$0xc]  }
0x16e: {  	s31 =	rddreg [dreg:$0xa];
	s17 =	sadd.s32 $0x1, s17  }
0x16f: {  	p0 =	sne.s32 s17, s31  }
.Ltmp3:
0x170: {  	_ = 	snop;
	(pc) =	sbr.rel @p0 .LBB2_1-.Ltmp3, $3  }
0x171: {  	_ =	sdelay $0x1  }
0x172: {  	[sflag:s19] =	ssyncset.done $0x0  }
0x173: {  	[sflag:s19] =	ssyncadd.s32 $0xFFFFD800  }
0x174: {  	_ =	sfence.sel $0x180000  }
0x175: {  	[bflag:$0x0] =	sbarrier.arrive $0xFFFF  }
0x176: {  	_ =	strace $0x90000047  }
0x177: {  	s0 =	stileid.u32;
	[bflag:$0x2] =	sbarrier.arrive $0xFFFF  }
0x178: {  	p0 =	sne.s32 s0, $0x0;
	s0 =	rddreg [dreg:$0x3]  }
0x179: {  	s0 =	sadd.s32 @!p0 $0x100000, s0  }
0x17a: {  	[sflag:s0] =	ssyncadd.tile.s32 @!p0 $0x1;
	_ =	shalt  }
.Lfunc_end2:
_tile_overlayer_lowered:
.L_overlay_start_2:
0x17b: {  	(tag) =	ssettag $0x2  }
0x17c: {  	s0 =	rddreg [dreg:$0x0];
	s2 =	stileid.u32  }
0x17d: {  	s1 =	rddreg [dreg:$0x1];
	p0 =	sne.s32 s2, $0x0  }
0x17e: {  	s3 =	rddreg [dreg:$0x2];
	[bflag:$0x3] =	sbarrier.arrive $0xFFFF;
	s2 =	simm.s32 @!p0 $0x1C09  }
0x17f: {  	[timem:s3], [sflag:s2] =	dma.local @!p0 [hbm:s0], s1  }
0x180: {  	s0 =	simm.s32 @!p0 $0x9  }
0x181: {  	_ =	swait.ge @!p0 [sflag:s0], s1  }
0x182: {  	s1 =	ssub.s32 @!p0 $0x0, s1;
	[sflag:s0] =	ssyncset.done @!p0 $0x0  }
0x183: {  	[sflag:s0] =	ssyncadd.s32 @!p0 s1  }
0x184: {  	[bflag:$0x3] =	sbarrier.arrive $0xFFFF  }
0x185: {  	_ =	shalt  }

</sc_bundles>
